<compile_context>
chip_gen: v7x
topology: tpu7x:2x2x1
jax: 0.10.2.dev20260603
libtpu: 0.0.44.dev20260713+nightly
codegen_flags: <defaults>
</compile_context>

<pallas_src>
import functools

import jax
import jax.numpy as jnp
from jax import lax
from jax.experimental import pallas as pl
from jax.experimental.pallas import tpu as pltpu
from jax.experimental.pallas import tpu_sc as plsc

N_NODES = 10000
D = 128
NPAD = 10240
N_REL = 6
E_TOTAL = 4 * 320000 + 2 * 40000
NW = 32
CHUNK = 128
GRP = 8
NBUF = 2
GLAG = 1 if NBUF < 4 else 2
CPTA = 404
CPTB = 264
CPT = (CPTA + CPTB) // 2
E_PAD = NW * CPT * CHUNK
NJUNK = NPAD - N_NODES
ROWS_PER_TILE = NPAD // 16
BLK = 512
NBLK = NPAD // BLK
EPS = 1e-5


def _gn_block(x, g, b):
    m = jnp.mean(x, axis=1, keepdims=True)
    v = jnp.mean((x - m) ** 2, axis=1, keepdims=True)
    return (x - m) * lax.rsqrt(v + EPS) * g + b


def _input_body(ctr_ref, ft_ref, w1c, b1c, w2c, gc, bc, w1s, b1s, w2s, gs, bs,
                out_ref):
    h = jnp.maximum(
        jnp.dot(ctr_ref[...], w1c[...], preferred_element_type=jnp.float32,
                precision=lax.Precision.HIGHEST) + b1c[...], 0.0)
    h = _gn_block(
        jnp.dot(h, w2c[...], preferred_element_type=jnp.float32,
                precision=lax.Precision.HIGHEST), gc[...], bc[...])
    s = jnp.maximum(
        jnp.dot(ft_ref[...], w1s[...], preferred_element_type=jnp.float32,
                precision=lax.Precision.HIGHEST) + b1s[...], 0.0)
    s = _gn_block(
        jnp.dot(s, w2s[...], preferred_element_type=jnp.float32,
                precision=lax.Precision.HIGHEST), gs[...], bs[...])
    out_ref[...] = jnp.maximum(h + s, 0.0)


def _input_stage(ctrs_p, feats_p, w1c, b1c, w2c, gc, bc, w1s, b1s, w2s, gs, bs):
    full = lambda shape: pl.BlockSpec(shape, lambda j: (0,) * len(shape))
    return pl.pallas_call(
        _input_body,
        grid=(NBLK,),
        in_specs=[
            pl.BlockSpec((BLK, 2), lambda j: (j, 0)),
            pl.BlockSpec((BLK, 2), lambda j: (j, 0)),
            full((2, D)), full((1, D)), full((D, D)), full((1, D)), full((1, D)),
            full((2, D)), full((1, D)), full((D, D)), full((1, D)), full((1, D)),
        ],
        out_specs=pl.BlockSpec((BLK, D), lambda j: (j, 0)),
        out_shape=jax.ShapeDtypeStruct((NPAD, D), jnp.float32),
    )(ctrs_p, feats_p, w1c, b1c, w2c, gc, bc, w1s, b1s, w2s, gs, bs)


def _yall_body(feat_ref, w_ref, out_ref):
    out_ref[0] = jnp.dot(feat_ref[...], w_ref[0],
                         preferred_element_type=jnp.float32,
                         precision=lax.Precision.HIGHEST)


def _yall_stage(feat, wt6):
    return pl.pallas_call(
        _yall_body,
        grid=(N_REL, NBLK),
        in_specs=[
            pl.BlockSpec((BLK, D), lambda r, j: (j, 0)),
            pl.BlockSpec((1, D, D), lambda r, j: (r, 0, 0)),
        ],
        out_specs=pl.BlockSpec((1, BLK, D), lambda r, j: (r, j, 0)),
        out_shape=jax.ShapeDtypeStruct((N_REL, NPAD, D), jnp.float32),
    )(feat, wt6)


def _sc_edge_body(ytab, ucat, vcat, zeros, out,
                  acc, vidx_a, uidx_a, vidx_b, uidx_b, rows_a, rows_b,
                  sem_a, sem_b):
    c = lax.axis_index("c")
    s = lax.axis_index("s")
    r0 = s * ROWS_PER_TILE
    pltpu.sync_copy(zeros.at[pl.ds(r0, ROWS_PER_TILE)],
                    acc.at[pl.ds(r0, ROWS_PER_TILE)])
    plsc.subcore_barrier()

    my_cpt = lax.select(c == 0, CPTA, CPTB)
    ebase = pl.multiple_of(
        (lax.select(c == 0, s * CPTA, 16 * CPTA + s * CPTB)) * CHUNK, CHUNK)
    pltpu.sync_copy(vcat.at[pl.ds(ebase, CHUNK)], vidx_a)
    pltpu.sync_copy(ucat.at[pl.ds(ebase, CHUNK)], uidx_a)
    pltpu.async_copy(ytab.at[vidx_a], rows_a, sem_a)

    def chunk_step(k, vidx, uidx, rows, sem, vidx_n, uidx_n, rows_n, sem_n):
        @pl.when(k + 1 < my_cpt)
        def _():
            off = pl.multiple_of(ebase + (k + 1) * CHUNK, CHUNK)
            pltpu.sync_copy(vcat.at[pl.ds(off, CHUNK)], vidx_n)
            pltpu.sync_copy(ucat.at[pl.ds(off, CHUNK)], uidx_n)
            pltpu.async_copy(ytab.at[vidx_n], rows_n, sem_n)
        pltpu.make_async_copy(ytab.at[vidx], rows, sem).wait()
        pltpu.sync_copy(rows, acc.at[uidx], add=True)

    def outer(j, carry):
        chunk_step(2 * j, vidx_a, uidx_a, rows_a, sem_a,
                   vidx_b, uidx_b, rows_b, sem_b)
        chunk_step(2 * j + 1, vidx_b, uidx_b, rows_b, sem_b,
                   vidx_a, uidx_a, rows_a, sem_a)
        return carry

    lax.fori_loop(0, my_cpt // 2, outer, 0)

    plsc.subcore_barrier()
    pltpu.sync_copy(acc.at[pl.ds(r0, ROWS_PER_TILE)],
                    out.at[c, pl.ds(r0, ROWS_PER_TILE)])


@functools.cache
def _get_sc_kernel():
    return pl.kernel(
        _sc_edge_body,
        out_type=jax.ShapeDtypeStruct((2, NPAD, D), jnp.float32),
        mesh=plsc.VectorSubcoreMesh(core_axis_name="c", subcore_axis_name="s",
                                    num_cores=2, num_subcores=16),
        scratch_types=(
            [pltpu.VMEM_SHARED((NPAD, D), jnp.float32)]
            + [pltpu.VMEM((CHUNK,), jnp.int32)] * 4
            + [pltpu.VMEM((CHUNK, D), jnp.float32)] * 2
            + [pltpu.SemaphoreType.DMA] * 2
        ),
    )


def _sc_edge_stage(ytab, ucat, vcat, zeros):
    return _get_sc_kernel()(ytab, ucat, vcat, zeros)


def _norm_body(feat_ref, p_ref, wctr, g1, b1, wc2, g2, b2, out_ref):
    f = feat_ref[...]
    temp = jnp.dot(f, wctr[...], preferred_element_type=jnp.float32,
                   precision=lax.Precision.HIGHEST) + p_ref[0] + p_ref[1]
    t = jnp.maximum(_gn_block(temp, g1[...], b1[...]), 0.0)
    t = _gn_block(
        jnp.dot(t, wc2[...], preferred_element_type=jnp.float32,
                precision=lax.Precision.HIGHEST), g2[...], b2[...])
    out_ref[...] = jnp.maximum(t + f, 0.0)


def _norm_stage(feat, partials, wctr_t, g1, b1, wc2_t, g2, b2):
    full = lambda shape: pl.BlockSpec(shape, lambda j: (0,) * len(shape))
    return pl.pallas_call(
        _norm_body,
        grid=(NBLK,),
        in_specs=[
            pl.BlockSpec((BLK, D), lambda j: (j, 0)),
            pl.BlockSpec((2, BLK, D), lambda j: (0, j, 0)),
            full((D, D)), full((1, D)), full((1, D)),
            full((D, D)), full((1, D)), full((1, D)),
        ],
        out_specs=pl.BlockSpec((BLK, D), lambda j: (j, 0)),
        out_shape=jax.ShapeDtypeStruct((NPAD, D), jnp.float32),
    )(feat, partials, wctr_t, g1, b1, wc2_t, g2, b2)


def kernel(feats, ctrs, pre0_u, pre0_v, pre1_u, pre1_v, suc0_u, suc0_v,
           suc1_u, suc1_v, left_u, left_v, right_u, right_v, W_in1, b_in1,
           W_in2, g_in, be_in, W_seg1, b_seg1, W_seg2, g_seg, be_seg, W_ctr,
           W_pre, W_suc, W_left, W_right, g_norm, be_norm, W_ctr2, g_ctr2,
           be_ctr2):
    f32 = jnp.float32
    row = lambda x: x.reshape(1, D).astype(f32)

    ctrs_p = jnp.zeros((NPAD, 2), f32).at[:N_NODES].set(ctrs)
    feats_p = jnp.zeros((NPAD, 2), f32).at[:N_NODES].set(feats)

    feat = _input_stage(
        ctrs_p, feats_p,
        W_in1.T.astype(f32), row(b_in1), W_in2.T.astype(f32), row(g_in),
        row(be_in),
        W_seg1.T.astype(f32), row(b_seg1), W_seg2.T.astype(f32), row(g_seg),
        row(be_seg))

    dummy_u = (N_NODES
               + jnp.arange(E_PAD - E_TOTAL, dtype=jnp.int32) % NJUNK)
    uc = jnp.concatenate(
        [pre0_u.astype(jnp.int32), pre1_u.astype(jnp.int32),
         suc0_u.astype(jnp.int32), suc1_u.astype(jnp.int32),
         left_u.astype(jnp.int32), right_u.astype(jnp.int32), dummy_u])
    vc = jnp.concatenate([
        pre0_v, pre1_v + NPAD, suc0_v + 2 * NPAD, suc1_v + 3 * NPAD,
        left_v + 4 * NPAD, right_v + 5 * NPAD,
        jnp.zeros((E_PAD - E_TOTAL,), jnp.int32)]).astype(jnp.int32)

    wt6 = jnp.stack([W_pre[:, 0], W_pre[:, 1], W_suc[:, 0], W_suc[:, 1],
                     W_left, W_right], axis=1).swapaxes(-1, -2)
    wctr_t = W_ctr.swapaxes(-1, -2)
    wc2_t = W_ctr2.swapaxes(-1, -2)

    zeros = jnp.zeros((NPAD, D), f32)

    for i in range(4):
        yall = _yall_stage(feat, wt6[i])
        parts = _sc_edge_stage(yall.reshape(N_REL * NPAD, D), uc, vc, zeros)
        feat = _norm_stage(feat, parts, wctr_t[i],
                           row(g_norm[i]), row(be_norm[i]), wc2_t[i],
                           row(g_ctr2[i]), row(be_ctr2[i]))

    return feat[:N_NODES]

# --- scband reference (transcript-rebuilt; emitter-appended) ---
"""Pipeline reference for scband-map-net-behavior-5738076307532 (READ-ONLY COPY).

The authoritative reference and input builder live on the scoring server;
editing this copy changes nothing except your own understanding.
"""

import jax, jax.numpy as jnp
import numpy as np

N_MAP = 128
N_NODES = 10000
E_MAIN = 320000
E_SIDE = 40000
N_FUSE = 4
NUM_SCALES = 2


def _gn(x, g, b, eps=1e-5):
    # GroupNorm with num_groups=1 over channel dim for [N, C] input
    m = jnp.mean(x, axis=1, keepdims=True)
    v = jnp.mean((x - m) ** 2, axis=1, keepdims=True)
    return (x - m) / jnp.sqrt(v + eps) * g + b


def setup_inputs(seed: int = 0):
    key = jax.random.key(seed)
    ks = jax.random.split(key, 40)
    d = {}
    d['feats'] = jax.random.normal(ks[0], (N_NODES, 2), jnp.float32)
    d['ctrs'] = jax.random.normal(ks[1], (N_NODES, 2), jnp.float32)
    names = [('pre0', E_MAIN), ('pre1', E_MAIN), ('suc0', E_MAIN), ('suc1', E_MAIN), ('left', E_SIDE), ('right', E_SIDE)]
    j = 2
    for nm, e in names:
        d[nm + '_u'] = jax.random.randint(ks[j], (e,), 0, N_NODES); j += 1
        d[nm + '_v'] = jax.random.randint(ks[j], (e,), 0, N_NODES); j += 1
    def w(k, shape, scale=0.05):
        return jax.random.normal(k, shape, jnp.float32) * scale
    d['W_in1'] = w(ks[j], (N_MAP, 2), 0.5); j += 1
    d['b_in1'] = jnp.zeros((N_MAP,), jnp.float32)
    d['W_in2'] = w(ks[j], (N_MAP, N_MAP)); j += 1
    d['g_in'] = jnp.ones((N_MAP,), jnp.float32)
    d['be_in'] = jnp.zeros((N_MAP,), jnp.float32)
    d['W_seg1'] = w(ks[j], (N_MAP, 2), 0.5); j += 1
    d['b_seg1'] = jnp.zeros((N_MAP,), jnp.float32)
    d['W_seg2'] = w(ks[j], (N_MAP, N_MAP)); j += 1
    d['g_seg'] = jnp.ones((N_MAP,), jnp.float32)
    d['be_seg'] = jnp.zeros((N_MAP,), jnp.float32)
    d['W_ctr'] = w(ks[j], (N_FUSE, N_MAP, N_MAP)); j += 1
    d['W_pre'] = w(ks[j], (N_FUSE, NUM_SCALES, N_MAP, N_MAP)); j += 1
    d['W_suc'] = w(ks[j], (N_FUSE, NUM_SCALES, N_MAP, N_MAP)); j += 1
    d['W_left'] = w(ks[j], (N_FUSE, N_MAP, N_MAP)); j += 1
    d['W_right'] = w(ks[j], (N_FUSE, N_MAP, N_MAP)); j += 1
    d['g_norm'] = jnp.ones((N_FUSE, N_MAP), jnp.float32)
    d['be_norm'] = jnp.zeros((N_FUSE, N_MAP), jnp.float32)
    d['W_ctr2'] = w(ks[j], (N_FUSE, N_MAP, N_MAP)); j += 1
    d['g_ctr2'] = jnp.ones((N_FUSE, N_MAP), jnp.float32)
    d['be_ctr2'] = jnp.zeros((N_FUSE, N_MAP), jnp.float32)
    return d


def reference(feats, ctrs, pre0_u, pre0_v, pre1_u, pre1_v, suc0_u, suc0_v, suc1_u, suc1_v, left_u, left_v, right_u, right_v, W_in1, b_in1, W_in2, g_in, be_in, W_seg1, b_seg1, W_seg2, g_seg, be_seg, W_ctr, W_pre, W_suc, W_left, W_right, g_norm, be_norm, W_ctr2, g_ctr2, be_ctr2):
    # input branch: Linear(2,n)+ReLU -> Linear(n,n,bias=False)+GN(1,n)
    h = jax.nn.relu(ctrs @ W_in1.T + b_in1)
    h = _gn(h @ W_in2.T, g_in, be_in)
    # seg branch on feats
    s = jax.nn.relu(feats @ W_seg1.T + b_seg1)
    s = _gn(s @ W_seg2.T, g_seg, be_seg)
    feat = jax.nn.relu(h + s)
    res = feat
    pre_uv = [(pre0_u, pre0_v), (pre1_u, pre1_v)]
    suc_uv = [(suc0_u, suc0_v), (suc1_u, suc1_v)]
    for i in range(N_FUSE):
        temp = feat @ W_ctr[i].T
        for sc in range(NUM_SCALES):
            u, v = pre_uv[sc]
            temp = temp.at[u].add(feat[v] @ W_pre[i, sc].T)
            u, v = suc_uv[sc]
            temp = temp.at[u].add(feat[v] @ W_suc[i, sc].T)
        temp = temp.at[left_u].add(feat[left_v] @ W_left[i].T)
        temp = temp.at[right_u].add(feat[right_v] @ W_right[i].T)
        feat = jax.nn.relu(_gn(temp, g_norm[i], be_norm[i]))
        feat = _gn(feat @ W_ctr2[i].T, g_ctr2[i], be_ctr2[i])
        feat = jax.nn.relu(feat + res)
        res = feat
    return feat

if __name__ == "__main__":
    import jax
    _d = setup_inputs()
    print(jax.jit(kernel)(*tuple(_d.values())))

</pallas_src>

<mosaic_0001>
#map = affine_map<(d0, d1) -> (0, 0)>
#map1 = affine_map<(d0, d1) -> (0)>
#map2 = affine_map<(d0, d1) -> (0, 0, 0)>
module attributes {stable_mosaic.version = 14 : i64} {
  func.func @_sc_edge_body(%arg0: i32, %arg1: i32, %arg2: memref<61440x128xf32, #tpu.memory_space<hbm>>, %arg3: memref<1368064xi32, #tpu.memory_space<hbm>>, %arg4: memref<1368064xi32, #tpu.memory_space<hbm>>, %arg5: memref<10240x128xf32, #tpu.memory_space<hbm>>, %arg6: memref<2x10240x128xf32, #tpu.memory_space<hbm>>, %arg7: memref<10240x128xf32, #tpu.memory_space<vmem_shared>>, %arg8: memref<128xi32, #tpu.memory_space<vmem>>, %arg9: memref<128xi32, #tpu.memory_space<vmem>>, %arg10: memref<128xi32, #tpu.memory_space<vmem>>, %arg11: memref<128xi32, #tpu.memory_space<vmem>>, %arg12: memref<128x128xf32, #tpu.memory_space<vmem>>, %arg13: memref<128x128xf32, #tpu.memory_space<vmem>>, %arg14: memref<!tpu.dma_semaphore, #tpu.memory_space<semaphore_mem>>, %arg15: memref<!tpu.dma_semaphore, #tpu.memory_space<semaphore_mem>>) attributes {dimension_semantics = [#tpu.dimension_semantics<core_parallel>, #tpu.dimension_semantics<subcore_parallel>], iteration_bounds = array<i64: 2, 16>, scalar_prefetch = 0 : i64, scratch_operands = 9 : i64, tpu.core_type = #tpu.core_type<sc_vector_subcore>, window_params = [{transform_indices = #map}, {transform_indices = #map1}, {transform_indices = #map1}, {transform_indices = #map}, {transform_indices = #map2}]} {
    %mul3A = arith.constant 640 : i32
    %mul3A_0 = arith.muli %arg1, %mul3A : i32
    "tpu.region"() ({
      %run_scoped3A = tpu.sem_alloc : memref<!tpu.dma_semaphore, #tpu.memory_space<semaphore_mem>>
      %dma_start3A_43 = arith.constant 0 : i32
      %dma_start3A_44 = tpu.memref_slice %arg7[%mul3A_0, %dma_start3A_43] : memref<10240x128xf32, #tpu.memory_space<vmem_shared>> -> memref<640x128xf32, #tpu.memory_space<vmem_shared>>
      %dma_start3A_45 = arith.constant 0 : i32
      %dma_start3A_46 = tpu.memref_slice %arg5[%mul3A_0, %dma_start3A_45] : memref<10240x128xf32, #tpu.memory_space<hbm>> -> memref<640x128xf32, #tpu.memory_space<hbm>>
      tpu.enqueue_dma source(%dma_start3A_46 : memref<640x128xf32, #tpu.memory_space<hbm>>) target(%dma_start3A_44 : memref<640x128xf32, #tpu.memory_space<vmem_shared>>) target_semaphore(%run_scoped3A : memref<!tpu.dma_semaphore, #tpu.memory_space<semaphore_mem>>)
      %dma_wait3A = arith.constant 0 : i32
      %dma_wait3A_47 = tpu.memref_slice %arg7[%mul3A_0, %dma_wait3A] : memref<10240x128xf32, #tpu.memory_space<vmem_shared>> -> memref<640x128xf32, #tpu.memory_space<vmem_shared>>
      %dma_wait3A_48 = arith.constant 0 : i32
      %dma_wait3A_49 = tpu.memref_slice %arg5[%mul3A_0, %dma_wait3A_48] : memref<10240x128xf32, #tpu.memory_space<hbm>> -> memref<640x128xf32, #tpu.memory_space<hbm>>
      tpu.wait_dma2 semaphore(%run_scoped3A : memref<!tpu.dma_semaphore, #tpu.memory_space<semaphore_mem>>) src(%dma_wait3A_49 : memref<640x128xf32, #tpu.memory_space<hbm>>) dst(%dma_wait3A_47 : memref<640x128xf32, #tpu.memory_space<vmem_shared>>)
      tpu.yield
    }) : () -> ()
    %barrier3A = arith.constant 0 : index
    tpu.barrier barrier_id(%barrier3A)
    %eq3A = arith.constant 0 : i32
    %eq3A_1 = arith.cmpi eq, %arg0, %eq3A : i32
    %select_n3A = arith.constant 264 : i32
    %select_n3A_2 = arith.constant 404 : i32
    %select_n3A_3 = arith.select %eq3A_1, %select_n3A_2, %select_n3A : i32
    %eq3A_4 = arith.constant 0 : i32
    %eq3A_5 = arith.cmpi eq, %arg0, %eq3A_4 : i32
    %mul3A_6 = arith.constant 404 : i32
    %mul3A_7 = arith.muli %arg1, %mul3A_6 : i32
    %mul3A_8 = arith.constant 264 : i32
    %mul3A_9 = arith.muli %arg1, %mul3A_8 : i32
    %add3A = arith.constant 6464 : i32
    %add3A_10 = arith.addi %add3A, %mul3A_9 : i32
    %select_n3A_11 = arith.select %eq3A_5, %mul3A_7, %add3A_10 : i32
    %mul3A_12 = arith.constant 128 : i32
    %mul3A_13 = arith.muli %select_n3A_11, %mul3A_12 : i32
    %multiple_of3A = tpu.assume_multiple %mul3A_13, 128 : i32
    "tpu.region"() ({
      %run_scoped3A = tpu.sem_alloc : memref<!tpu.dma_semaphore, #tpu.memory_space<semaphore_mem>>
      %dma_start3A_43 = tpu.memref_slice %arg4[%multiple_of3A] : memref<1368064xi32, #tpu.memory_space<hbm>> -> memref<128xi32, #tpu.memory_space<hbm>>
      %dma_start3A_44 = tpu.memref_slice %arg4[%multiple_of3A] : memref<1368064xi32, #tpu.memory_space<hbm>> -> memref<128xi32, #tpu.memory_space<hbm>>
      tpu.enqueue_dma source(%dma_start3A_44 : memref<128xi32, #tpu.memory_space<hbm>>) target(%arg8 : memref<128xi32, #tpu.memory_space<vmem>>) target_semaphore(%run_scoped3A : memref<!tpu.dma_semaphore, #tpu.memory_space<semaphore_mem>>)
      %dma_wait3A = tpu.memref_slice %arg4[%multiple_of3A] : memref<1368064xi32, #tpu.memory_space<hbm>> -> memref<128xi32, #tpu.memory_space<hbm>>
      %dma_wait3A_45 = tpu.memref_slice %arg4[%multiple_of3A] : memref<1368064xi32, #tpu.memory_space<hbm>> -> memref<128xi32, #tpu.memory_space<hbm>>
      tpu.wait_dma2 semaphore(%run_scoped3A : memref<!tpu.dma_semaphore, #tpu.memory_space<semaphore_mem>>) src(%dma_wait3A_45 : memref<128xi32, #tpu.memory_space<hbm>>) dst(%arg8 : memref<128xi32, #tpu.memory_space<vmem>>)
      tpu.yield
    }) : () -> ()
    "tpu.region"() ({
      %run_scoped3A = tpu.sem_alloc : memref<!tpu.dma_semaphore, #tpu.memory_space<semaphore_mem>>
      %dma_start3A_43 = tpu.memref_slice %arg3[%multiple_of3A] : memref<1368064xi32, #tpu.memory_space<hbm>> -> memref<128xi32, #tpu.memory_space<hbm>>
      %dma_start3A_44 = tpu.memref_slice %arg3[%multiple_of3A] : memref<1368064xi32, #tpu.memory_space<hbm>> -> memref<128xi32, #tpu.memory_space<hbm>>
      tpu.enqueue_dma source(%dma_start3A_44 : memref<128xi32, #tpu.memory_space<hbm>>) target(%arg9 : memref<128xi32, #tpu.memory_space<vmem>>) target_semaphore(%run_scoped3A : memref<!tpu.dma_semaphore, #tpu.memory_space<semaphore_mem>>)
      %dma_wait3A = tpu.memref_slice %arg3[%multiple_of3A] : memref<1368064xi32, #tpu.memory_space<hbm>> -> memref<128xi32, #tpu.memory_space<hbm>>
      %dma_wait3A_45 = tpu.memref_slice %arg3[%multiple_of3A] : memref<1368064xi32, #tpu.memory_space<hbm>> -> memref<128xi32, #tpu.memory_space<hbm>>
      tpu.wait_dma2 semaphore(%run_scoped3A : memref<!tpu.dma_semaphore, #tpu.memory_space<semaphore_mem>>) src(%dma_wait3A_45 : memref<128xi32, #tpu.memory_space<hbm>>) dst(%arg9 : memref<128xi32, #tpu.memory_space<vmem>>)
      tpu.yield
    }) : () -> ()
    %dma_start3A = arith.constant 0 : i32
    %dma_start3A_14 = arith.constant 0 : i32
    %dma_start3A_15 = tpu.memref_slice %arg2[%dma_start3A, %dma_start3A_14] : memref<61440x128xf32, #tpu.memory_space<hbm>> -> memref<61440x128xf32, #tpu.memory_space<hbm>>
    tpu.enqueue_indirect_dma source(%dma_start3A_15 : memref<61440x128xf32, #tpu.memory_space<hbm>>) target(%arg12 : memref<128x128xf32, #tpu.memory_space<vmem>>) offsets(%arg8 : memref<128xi32, #tpu.memory_space<vmem>>) semaphore(%arg14 : memref<!tpu.dma_semaphore, #tpu.memory_space<semaphore_mem>>)
    %jit3A = arith.constant 2 : i32
    %div3A = arith.divsi %select_n3A_3, %jit3A : i32
    %sign3A = arith.constant 0 : i32
    %sign3A_16 = arith.cmpi sgt, %select_n3A_3, %sign3A : i32
    %sign3A_17 = arith.extui %sign3A_16 : i1 to i32
    %sign3A_18 = arith.constant 0 : i32
    %sign3A_19 = arith.cmpi slt, %select_n3A_3, %sign3A_18 : i32
    %sign3A_20 = arith.extui %sign3A_19 : i1 to i32
    %sign3A_21 = arith.subi %sign3A_17, %sign3A_20 : i32
    %sign3A_22 = arith.constant 0 : i32
    %sign3A_23 = arith.cmpi sgt, %jit3A, %sign3A_22 : i32
    %sign3A_24 = arith.extui %sign3A_23 : i1 to i32
    %sign3A_25 = arith.constant 0 : i32
    %sign3A_26 = arith.cmpi slt, %jit3A, %sign3A_25 : i32
    %sign3A_27 = arith.extui %sign3A_26 : i1 to i32
    %sign3A_28 = arith.subi %sign3A_24, %sign3A_27 : i32
    %ne3A = arith.cmpi ne, %sign3A_21, %sign3A_28 : i32
    %rem3A = arith.remsi %select_n3A_3, %jit3A : i32
    %ne3A_29 = arith.constant 0 : i32
    %ne3A_30 = arith.cmpi ne, %rem3A, %ne3A_29 : i32
    %and3A = arith.andi %ne3A, %ne3A_30 : i1
    %sub3A = arith.constant 1 : i32
    %sub3A_31 = arith.subi %div3A, %sub3A : i32
    %select_n3A_32 = arith.select %and3A, %sub3A_31, %div3A : i32
    %while3A = arith.constant 0 : i32
    %while3A_33 = arith.constant 0 : i32
    %while3A_34 = arith.subi %select_n3A_32, %while3A_33 : i32
    %while3A_35 = arith.addi %while3A_33, %while3A_34 : i32
    %while3A_36 = arith.constant 1 : i32
    %while3A_37 = arith.divsi %while3A_34, %while3A_36 : i32
    %while3A_38 = arith.muli %while3A_37, %while3A_36 : i32
    %while3A_39 = arith.addi %while3A_33, %while3A_38 : i32
    %while3A_40 = arith.constant 1 : i32
    scf.for %while3A_43 = %while3A_33 to %while3A_39 step %while3A_40  : i32 {
      %mul3A_44 = arith.constant 2 : i32
      %mul3A_45 = arith.muli %mul3A_44, %while3A_43 : i32
      %add3A_46 = arith.constant 1 : i32
      %add3A_47 = arith.addi %mul3A_45, %add3A_46 : i32
      %lt3A = arith.cmpi slt, %add3A_47, %select_n3A_3 : i32
      %convert_element_type3A = arith.extui %lt3A : i1 to i32
      %cond3A = arith.constant 0 : i32
      %cond3A_48 = arith.cmpi ne, %convert_element_type3A, %cond3A : i32
      scf.if %cond3A_48 {
        %add3A_64 = arith.constant 1 : i32
        %add3A_65 = arith.addi %mul3A_45, %add3A_64 : i32
        %mul3A_66 = arith.constant 128 : i32
        %mul3A_67 = arith.muli %add3A_65, %mul3A_66 : i32
        %add3A_68 = arith.addi %multiple_of3A, %mul3A_67 : i32
        %multiple_of3A_69 = tpu.assume_multiple %add3A_68, 128 : i32
        "tpu.region"() ({
          %run_scoped3A = tpu.sem_alloc : memref<!tpu.dma_semaphore, #tpu.memory_space<semaphore_mem>>
          %dma_start3A_73 = tpu.memref_slice %arg4[%multiple_of3A_69] : memref<1368064xi32, #tpu.memory_space<hbm>> -> memref<128xi32, #tpu.memory_space<hbm>>
          %dma_start3A_74 = tpu.memref_slice %arg4[%multiple_of3A_69] : memref<1368064xi32, #tpu.memory_space<hbm>> -> memref<128xi32, #tpu.memory_space<hbm>>
          tpu.enqueue_dma source(%dma_start3A_74 : memref<128xi32, #tpu.memory_space<hbm>>) target(%arg10 : memref<128xi32, #tpu.memory_space<vmem>>) target_semaphore(%run_scoped3A : memref<!tpu.dma_semaphore, #tpu.memory_space<semaphore_mem>>)
          %dma_wait3A_75 = tpu.memref_slice %arg4[%multiple_of3A_69] : memref<1368064xi32, #tpu.memory_space<hbm>> -> memref<128xi32, #tpu.memory_space<hbm>>
          %dma_wait3A_76 = tpu.memref_slice %arg4[%multiple_of3A_69] : memref<1368064xi32, #tpu.memory_space<hbm>> -> memref<128xi32, #tpu.memory_space<hbm>>
          tpu.wait_dma2 semaphore(%run_scoped3A : memref<!tpu.dma_semaphore, #tpu.memory_space<semaphore_mem>>) src(%dma_wait3A_76 : memref<128xi32, #tpu.memory_space<hbm>>) dst(%arg10 : memref<128xi32, #tpu.memory_space<vmem>>)
          tpu.yield
        }) : () -> ()
        "tpu.region"() ({
          %run_scoped3A = tpu.sem_alloc : memref<!tpu.dma_semaphore, #tpu.memory_space<semaphore_mem>>
          %dma_start3A_73 = tpu.memref_slice %arg3[%multiple_of3A_69] : memref<1368064xi32, #tpu.memory_space<hbm>> -> memref<128xi32, #tpu.memory_space<hbm>>
          %dma_start3A_74 = tpu.memref_slice %arg3[%multiple_of3A_69] : memref<1368064xi32, #tpu.memory_space<hbm>> -> memref<128xi32, #tpu.memory_space<hbm>>
          tpu.enqueue_dma source(%dma_start3A_74 : memref<128xi32, #tpu.memory_space<hbm>>) target(%arg11 : memref<128xi32, #tpu.memory_space<vmem>>) target_semaphore(%run_scoped3A : memref<!tpu.dma_semaphore, #tpu.memory_space<semaphore_mem>>)
          %dma_wait3A_75 = tpu.memref_slice %arg3[%multiple_of3A_69] : memref<1368064xi32, #tpu.memory_space<hbm>> -> memref<128xi32, #tpu.memory_space<hbm>>
          %dma_wait3A_76 = tpu.memref_slice %arg3[%multiple_of3A_69] : memref<1368064xi32, #tpu.memory_space<hbm>> -> memref<128xi32, #tpu.memory_space<hbm>>
          tpu.wait_dma2 semaphore(%run_scoped3A : memref<!tpu.dma_semaphore, #tpu.memory_space<semaphore_mem>>) src(%dma_wait3A_76 : memref<128xi32, #tpu.memory_space<hbm>>) dst(%arg11 : memref<128xi32, #tpu.memory_space<vmem>>)
          tpu.yield
        }) : () -> ()
        %dma_start3A_70 = arith.constant 0 : i32
        %dma_start3A_71 = arith.constant 0 : i32
        %dma_start3A_72 = tpu.memref_slice %arg2[%dma_start3A_70, %dma_start3A_71] : memref<61440x128xf32, #tpu.memory_space<hbm>> -> memref<61440x128xf32, #tpu.memory_space<hbm>>
        tpu.enqueue_indirect_dma source(%dma_start3A_72 : memref<61440x128xf32, #tpu.memory_space<hbm>>) target(%arg13 : memref<128x128xf32, #tpu.memory_space<vmem>>) offsets(%arg10 : memref<128xi32, #tpu.memory_space<vmem>>) semaphore(%arg15 : memref<!tpu.dma_semaphore, #tpu.memory_space<semaphore_mem>>)
      } else {
      }
      %dma_wait3A = arith.constant 0 : i32
      %dma_wait3A_49 = arith.constant 0 : i32
      %dma_wait3A_50 = tpu.memref_slice %arg2[%dma_wait3A, %dma_wait3A_49] : memref<61440x128xf32, #tpu.memory_space<hbm>> -> memref<61440x128xf32, #tpu.memory_space<hbm>>
      tpu.wait_indirect_dma semaphore(%arg14 : memref<!tpu.dma_semaphore, #tpu.memory_space<semaphore_mem>>) src(%dma_wait3A_50 : memref<61440x128xf32, #tpu.memory_space<hbm>>) dst(%arg12 : memref<128x128xf32, #tpu.memory_space<vmem>>)
      "tpu.region"() ({
        %run_scoped3A = tpu.sem_alloc : memref<!tpu.dma_semaphore, #tpu.memory_space<semaphore_mem>>
        %dma_start3A_64 = arith.constant 0 : i32
        %dma_start3A_65 = arith.constant 0 : i32
        %dma_start3A_66 = tpu.memref_slice %arg7[%dma_start3A_64, %dma_start3A_65] : memref<10240x128xf32, #tpu.memory_space<vmem_shared>> -> memref<10240x128xf32, #tpu.memory_space<vmem_shared>>
        tpu.enqueue_indirect_dma source(%arg12 : memref<128x128xf32, #tpu.memory_space<vmem>>) target(%dma_start3A_66 : memref<10240x128xf32, #tpu.memory_space<vmem_shared>>) offsets(%arg9 : memref<128xi32, #tpu.memory_space<vmem>>) semaphore(%run_scoped3A : memref<!tpu.dma_semaphore, #tpu.memory_space<semaphore_mem>>) {add = true}
        %dma_wait3A_67 = arith.constant 0 : i32
        %dma_wait3A_68 = arith.constant 0 : i32
        %dma_wait3A_69 = tpu.memref_slice %arg7[%dma_wait3A_67, %dma_wait3A_68] : memref<10240x128xf32, #tpu.memory_space<vmem_shared>> -> memref<10240x128xf32, #tpu.memory_space<vmem_shared>>
        tpu.wait_indirect_dma semaphore(%run_scoped3A : memref<!tpu.dma_semaphore, #tpu.memory_space<semaphore_mem>>) src(%arg12 : memref<128x128xf32, #tpu.memory_space<vmem>>) dst(%dma_wait3A_69 : memref<10240x128xf32, #tpu.memory_space<vmem_shared>>)
        tpu.yield
      }) : () -> ()
      %mul3A_51 = arith.constant 2 : i32
      %mul3A_52 = arith.muli %mul3A_51, %while3A_43 : i32
      %add3A_53 = arith.constant 1 : i32
      %add3A_54 = arith.addi %mul3A_52, %add3A_53 : i32
      %add3A_55 = arith.constant 1 : i32
      %add3A_56 = arith.addi %add3A_54, %add3A_55 : i32
      %lt3A_57 = arith.cmpi slt, %add3A_56, %select_n3A_3 : i32
      %convert_element_type3A_58 = arith.extui %lt3A_57 : i1 to i32
      %cond3A_59 = arith.constant 0 : i32
      %cond3A_60 = arith.cmpi ne, %convert_element_type3A_58, %cond3A_59 : i32
      scf.if %cond3A_60 {
        %add3A_64 = arith.constant 1 : i32
        %add3A_65 = arith.addi %add3A_54, %add3A_64 : i32
        %mul3A_66 = arith.constant 128 : i32
        %mul3A_67 = arith.muli %add3A_65, %mul3A_66 : i32
        %add3A_68 = arith.addi %multiple_of3A, %mul3A_67 : i32
        %multiple_of3A_69 = tpu.assume_multiple %add3A_68, 128 : i32
        "tpu.region"() ({
          %run_scoped3A = tpu.sem_alloc : memref<!tpu.dma_semaphore, #tpu.memory_space<semaphore_mem>>
          %dma_start3A_73 = tpu.memref_slice %arg4[%multiple_of3A_69] : memref<1368064xi32, #tpu.memory_space<hbm>> -> memref<128xi32, #tpu.memory_space<hbm>>
          %dma_start3A_74 = tpu.memref_slice %arg4[%multiple_of3A_69] : memref<1368064xi32, #tpu.memory_space<hbm>> -> memref<128xi32, #tpu.memory_space<hbm>>
          tpu.enqueue_dma source(%dma_start3A_74 : memref<128xi32, #tpu.memory_space<hbm>>) target(%arg8 : memref<128xi32, #tpu.memory_space<vmem>>) target_semaphore(%run_scoped3A : memref<!tpu.dma_semaphore, #tpu.memory_space<semaphore_mem>>)
          %dma_wait3A_75 = tpu.memref_slice %arg4[%multiple_of3A_69] : memref<1368064xi32, #tpu.memory_space<hbm>> -> memref<128xi32, #tpu.memory_space<hbm>>
          %dma_wait3A_76 = tpu.memref_slice %arg4[%multiple_of3A_69] : memref<1368064xi32, #tpu.memory_space<hbm>> -> memref<128xi32, #tpu.memory_space<hbm>>
          tpu.wait_dma2 semaphore(%run_scoped3A : memref<!tpu.dma_semaphore, #tpu.memory_space<semaphore_mem>>) src(%dma_wait3A_76 : memref<128xi32, #tpu.memory_space<hbm>>) dst(%arg8 : memref<128xi32, #tpu.memory_space<vmem>>)
          tpu.yield
        }) : () -> ()
        "tpu.region"() ({
          %run_scoped3A = tpu.sem_alloc : memref<!tpu.dma_semaphore, #tpu.memory_space<semaphore_mem>>
          %dma_start3A_73 = tpu.memref_slice %arg3[%multiple_of3A_69] : memref<1368064xi32, #tpu.memory_space<hbm>> -> memref<128xi32, #tpu.memory_space<hbm>>
          %dma_start3A_74 = tpu.memref_slice %arg3[%multiple_of3A_69] : memref<1368064xi32, #tpu.memory_space<hbm>> -> memref<128xi32, #tpu.memory_space<hbm>>
          tpu.enqueue_dma source(%dma_start3A_74 : memref<128xi32, #tpu.memory_space<hbm>>) target(%arg9 : memref<128xi32, #tpu.memory_space<vmem>>) target_semaphore(%run_scoped3A : memref<!tpu.dma_semaphore, #tpu.memory_space<semaphore_mem>>)
          %dma_wait3A_75 = tpu.memref_slice %arg3[%multiple_of3A_69] : memref<1368064xi32, #tpu.memory_space<hbm>> -> memref<128xi32, #tpu.memory_space<hbm>>
          %dma_wait3A_76 = tpu.memref_slice %arg3[%multiple_of3A_69] : memref<1368064xi32, #tpu.memory_space<hbm>> -> memref<128xi32, #tpu.memory_space<hbm>>
          tpu.wait_dma2 semaphore(%run_scoped3A : memref<!tpu.dma_semaphore, #tpu.memory_space<semaphore_mem>>) src(%dma_wait3A_76 : memref<128xi32, #tpu.memory_space<hbm>>) dst(%arg9 : memref<128xi32, #tpu.memory_space<vmem>>)
          tpu.yield
        }) : () -> ()
        %dma_start3A_70 = arith.constant 0 : i32
        %dma_start3A_71 = arith.constant 0 : i32
        %dma_start3A_72 = tpu.memref_slice %arg2[%dma_start3A_70, %dma_start3A_71] : memref<61440x128xf32, #tpu.memory_space<hbm>> -> memref<61440x128xf32, #tpu.memory_space<hbm>>
        tpu.enqueue_indirect_dma source(%dma_start3A_72 : memref<61440x128xf32, #tpu.memory_space<hbm>>) target(%arg12 : memref<128x128xf32, #tpu.memory_space<vmem>>) offsets(%arg8 : memref<128xi32, #tpu.memory_space<vmem>>) semaphore(%arg14 : memref<!tpu.dma_semaphore, #tpu.memory_space<semaphore_mem>>)
      } else {
      }
      %dma_wait3A_61 = arith.constant 0 : i32
      %dma_wait3A_62 = arith.constant 0 : i32
      %dma_wait3A_63 = tpu.memref_slice %arg2[%dma_wait3A_61, %dma_wait3A_62] : memref<61440x128xf32, #tpu.memory_space<hbm>> -> memref<61440x128xf32, #tpu.memory_space<hbm>>
      tpu.wait_indirect_dma semaphore(%arg15 : memref<!tpu.dma_semaphore, #tpu.memory_space<semaphore_mem>>) src(%dma_wait3A_63 : memref<61440x128xf32, #tpu.memory_space<hbm>>) dst(%arg13 : memref<128x128xf32, #tpu.memory_space<vmem>>)
      "tpu.region"() ({
        %run_scoped3A = tpu.sem_alloc : memref<!tpu.dma_semaphore, #tpu.memory_space<semaphore_mem>>
        %dma_start3A_64 = arith.constant 0 : i32
        %dma_start3A_65 = arith.constant 0 : i32
        %dma_start3A_66 = tpu.memref_slice %arg7[%dma_start3A_64, %dma_start3A_65] : memref<10240x128xf32, #tpu.memory_space<vmem_shared>> -> memref<10240x128xf32, #tpu.memory_space<vmem_shared>>
        tpu.enqueue_indirect_dma source(%arg13 : memref<128x128xf32, #tpu.memory_space<vmem>>) target(%dma_start3A_66 : memref<10240x128xf32, #tpu.memory_space<vmem_shared>>) offsets(%arg11 : memref<128xi32, #tpu.memory_space<vmem>>) semaphore(%run_scoped3A : memref<!tpu.dma_semaphore, #tpu.memory_space<semaphore_mem>>) {add = true}
        %dma_wait3A_67 = arith.constant 0 : i32
        %dma_wait3A_68 = arith.constant 0 : i32
        %dma_wait3A_69 = tpu.memref_slice %arg7[%dma_wait3A_67, %dma_wait3A_68] : memref<10240x128xf32, #tpu.memory_space<vmem_shared>> -> memref<10240x128xf32, #tpu.memory_space<vmem_shared>>
        tpu.wait_indirect_dma semaphore(%run_scoped3A : memref<!tpu.dma_semaphore, #tpu.memory_space<semaphore_mem>>) src(%arg13 : memref<128x128xf32, #tpu.memory_space<vmem>>) dst(%dma_wait3A_69 : memref<10240x128xf32, #tpu.memory_space<vmem_shared>>)
        tpu.yield
      }) : () -> ()
    }
    %while3A_41 = arith.constant 1 : i32
    scf.for %while3A_43 = %while3A_39 to %while3A_35 step %while3A_41  : i32 {
      %mul3A_44 = arith.constant 2 : i32
      %mul3A_45 = arith.muli %mul3A_44, %while3A_43 : i32
      %add3A_46 = arith.constant 1 : i32
      %add3A_47 = arith.addi %mul3A_45, %add3A_46 : i32
      %lt3A = arith.cmpi slt, %add3A_47, %select_n3A_3 : i32
      %convert_element_type3A = arith.extui %lt3A : i1 to i32
      %cond3A = arith.constant 0 : i32
      %cond3A_48 = arith.cmpi ne, %convert_element_type3A, %cond3A : i32
      scf.if %cond3A_48 {
        %add3A_64 = arith.constant 1 : i32
        %add3A_65 = arith.addi %mul3A_45, %add3A_64 : i32
        %mul3A_66 = arith.constant 128 : i32
        %mul3A_67 = arith.muli %add3A_65, %mul3A_66 : i32
        %add3A_68 = arith.addi %multiple_of3A, %mul3A_67 : i32
        %multiple_of3A_69 = tpu.assume_multiple %add3A_68, 128 : i32
        "tpu.region"() ({
          %run_scoped3A = tpu.sem_alloc : memref<!tpu.dma_semaphore, #tpu.memory_space<semaphore_mem>>
          %dma_start3A_73 = tpu.memref_slice %arg4[%multiple_of3A_69] : memref<1368064xi32, #tpu.memory_space<hbm>> -> memref<128xi32, #tpu.memory_space<hbm>>
          %dma_start3A_74 = tpu.memref_slice %arg4[%multiple_of3A_69] : memref<1368064xi32, #tpu.memory_space<hbm>> -> memref<128xi32, #tpu.memory_space<hbm>>
          tpu.enqueue_dma source(%dma_start3A_74 : memref<128xi32, #tpu.memory_space<hbm>>) target(%arg10 : memref<128xi32, #tpu.memory_space<vmem>>) target_semaphore(%run_scoped3A : memref<!tpu.dma_semaphore, #tpu.memory_space<semaphore_mem>>)
          %dma_wait3A_75 = tpu.memref_slice %arg4[%multiple_of3A_69] : memref<1368064xi32, #tpu.memory_space<hbm>> -> memref<128xi32, #tpu.memory_space<hbm>>
          %dma_wait3A_76 = tpu.memref_slice %arg4[%multiple_of3A_69] : memref<1368064xi32, #tpu.memory_space<hbm>> -> memref<128xi32, #tpu.memory_space<hbm>>
          tpu.wait_dma2 semaphore(%run_scoped3A : memref<!tpu.dma_semaphore, #tpu.memory_space<semaphore_mem>>) src(%dma_wait3A_76 : memref<128xi32, #tpu.memory_space<hbm>>) dst(%arg10 : memref<128xi32, #tpu.memory_space<vmem>>)
          tpu.yield
        }) : () -> ()
        "tpu.region"() ({
          %run_scoped3A = tpu.sem_alloc : memref<!tpu.dma_semaphore, #tpu.memory_space<semaphore_mem>>
          %dma_start3A_73 = tpu.memref_slice %arg3[%multiple_of3A_69] : memref<1368064xi32, #tpu.memory_space<hbm>> -> memref<128xi32, #tpu.memory_space<hbm>>
          %dma_start3A_74 = tpu.memref_slice %arg3[%multiple_of3A_69] : memref<1368064xi32, #tpu.memory_space<hbm>> -> memref<128xi32, #tpu.memory_space<hbm>>
          tpu.enqueue_dma source(%dma_start3A_74 : memref<128xi32, #tpu.memory_space<hbm>>) target(%arg11 : memref<128xi32, #tpu.memory_space<vmem>>) target_semaphore(%run_scoped3A : memref<!tpu.dma_semaphore, #tpu.memory_space<semaphore_mem>>)
          %dma_wait3A_75 = tpu.memref_slice %arg3[%multiple_of3A_69] : memref<1368064xi32, #tpu.memory_space<hbm>> -> memref<128xi32, #tpu.memory_space<hbm>>
          %dma_wait3A_76 = tpu.memref_slice %arg3[%multiple_of3A_69] : memref<1368064xi32, #tpu.memory_space<hbm>> -> memref<128xi32, #tpu.memory_space<hbm>>
          tpu.wait_dma2 semaphore(%run_scoped3A : memref<!tpu.dma_semaphore, #tpu.memory_space<semaphore_mem>>) src(%dma_wait3A_76 : memref<128xi32, #tpu.memory_space<hbm>>) dst(%arg11 : memref<128xi32, #tpu.memory_space<vmem>>)
          tpu.yield
        }) : () -> ()
        %dma_start3A_70 = arith.constant 0 : i32
        %dma_start3A_71 = arith.constant 0 : i32
        %dma_start3A_72 = tpu.memref_slice %arg2[%dma_start3A_70, %dma_start3A_71] : memref<61440x128xf32, #tpu.memory_space<hbm>> -> memref<61440x128xf32, #tpu.memory_space<hbm>>
        tpu.enqueue_indirect_dma source(%dma_start3A_72 : memref<61440x128xf32, #tpu.memory_space<hbm>>) target(%arg13 : memref<128x128xf32, #tpu.memory_space<vmem>>) offsets(%arg10 : memref<128xi32, #tpu.memory_space<vmem>>) semaphore(%arg15 : memref<!tpu.dma_semaphore, #tpu.memory_space<semaphore_mem>>)
      } else {
      }
      %dma_wait3A = arith.constant 0 : i32
      %dma_wait3A_49 = arith.constant 0 : i32
      %dma_wait3A_50 = tpu.memref_slice %arg2[%dma_wait3A, %dma_wait3A_49] : memref<61440x128xf32, #tpu.memory_space<hbm>> -> memref<61440x128xf32, #tpu.memory_space<hbm>>
      tpu.wait_indirect_dma semaphore(%arg14 : memref<!tpu.dma_semaphore, #tpu.memory_space<semaphore_mem>>) src(%dma_wait3A_50 : memref<61440x128xf32, #tpu.memory_space<hbm>>) dst(%arg12 : memref<128x128xf32, #tpu.memory_space<vmem>>)
      "tpu.region"() ({
        %run_scoped3A = tpu.sem_alloc : memref<!tpu.dma_semaphore, #tpu.memory_space<semaphore_mem>>
        %dma_start3A_64 = arith.constant 0 : i32
        %dma_start3A_65 = arith.constant 0 : i32
        %dma_start3A_66 = tpu.memref_slice %arg7[%dma_start3A_64, %dma_start3A_65] : memref<10240x128xf32, #tpu.memory_space<vmem_shared>> -> memref<10240x128xf32, #tpu.memory_space<vmem_shared>>
        tpu.enqueue_indirect_dma source(%arg12 : memref<128x128xf32, #tpu.memory_space<vmem>>) target(%dma_start3A_66 : memref<10240x128xf32, #tpu.memory_space<vmem_shared>>) offsets(%arg9 : memref<128xi32, #tpu.memory_space<vmem>>) semaphore(%run_scoped3A : memref<!tpu.dma_semaphore, #tpu.memory_space<semaphore_mem>>) {add = true}
        %dma_wait3A_67 = arith.constant 0 : i32
        %dma_wait3A_68 = arith.constant 0 : i32
        %dma_wait3A_69 = tpu.memref_slice %arg7[%dma_wait3A_67, %dma_wait3A_68] : memref<10240x128xf32, #tpu.memory_space<vmem_shared>> -> memref<10240x128xf32, #tpu.memory_space<vmem_shared>>
        tpu.wait_indirect_dma semaphore(%run_scoped3A : memref<!tpu.dma_semaphore, #tpu.memory_space<semaphore_mem>>) src(%arg12 : memref<128x128xf32, #tpu.memory_space<vmem>>) dst(%dma_wait3A_69 : memref<10240x128xf32, #tpu.memory_space<vmem_shared>>)
        tpu.yield
      }) : () -> ()
      %mul3A_51 = arith.constant 2 : i32
      %mul3A_52 = arith.muli %mul3A_51, %while3A_43 : i32
      %add3A_53 = arith.constant 1 : i32
      %add3A_54 = arith.addi %mul3A_52, %add3A_53 : i32
      %add3A_55 = arith.constant 1 : i32
      %add3A_56 = arith.addi %add3A_54, %add3A_55 : i32
      %lt3A_57 = arith.cmpi slt, %add3A_56, %select_n3A_3 : i32
      %convert_element_type3A_58 = arith.extui %lt3A_57 : i1 to i32
      %cond3A_59 = arith.constant 0 : i32
      %cond3A_60 = arith.cmpi ne, %convert_element_type3A_58, %cond3A_59 : i32
      scf.if %cond3A_60 {
        %add3A_64 = arith.constant 1 : i32
        %add3A_65 = arith.addi %add3A_54, %add3A_64 : i32
        %mul3A_66 = arith.constant 128 : i32
        %mul3A_67 = arith.muli %add3A_65, %mul3A_66 : i32
        %add3A_68 = arith.addi %multiple_of3A, %mul3A_67 : i32
        %multiple_of3A_69 = tpu.assume_multiple %add3A_68, 128 : i32
        "tpu.region"() ({
          %run_scoped3A = tpu.sem_alloc : memref<!tpu.dma_semaphore, #tpu.memory_space<semaphore_mem>>
          %dma_start3A_73 = tpu.memref_slice %arg4[%multiple_of3A_69] : memref<1368064xi32, #tpu.memory_space<hbm>> -> memref<128xi32, #tpu.memory_space<hbm>>
          %dma_start3A_74 = tpu.memref_slice %arg4[%multiple_of3A_69] : memref<1368064xi32, #tpu.memory_space<hbm>> -> memref<128xi32, #tpu.memory_space<hbm>>
          tpu.enqueue_dma source(%dma_start3A_74 : memref<128xi32, #tpu.memory_space<hbm>>) target(%arg8 : memref<128xi32, #tpu.memory_space<vmem>>) target_semaphore(%run_scoped3A : memref<!tpu.dma_semaphore, #tpu.memory_space<semaphore_mem>>)
          %dma_wait3A_75 = tpu.memref_slice %arg4[%multiple_of3A_69] : memref<1368064xi32, #tpu.memory_space<hbm>> -> memref<128xi32, #tpu.memory_space<hbm>>
          %dma_wait3A_76 = tpu.memref_slice %arg4[%multiple_of3A_69] : memref<1368064xi32, #tpu.memory_space<hbm>> -> memref<128xi32, #tpu.memory_space<hbm>>
          tpu.wait_dma2 semaphore(%run_scoped3A : memref<!tpu.dma_semaphore, #tpu.memory_space<semaphore_mem>>) src(%dma_wait3A_76 : memref<128xi32, #tpu.memory_space<hbm>>) dst(%arg8 : memref<128xi32, #tpu.memory_space<vmem>>)
          tpu.yield
        }) : () -> ()
        "tpu.region"() ({
          %run_scoped3A = tpu.sem_alloc : memref<!tpu.dma_semaphore, #tpu.memory_space<semaphore_mem>>
          %dma_start3A_73 = tpu.memref_slice %arg3[%multiple_of3A_69] : memref<1368064xi32, #tpu.memory_space<hbm>> -> memref<128xi32, #tpu.memory_space<hbm>>
          %dma_start3A_74 = tpu.memref_slice %arg3[%multiple_of3A_69] : memref<1368064xi32, #tpu.memory_space<hbm>> -> memref<128xi32, #tpu.memory_space<hbm>>
          tpu.enqueue_dma source(%dma_start3A_74 : memref<128xi32, #tpu.memory_space<hbm>>) target(%arg9 : memref<128xi32, #tpu.memory_space<vmem>>) target_semaphore(%run_scoped3A : memref<!tpu.dma_semaphore, #tpu.memory_space<semaphore_mem>>)
          %dma_wait3A_75 = tpu.memref_slice %arg3[%multiple_of3A_69] : memref<1368064xi32, #tpu.memory_space<hbm>> -> memref<128xi32, #tpu.memory_space<hbm>>
          %dma_wait3A_76 = tpu.memref_slice %arg3[%multiple_of3A_69] : memref<1368064xi32, #tpu.memory_space<hbm>> -> memref<128xi32, #tpu.memory_space<hbm>>
          tpu.wait_dma2 semaphore(%run_scoped3A : memref<!tpu.dma_semaphore, #tpu.memory_space<semaphore_mem>>) src(%dma_wait3A_76 : memref<128xi32, #tpu.memory_space<hbm>>) dst(%arg9 : memref<128xi32, #tpu.memory_space<vmem>>)
          tpu.yield
        }) : () -> ()
        %dma_start3A_70 = arith.constant 0 : i32
        %dma_start3A_71 = arith.constant 0 : i32
        %dma_start3A_72 = tpu.memref_slice %arg2[%dma_start3A_70, %dma_start3A_71] : memref<61440x128xf32, #tpu.memory_space<hbm>> -> memref<61440x128xf32, #tpu.memory_space<hbm>>
        tpu.enqueue_indirect_dma source(%dma_start3A_72 : memref<61440x128xf32, #tpu.memory_space<hbm>>) target(%arg12 : memref<128x128xf32, #tpu.memory_space<vmem>>) offsets(%arg8 : memref<128xi32, #tpu.memory_space<vmem>>) semaphore(%arg14 : memref<!tpu.dma_semaphore, #tpu.memory_space<semaphore_mem>>)
      } else {
      }
      %dma_wait3A_61 = arith.constant 0 : i32
      %dma_wait3A_62 = arith.constant 0 : i32
      %dma_wait3A_63 = tpu.memref_slice %arg2[%dma_wait3A_61, %dma_wait3A_62] : memref<61440x128xf32, #tpu.memory_space<hbm>> -> memref<61440x128xf32, #tpu.memory_space<hbm>>
      tpu.wait_indirect_dma semaphore(%arg15 : memref<!tpu.dma_semaphore, #tpu.memory_space<semaphore_mem>>) src(%dma_wait3A_63 : memref<61440x128xf32, #tpu.memory_space<hbm>>) dst(%arg13 : memref<128x128xf32, #tpu.memory_space<vmem>>)
      "tpu.region"() ({
        %run_scoped3A = tpu.sem_alloc : memref<!tpu.dma_semaphore, #tpu.memory_space<semaphore_mem>>
        %dma_start3A_64 = arith.constant 0 : i32
        %dma_start3A_65 = arith.constant 0 : i32
        %dma_start3A_66 = tpu.memref_slice %arg7[%dma_start3A_64, %dma_start3A_65] : memref<10240x128xf32, #tpu.memory_space<vmem_shared>> -> memref<10240x128xf32, #tpu.memory_space<vmem_shared>>
        tpu.enqueue_indirect_dma source(%arg13 : memref<128x128xf32, #tpu.memory_space<vmem>>) target(%dma_start3A_66 : memref<10240x128xf32, #tpu.memory_space<vmem_shared>>) offsets(%arg11 : memref<128xi32, #tpu.memory_space<vmem>>) semaphore(%run_scoped3A : memref<!tpu.dma_semaphore, #tpu.memory_space<semaphore_mem>>) {add = true}
        %dma_wait3A_67 = arith.constant 0 : i32
        %dma_wait3A_68 = arith.constant 0 : i32
        %dma_wait3A_69 = tpu.memref_slice %arg7[%dma_wait3A_67, %dma_wait3A_68] : memref<10240x128xf32, #tpu.memory_space<vmem_shared>> -> memref<10240x128xf32, #tpu.memory_space<vmem_shared>>
        tpu.wait_indirect_dma semaphore(%run_scoped3A : memref<!tpu.dma_semaphore, #tpu.memory_space<semaphore_mem>>) src(%arg13 : memref<128x128xf32, #tpu.memory_space<vmem>>) dst(%dma_wait3A_69 : memref<10240x128xf32, #tpu.memory_space<vmem_shared>>)
        tpu.yield
      }) : () -> ()
    }
    %barrier3A_42 = arith.constant 0 : index
    tpu.barrier barrier_id(%barrier3A_42)
    "tpu.region"() ({
      %run_scoped3A = tpu.sem_alloc : memref<!tpu.dma_semaphore, #tpu.memory_space<semaphore_mem>>
      %dma_start3A_43 = arith.constant 0 : i32
      %dma_start3A_44 = tpu.memref_slice %arg6[%arg0, %mul3A_0, %dma_start3A_43] : memref<2x10240x128xf32, #tpu.memory_space<hbm>> -> memref<1x640x128xf32, #tpu.memory_space<hbm>>
      %dma_start3A_45 = tpu.memref_squeeze %dma_start3A_44 : memref<1x640x128xf32, #tpu.memory_space<hbm>> -> memref<640x128xf32, #tpu.memory_space<hbm>>
      %dma_start3A_46 = arith.constant 0 : i32
      %dma_start3A_47 = tpu.memref_slice %arg7[%mul3A_0, %dma_start3A_46] : memref<10240x128xf32, #tpu.memory_space<vmem_shared>> -> memref<640x128xf32, #tpu.memory_space<vmem_shared>>
      tpu.enqueue_dma source(%dma_start3A_47 : memref<640x128xf32, #tpu.memory_space<vmem_shared>>) target(%dma_start3A_45 : memref<640x128xf32, #tpu.memory_space<hbm>>) target_semaphore(%run_scoped3A : memref<!tpu.dma_semaphore, #tpu.memory_space<semaphore_mem>>)
      %dma_wait3A = arith.constant 0 : i32
      %dma_wait3A_48 = tpu.memref_slice %arg6[%arg0, %mul3A_0, %dma_wait3A] : memref<2x10240x128xf32, #tpu.memory_space<hbm>> -> memref<1x640x128xf32, #tpu.memory_space<hbm>>
      %dma_wait3A_49 = tpu.memref_squeeze %dma_wait3A_48 : memref<1x640x128xf32, #tpu.memory_space<hbm>> -> memref<640x128xf32, #tpu.memory_space<hbm>>
      %dma_wait3A_50 = arith.constant 0 : i32
      %dma_wait3A_51 = tpu.memref_slice %arg7[%mul3A_0, %dma_wait3A_50] : memref<10240x128xf32, #tpu.memory_space<vmem_shared>> -> memref<640x128xf32, #tpu.memory_space<vmem_shared>>
      tpu.wait_dma2 semaphore(%run_scoped3A : memref<!tpu.dma_semaphore, #tpu.memory_space<semaphore_mem>>) src(%dma_wait3A_51 : memref<640x128xf32, #tpu.memory_space<vmem_shared>>) dst(%dma_wait3A_49 : memref<640x128xf32, #tpu.memory_space<hbm>>)
      tpu.yield
    }) : () -> ()
    return
  }
}

#map = affine_map<(d0, d1) -> (0, 0)>
#map1 = affine_map<(d0, d1) -> (0)>
#map2 = affine_map<(d0, d1) -> (0, 0, 0)>
module attributes {stable_mosaic.version = 14 : i64} {
  func.func @_sc_edge_body(%arg0: i32, %arg1: i32, %arg2: memref<61440x128xf32, #tpu.memory_space<hbm>>, %arg3: memref<1368064xi32, #tpu.memory_space<hbm>>, %arg4: memref<1368064xi32, #tpu.memory_space<hbm>>, %arg5: memref<10240x128xf32, #tpu.memory_space<hbm>>, %arg6: memref<2x10240x128xf32, #tpu.memory_space<hbm>>, %arg7: memref<10240x128xf32, #tpu.memory_space<vmem_shared>>, %arg8: memref<128xi32, #tpu.memory_space<vmem>>, %arg9: memref<128xi32, #tpu.memory_space<vmem>>, %arg10: memref<128xi32, #tpu.memory_space<vmem>>, %arg11: memref<128xi32, #tpu.memory_space<vmem>>, %arg12: memref<128x128xf32, #tpu.memory_space<vmem>>, %arg13: memref<128x128xf32, #tpu.memory_space<vmem>>, %arg14: memref<!tpu.dma_semaphore, #tpu.memory_space<semaphore_mem>>, %arg15: memref<!tpu.dma_semaphore, #tpu.memory_space<semaphore_mem>>) attributes {dimension_semantics = [#tpu.dimension_semantics<core_parallel>, #tpu.dimension_semantics<subcore_parallel>], iteration_bounds = array<i64: 2, 16>, scalar_prefetch = 0 : i64, scratch_operands = 9 : i64, tpu.core_type = #tpu.core_type<sc_vector_subcore>, window_params = [{transform_indices = #map}, {transform_indices = #map1}, {transform_indices = #map1}, {transform_indices = #map}, {transform_indices = #map2}]} {
    %mul3A = arith.constant 640 : i32
    %mul3A_0 = arith.muli %arg1, %mul3A : i32
    "tpu.region"() ({
      %run_scoped3A = tpu.sem_alloc : memref<!tpu.dma_semaphore, #tpu.memory_space<semaphore_mem>>
      %dma_start3A_43 = arith.constant 0 : i32
      %dma_start3A_44 = tpu.memref_slice %arg7[%mul3A_0, %dma_start3A_43] : memref<10240x128xf32, #tpu.memory_space<vmem_shared>> -> memref<640x128xf32, #tpu.memory_space<vmem_shared>>
      %dma_start3A_45 = arith.constant 0 : i32
      %dma_start3A_46 = tpu.memref_slice %arg5[%mul3A_0, %dma_start3A_45] : memref<10240x128xf32, #tpu.memory_space<hbm>> -> memref<640x128xf32, #tpu.memory_space<hbm>>
      tpu.enqueue_dma source(%dma_start3A_46 : memref<640x128xf32, #tpu.memory_space<hbm>>) target(%dma_start3A_44 : memref<640x128xf32, #tpu.memory_space<vmem_shared>>) target_semaphore(%run_scoped3A : memref<!tpu.dma_semaphore, #tpu.memory_space<semaphore_mem>>)
      %dma_wait3A = arith.constant 0 : i32
      %dma_wait3A_47 = tpu.memref_slice %arg7[%mul3A_0, %dma_wait3A] : memref<10240x128xf32, #tpu.memory_space<vmem_shared>> -> memref<640x128xf32, #tpu.memory_space<vmem_shared>>
      %dma_wait3A_48 = arith.constant 0 : i32
      %dma_wait3A_49 = tpu.memref_slice %arg5[%mul3A_0, %dma_wait3A_48] : memref<10240x128xf32, #tpu.memory_space<hbm>> -> memref<640x128xf32, #tpu.memory_space<hbm>>
      tpu.wait_dma2 semaphore(%run_scoped3A : memref<!tpu.dma_semaphore, #tpu.memory_space<semaphore_mem>>) src(%dma_wait3A_49 : memref<640x128xf32, #tpu.memory_space<hbm>>) dst(%dma_wait3A_47 : memref<640x128xf32, #tpu.memory_space<vmem_shared>>)
      tpu.yield
    }) : () -> ()
    %barrier3A = arith.constant 0 : index
    tpu.barrier barrier_id(%barrier3A)
    %eq3A = arith.constant 0 : i32
    %eq3A_1 = arith.cmpi eq, %arg0, %eq3A : i32
    %select_n3A = arith.constant 264 : i32
    %select_n3A_2 = arith.constant 404 : i32
    %select_n3A_3 = arith.select %eq3A_1, %select_n3A_2, %select_n3A : i32
    %eq3A_4 = arith.constant 0 : i32
    %eq3A_5 = arith.cmpi eq, %arg0, %eq3A_4 : i32
    %mul3A_6 = arith.constant 404 : i32
    %mul3A_7 = arith.muli %arg1, %mul3A_6 : i32
    %mul3A_8 = arith.constant 264 : i32
    %mul3A_9 = arith.muli %arg1, %mul3A_8 : i32
    %add3A = arith.constant 6464 : i32
    %add3A_10 = arith.addi %add3A, %mul3A_9 : i32
    %select_n3A_11 = arith.select %eq3A_5, %mul3A_7, %add3A_10 : i32
    %mul3A_12 = arith.constant 128 : i32
    %mul3A_13 = arith.muli %select_n3A_11, %mul3A_12 : i32
    %multiple_of3A = tpu.assume_multiple %mul3A_13, 128 : i32
    "tpu.region"() ({
      %run_scoped3A = tpu.sem_alloc : memref<!tpu.dma_semaphore, #tpu.memory_space<semaphore_mem>>
      %dma_start3A_43 = tpu.memref_slice %arg4[%multiple_of3A] : memref<1368064xi32, #tpu.memory_space<hbm>> -> memref<128xi32, #tpu.memory_space<hbm>>
      %dma_start3A_44 = tpu.memref_slice %arg4[%multiple_of3A] : memref<1368064xi32, #tpu.memory_space<hbm>> -> memref<128xi32, #tpu.memory_space<hbm>>
      tpu.enqueue_dma source(%dma_start3A_44 : memref<128xi32, #tpu.memory_space<hbm>>) target(%arg8 : memref<128xi32, #tpu.memory_space<vmem>>) target_semaphore(%run_scoped3A : memref<!tpu.dma_semaphore, #tpu.memory_space<semaphore_mem>>)
      %dma_wait3A = tpu.memref_slice %arg4[%multiple_of3A] : memref<1368064xi32, #tpu.memory_space<hbm>> -> memref<128xi32, #tpu.memory_space<hbm>>
      %dma_wait3A_45 = tpu.memref_slice %arg4[%multiple_of3A] : memref<1368064xi32, #tpu.memory_space<hbm>> -> memref<128xi32, #tpu.memory_space<hbm>>
      tpu.wait_dma2 semaphore(%run_scoped3A : memref<!tpu.dma_semaphore, #tpu.memory_space<semaphore_mem>>) src(%dma_wait3A_45 : memref<128xi32, #tpu.memory_space<hbm>>) dst(%arg8 : memref<128xi32, #tpu.memory_space<vmem>>)
      tpu.yield
    }) : () -> ()
    "tpu.region"() ({
      %run_scoped3A = tpu.sem_alloc : memref<!tpu.dma_semaphore, #tpu.memory_space<semaphore_mem>>
      %dma_start3A_43 = tpu.memref_slice %arg3[%multiple_of3A] : memref<1368064xi32, #tpu.memory_space<hbm>> -> memref<128xi32, #tpu.memory_space<hbm>>
      %dma_start3A_44 = tpu.memref_slice %arg3[%multiple_of3A] : memref<1368064xi32, #tpu.memory_space<hbm>> -> memref<128xi32, #tpu.memory_space<hbm>>
      tpu.enqueue_dma source(%dma_start3A_44 : memref<128xi32, #tpu.memory_space<hbm>>) target(%arg9 : memref<128xi32, #tpu.memory_space<vmem>>) target_semaphore(%run_scoped3A : memref<!tpu.dma_semaphore, #tpu.memory_space<semaphore_mem>>)
      %dma_wait3A = tpu.memref_slice %arg3[%multiple_of3A] : memref<1368064xi32, #tpu.memory_space<hbm>> -> memref<128xi32, #tpu.memory_space<hbm>>
      %dma_wait3A_45 = tpu.memref_slice %arg3[%multiple_of3A] : memref<1368064xi32, #tpu.memory_space<hbm>> -> memref<128xi32, #tpu.memory_space<hbm>>
      tpu.wait_dma2 semaphore(%run_scoped3A : memref<!tpu.dma_semaphore, #tpu.memory_space<semaphore_mem>>) src(%dma_wait3A_45 : memref<128xi32, #tpu.memory_space<hbm>>) dst(%arg9 : memref<128xi32, #tpu.memory_space<vmem>>)
      tpu.yield
    }) : () -> ()
    %dma_start3A = arith.constant 0 : i32
    %dma_start3A_14 = arith.constant 0 : i32
    %dma_start3A_15 = tpu.memref_slice %arg2[%dma_start3A, %dma_start3A_14] : memref<61440x128xf32, #tpu.memory_space<hbm>> -> memref<61440x128xf32, #tpu.memory_space<hbm>>
    tpu.enqueue_indirect_dma source(%dma_start3A_15 : memref<61440x128xf32, #tpu.memory_space<hbm>>) target(%arg12 : memref<128x128xf32, #tpu.memory_space<vmem>>) offsets(%arg8 : memref<128xi32, #tpu.memory_space<vmem>>) semaphore(%arg14 : memref<!tpu.dma_semaphore, #tpu.memory_space<semaphore_mem>>)
    %jit3A = arith.constant 2 : i32
    %div3A = arith.divsi %select_n3A_3, %jit3A : i32
    %sign3A = arith.constant 0 : i32
    %sign3A_16 = arith.cmpi sgt, %select_n3A_3, %sign3A : i32
    %sign3A_17 = arith.extui %sign3A_16 : i1 to i32
    %sign3A_18 = arith.constant 0 : i32
    %sign3A_19 = arith.cmpi slt, %select_n3A_3, %sign3A_18 : i32
    %sign3A_20 = arith.extui %sign3A_19 : i1 to i32
    %sign3A_21 = arith.subi %sign3A_17, %sign3A_20 : i32
    %sign3A_22 = arith.constant 0 : i32
    %sign3A_23 = arith.cmpi sgt, %jit3A, %sign3A_22 : i32
    %sign3A_24 = arith.extui %sign3A_23 : i1 to i32
    %sign3A_25 = arith.constant 0 : i32
    %sign3A_26 = arith.cmpi slt, %jit3A, %sign3A_25 : i32
    %sign3A_27 = arith.extui %sign3A_26 : i1 to i32
    %sign3A_28 = arith.subi %sign3A_24, %sign3A_27 : i32
    %ne3A = arith.cmpi ne, %sign3A_21, %sign3A_28 : i32
    %rem3A = arith.remsi %select_n3A_3, %jit3A : i32
    %ne3A_29 = arith.constant 0 : i32
    %ne3A_30 = arith.cmpi ne, %rem3A, %ne3A_29 : i32
    %and3A = arith.andi %ne3A, %ne3A_30 : i1
    %sub3A = arith.constant 1 : i32
    %sub3A_31 = arith.subi %div3A, %sub3A : i32
    %select_n3A_32 = arith.select %and3A, %sub3A_31, %div3A : i32
    %while3A = arith.constant 0 : i32
    %while3A_33 = arith.constant 0 : i32
    %while3A_34 = arith.subi %select_n3A_32, %while3A_33 : i32
    %while3A_35 = arith.addi %while3A_33, %while3A_34 : i32
    %while3A_36 = arith.constant 1 : i32
    %while3A_37 = arith.divsi %while3A_34, %while3A_36 : i32
    %while3A_38 = arith.muli %while3A_37, %while3A_36 : i32
    %while3A_39 = arith.addi %while3A_33, %while3A_38 : i32
    %while3A_40 = arith.constant 1 : i32
    scf.for %while3A_43 = %while3A_33 to %while3A_39 step %while3A_40  : i32 {
      %mul3A_44 = arith.constant 2 : i32
      %mul3A_45 = arith.muli %mul3A_44, %while3A_43 : i32
      %add3A_46 = arith.constant 1 : i32
      %add3A_47 = arith.addi %mul3A_45, %add3A_46 : i32
      %lt3A = arith.cmpi slt, %add3A_47, %select_n3A_3 : i32
      %convert_element_type3A = arith.extui %lt3A : i1 to i32
      %cond3A = arith.constant 0 : i32
      %cond3A_48 = arith.cmpi ne, %convert_element_type3A, %cond3A : i32
      scf.if %cond3A_48 {
        %add3A_64 = arith.constant 1 : i32
        %add3A_65 = arith.addi %mul3A_45, %add3A_64 : i32
        %mul3A_66 = arith.constant 128 : i32
        %mul3A_67 = arith.muli %add3A_65, %mul3A_66 : i32
        %add3A_68 = arith.addi %multiple_of3A, %mul3A_67 : i32
        %multiple_of3A_69 = tpu.assume_multiple %add3A_68, 128 : i32
        "tpu.region"() ({
          %run_scoped3A = tpu.sem_alloc : memref<!tpu.dma_semaphore, #tpu.memory_space<semaphore_mem>>
          %dma_start3A_73 = tpu.memref_slice %arg4[%multiple_of3A_69] : memref<1368064xi32, #tpu.memory_space<hbm>> -> memref<128xi32, #tpu.memory_space<hbm>>
          %dma_start3A_74 = tpu.memref_slice %arg4[%multiple_of3A_69] : memref<1368064xi32, #tpu.memory_space<hbm>> -> memref<128xi32, #tpu.memory_space<hbm>>
          tpu.enqueue_dma source(%dma_start3A_74 : memref<128xi32, #tpu.memory_space<hbm>>) target(%arg10 : memref<128xi32, #tpu.memory_space<vmem>>) target_semaphore(%run_scoped3A : memref<!tpu.dma_semaphore, #tpu.memory_space<semaphore_mem>>)
          %dma_wait3A_75 = tpu.memref_slice %arg4[%multiple_of3A_69] : memref<1368064xi32, #tpu.memory_space<hbm>> -> memref<128xi32, #tpu.memory_space<hbm>>
          %dma_wait3A_76 = tpu.memref_slice %arg4[%multiple_of3A_69] : memref<1368064xi32, #tpu.memory_space<hbm>> -> memref<128xi32, #tpu.memory_space<hbm>>
          tpu.wait_dma2 semaphore(%run_scoped3A : memref<!tpu.dma_semaphore, #tpu.memory_space<semaphore_mem>>) src(%dma_wait3A_76 : memref<128xi32, #tpu.memory_space<hbm>>) dst(%arg10 : memref<128xi32, #tpu.memory_space<vmem>>)
          tpu.yield
        }) : () -> ()
        "tpu.region"() ({
          %run_scoped3A = tpu.sem_alloc : memref<!tpu.dma_semaphore, #tpu.memory_space<semaphore_mem>>
          %dma_start3A_73 = tpu.memref_slice %arg3[%multiple_of3A_69] : memref<1368064xi32, #tpu.memory_space<hbm>> -> memref<128xi32, #tpu.memory_space<hbm>>
          %dma_start3A_74 = tpu.memref_slice %arg3[%multiple_of3A_69] : memref<1368064xi32, #tpu.memory_space<hbm>> -> memref<128xi32, #tpu.memory_space<hbm>>
          tpu.enqueue_dma source(%dma_start3A_74 : memref<128xi32, #tpu.memory_space<hbm>>) target(%arg11 : memref<128xi32, #tpu.memory_space<vmem>>) target_semaphore(%run_scoped3A : memref<!tpu.dma_semaphore, #tpu.memory_space<semaphore_mem>>)
          %dma_wait3A_75 = tpu.memref_slice %arg3[%multiple_of3A_69] : memref<1368064xi32, #tpu.memory_space<hbm>> -> memref<128xi32, #tpu.memory_space<hbm>>
          %dma_wait3A_76 = tpu.memref_slice %arg3[%multiple_of3A_69] : memref<1368064xi32, #tpu.memory_space<hbm>> -> memref<128xi32, #tpu.memory_space<hbm>>
          tpu.wait_dma2 semaphore(%run_scoped3A : memref<!tpu.dma_semaphore, #tpu.memory_space<semaphore_mem>>) src(%dma_wait3A_76 : memref<128xi32, #tpu.memory_space<hbm>>) dst(%arg11 : memref<128xi32, #tpu.memory_space<vmem>>)
          tpu.yield
        }) : () -> ()
        %dma_start3A_70 = arith.constant 0 : i32
        %dma_start3A_71 = arith.constant 0 : i32
        %dma_start3A_72 = tpu.memref_slice %arg2[%dma_start3A_70, %dma_start3A_71] : memref<61440x128xf32, #tpu.memory_space<hbm>> -> memref<61440x128xf32, #tpu.memory_space<hbm>>
        tpu.enqueue_indirect_dma source(%dma_start3A_72 : memref<61440x128xf32, #tpu.memory_space<hbm>>) target(%arg13 : memref<128x128xf32, #tpu.memory_space<vmem>>) offsets(%arg10 : memref<128xi32, #tpu.memory_space<vmem>>) semaphore(%arg15 : memref<!tpu.dma_semaphore, #tpu.memory_space<semaphore_mem>>)
      } else {
      }
      %dma_wait3A = arith.constant 0 : i32
      %dma_wait3A_49 = arith.constant 0 : i32
      %dma_wait3A_50 = tpu.memref_slice %arg2[%dma_wait3A, %dma_wait3A_49] : memref<61440x128xf32, #tpu.memory_space<hbm>> -> memref<61440x128xf32, #tpu.memory_space<hbm>>
      tpu.wait_indirect_dma semaphore(%arg14 : memref<!tpu.dma_semaphore, #tpu.memory_space<semaphore_mem>>) src(%dma_wait3A_50 : memref<61440x128xf32, #tpu.memory_space<hbm>>) dst(%arg12 : memref<128x128xf32, #tpu.memory_space<vmem>>)
      "tpu.region"() ({
        %run_scoped3A = tpu.sem_alloc : memref<!tpu.dma_semaphore, #tpu.memory_space<semaphore_mem>>
        %dma_start3A_64 = arith.constant 0 : i32
        %dma_start3A_65 = arith.constant 0 : i32
        %dma_start3A_66 = tpu.memref_slice %arg7[%dma_start3A_64, %dma_start3A_65] : memref<10240x128xf32, #tpu.memory_space<vmem_shared>> -> memref<10240x128xf32, #tpu.memory_space<vmem_shared>>
        tpu.enqueue_indirect_dma source(%arg12 : memref<128x128xf32, #tpu.memory_space<vmem>>) target(%dma_start3A_66 : memref<10240x128xf32, #tpu.memory_space<vmem_shared>>) offsets(%arg9 : memref<128xi32, #tpu.memory_space<vmem>>) semaphore(%run_scoped3A : memref<!tpu.dma_semaphore, #tpu.memory_space<semaphore_mem>>) {add = true}
        %dma_wait3A_67 = arith.constant 0 : i32
        %dma_wait3A_68 = arith.constant 0 : i32
        %dma_wait3A_69 = tpu.memref_slice %arg7[%dma_wait3A_67, %dma_wait3A_68] : memref<10240x128xf32, #tpu.memory_space<vmem_shared>> -> memref<10240x128xf32, #tpu.memory_space<vmem_shared>>
        tpu.wait_indirect_dma semaphore(%run_scoped3A : memref<!tpu.dma_semaphore, #tpu.memory_space<semaphore_mem>>) src(%arg12 : memref<128x128xf32, #tpu.memory_space<vmem>>) dst(%dma_wait3A_69 : memref<10240x128xf32, #tpu.memory_space<vmem_shared>>)
        tpu.yield
      }) : () -> ()
      %mul3A_51 = arith.constant 2 : i32
      %mul3A_52 = arith.muli %mul3A_51, %while3A_43 : i32
      %add3A_53 = arith.constant 1 : i32
      %add3A_54 = arith.addi %mul3A_52, %add3A_53 : i32
      %add3A_55 = arith.constant 1 : i32
      %add3A_56 = arith.addi %add3A_54, %add3A_55 : i32
      %lt3A_57 = arith.cmpi slt, %add3A_56, %select_n3A_3 : i32
      %convert_element_type3A_58 = arith.extui %lt3A_57 : i1 to i32
      %cond3A_59 = arith.constant 0 : i32
      %cond3A_60 = arith.cmpi ne, %convert_element_type3A_58, %cond3A_59 : i32
      scf.if %cond3A_60 {
        %add3A_64 = arith.constant 1 : i32
        %add3A_65 = arith.addi %add3A_54, %add3A_64 : i32
        %mul3A_66 = arith.constant 128 : i32
        %mul3A_67 = arith.muli %add3A_65, %mul3A_66 : i32
        %add3A_68 = arith.addi %multiple_of3A, %mul3A_67 : i32
        %multiple_of3A_69 = tpu.assume_multiple %add3A_68, 128 : i32
        "tpu.region"() ({
          %run_scoped3A = tpu.sem_alloc : memref<!tpu.dma_semaphore, #tpu.memory_space<semaphore_mem>>
          %dma_start3A_73 = tpu.memref_slice %arg4[%multiple_of3A_69] : memref<1368064xi32, #tpu.memory_space<hbm>> -> memref<128xi32, #tpu.memory_space<hbm>>
          %dma_start3A_74 = tpu.memref_slice %arg4[%multiple_of3A_69] : memref<1368064xi32, #tpu.memory_space<hbm>> -> memref<128xi32, #tpu.memory_space<hbm>>
          tpu.enqueue_dma source(%dma_start3A_74 : memref<128xi32, #tpu.memory_space<hbm>>) target(%arg8 : memref<128xi32, #tpu.memory_space<vmem>>) target_semaphore(%run_scoped3A : memref<!tpu.dma_semaphore, #tpu.memory_space<semaphore_mem>>)
          %dma_wait3A_75 = tpu.memref_slice %arg4[%multiple_of3A_69] : memref<1368064xi32, #tpu.memory_space<hbm>> -> memref<128xi32, #tpu.memory_space<hbm>>
          %dma_wait3A_76 = tpu.memref_slice %arg4[%multiple_of3A_69] : memref<1368064xi32, #tpu.memory_space<hbm>> -> memref<128xi32, #tpu.memory_space<hbm>>
          tpu.wait_dma2 semaphore(%run_scoped3A : memref<!tpu.dma_semaphore, #tpu.memory_space<semaphore_mem>>) src(%dma_wait3A_76 : memref<128xi32, #tpu.memory_space<hbm>>) dst(%arg8 : memref<128xi32, #tpu.memory_space<vmem>>)
          tpu.yield
        }) : () -> ()
        "tpu.region"() ({
          %run_scoped3A = tpu.sem_alloc : memref<!tpu.dma_semaphore, #tpu.memory_space<semaphore_mem>>
          %dma_start3A_73 = tpu.memref_slice %arg3[%multiple_of3A_69] : memref<1368064xi32, #tpu.memory_space<hbm>> -> memref<128xi32, #tpu.memory_space<hbm>>
          %dma_start3A_74 = tpu.memref_slice %arg3[%multiple_of3A_69] : memref<1368064xi32, #tpu.memory_space<hbm>> -> memref<128xi32, #tpu.memory_space<hbm>>
          tpu.enqueue_dma source(%dma_start3A_74 : memref<128xi32, #tpu.memory_space<hbm>>) target(%arg9 : memref<128xi32, #tpu.memory_space<vmem>>) target_semaphore(%run_scoped3A : memref<!tpu.dma_semaphore, #tpu.memory_space<semaphore_mem>>)
          %dma_wait3A_75 = tpu.memref_slice %arg3[%multiple_of3A_69] : memref<1368064xi32, #tpu.memory_space<hbm>> -> memref<128xi32, #tpu.memory_space<hbm>>
          %dma_wait3A_76 = tpu.memref_slice %arg3[%multiple_of3A_69] : memref<1368064xi32, #tpu.memory_space<hbm>> -> memref<128xi32, #tpu.memory_space<hbm>>
          tpu.wait_dma2 semaphore(%run_scoped3A : memref<!tpu.dma_semaphore, #tpu.memory_space<semaphore_mem>>) src(%dma_wait3A_76 : memref<128xi32, #tpu.memory_space<hbm>>) dst(%arg9 : memref<128xi32, #tpu.memory_space<vmem>>)
          tpu.yield
        }) : () -> ()
        %dma_start3A_70 = arith.constant 0 : i32
        %dma_start3A_71 = arith.constant 0 : i32
        %dma_start3A_72 = tpu.memref_slice %arg2[%dma_start3A_70, %dma_start3A_71] : memref<61440x128xf32, #tpu.memory_space<hbm>> -> memref<61440x128xf32, #tpu.memory_space<hbm>>
        tpu.enqueue_indirect_dma source(%dma_start3A_72 : memref<61440x128xf32, #tpu.memory_space<hbm>>) target(%arg12 : memref<128x128xf32, #tpu.memory_space<vmem>>) offsets(%arg8 : memref<128xi32, #tpu.memory_space<vmem>>) semaphore(%arg14 : memref<!tpu.dma_semaphore, #tpu.memory_space<semaphore_mem>>)
      } else {
      }
      %dma_wait3A_61 = arith.constant 0 : i32
      %dma_wait3A_62 = arith.constant 0 : i32
      %dma_wait3A_63 = tpu.memref_slice %arg2[%dma_wait3A_61, %dma_wait3A_62] : memref<61440x128xf32, #tpu.memory_space<hbm>> -> memref<61440x128xf32, #tpu.memory_space<hbm>>
      tpu.wait_indirect_dma semaphore(%arg15 : memref<!tpu.dma_semaphore, #tpu.memory_space<semaphore_mem>>) src(%dma_wait3A_63 : memref<61440x128xf32, #tpu.memory_space<hbm>>) dst(%arg13 : memref<128x128xf32, #tpu.memory_space<vmem>>)
      "tpu.region"() ({
        %run_scoped3A = tpu.sem_alloc : memref<!tpu.dma_semaphore, #tpu.memory_space<semaphore_mem>>
        %dma_start3A_64 = arith.constant 0 : i32
        %dma_start3A_65 = arith.constant 0 : i32
        %dma_start3A_66 = tpu.memref_slice %arg7[%dma_start3A_64, %dma_start3A_65] : memref<10240x128xf32, #tpu.memory_space<vmem_shared>> -> memref<10240x128xf32, #tpu.memory_space<vmem_shared>>
        tpu.enqueue_indirect_dma source(%arg13 : memref<128x128xf32, #tpu.memory_space<vmem>>) target(%dma_start3A_66 : memref<10240x128xf32, #tpu.memory_space<vmem_shared>>) offsets(%arg11 : memref<128xi32, #tpu.memory_space<vmem>>) semaphore(%run_scoped3A : memref<!tpu.dma_semaphore, #tpu.memory_space<semaphore_mem>>) {add = true}
        %dma_wait3A_67 = arith.constant 0 : i32
        %dma_wait3A_68 = arith.constant 0 : i32
        %dma_wait3A_69 = tpu.memref_slice %arg7[%dma_wait3A_67, %dma_wait3A_68] : memref<10240x128xf32, #tpu.memory_space<vmem_shared>> -> memref<10240x128xf32, #tpu.memory_space<vmem_shared>>
        tpu.wait_indirect_dma semaphore(%run_scoped3A : memref<!tpu.dma_semaphore, #tpu.memory_space<semaphore_mem>>) src(%arg13 : memref<128x128xf32, #tpu.memory_space<vmem>>) dst(%dma_wait3A_69 : memref<10240x128xf32, #tpu.memory_space<vmem_shared>>)
        tpu.yield
      }) : () -> ()
    }
    %while3A_41 = arith.constant 1 : i32
    scf.for %while3A_43 = %while3A_39 to %while3A_35 step %while3A_41  : i32 {
      %mul3A_44 = arith.constant 2 : i32
      %mul3A_45 = arith.muli %mul3A_44, %while3A_43 : i32
      %add3A_46 = arith.constant 1 : i32
      %add3A_47 = arith.addi %mul3A_45, %add3A_46 : i32
      %lt3A = arith.cmpi slt, %add3A_47, %select_n3A_3 : i32
      %convert_element_type3A = arith.extui %lt3A : i1 to i32
      %cond3A = arith.constant 0 : i32
      %cond3A_48 = arith.cmpi ne, %convert_element_type3A, %cond3A : i32
      scf.if %cond3A_48 {
        %add3A_64 = arith.constant 1 : i32
        %add3A_65 = arith.addi %mul3A_45, %add3A_64 : i32
        %mul3A_66 = arith.constant 128 : i32
        %mul3A_67 = arith.muli %add3A_65, %mul3A_66 : i32
        %add3A_68 = arith.addi %multiple_of3A, %mul3A_67 : i32
        %multiple_of3A_69 = tpu.assume_multiple %add3A_68, 128 : i32
        "tpu.region"() ({
          %run_scoped3A = tpu.sem_alloc : memref<!tpu.dma_semaphore, #tpu.memory_space<semaphore_mem>>
          %dma_start3A_73 = tpu.memref_slice %arg4[%multiple_of3A_69] : memref<1368064xi32, #tpu.memory_space<hbm>> -> memref<128xi32, #tpu.memory_space<hbm>>
          %dma_start3A_74 = tpu.memref_slice %arg4[%multiple_of3A_69] : memref<1368064xi32, #tpu.memory_space<hbm>> -> memref<128xi32, #tpu.memory_space<hbm>>
          tpu.enqueue_dma source(%dma_start3A_74 : memref<128xi32, #tpu.memory_space<hbm>>) target(%arg10 : memref<128xi32, #tpu.memory_space<vmem>>) target_semaphore(%run_scoped3A : memref<!tpu.dma_semaphore, #tpu.memory_space<semaphore_mem>>)
          %dma_wait3A_75 = tpu.memref_slice %arg4[%multiple_of3A_69] : memref<1368064xi32, #tpu.memory_space<hbm>> -> memref<128xi32, #tpu.memory_space<hbm>>
          %dma_wait3A_76 = tpu.memref_slice %arg4[%multiple_of3A_69] : memref<1368064xi32, #tpu.memory_space<hbm>> -> memref<128xi32, #tpu.memory_space<hbm>>
          tpu.wait_dma2 semaphore(%run_scoped3A : memref<!tpu.dma_semaphore, #tpu.memory_space<semaphore_mem>>) src(%dma_wait3A_76 : memref<128xi32, #tpu.memory_space<hbm>>) dst(%arg10 : memref<128xi32, #tpu.memory_space<vmem>>)
          tpu.yield
        }) : () -> ()
        "tpu.region"() ({
          %run_scoped3A = tpu.sem_alloc : memref<!tpu.dma_semaphore, #tpu.memory_space<semaphore_mem>>
          %dma_start3A_73 = tpu.memref_slice %arg3[%multiple_of3A_69] : memref<1368064xi32, #tpu.memory_space<hbm>> -> memref<128xi32, #tpu.memory_space<hbm>>
          %dma_start3A_74 = tpu.memref_slice %arg3[%multiple_of3A_69] : memref<1368064xi32, #tpu.memory_space<hbm>> -> memref<128xi32, #tpu.memory_space<hbm>>
          tpu.enqueue_dma source(%dma_start3A_74 : memref<128xi32, #tpu.memory_space<hbm>>) target(%arg11 : memref<128xi32, #tpu.memory_space<vmem>>) target_semaphore(%run_scoped3A : memref<!tpu.dma_semaphore, #tpu.memory_space<semaphore_mem>>)
          %dma_wait3A_75 = tpu.memref_slice %arg3[%multiple_of3A_69] : memref<1368064xi32, #tpu.memory_space<hbm>> -> memref<128xi32, #tpu.memory_space<hbm>>
          %dma_wait3A_76 = tpu.memref_slice %arg3[%multiple_of3A_69] : memref<1368064xi32, #tpu.memory_space<hbm>> -> memref<128xi32, #tpu.memory_space<hbm>>
          tpu.wait_dma2 semaphore(%run_scoped3A : memref<!tpu.dma_semaphore, #tpu.memory_space<semaphore_mem>>) src(%dma_wait3A_76 : memref<128xi32, #tpu.memory_space<hbm>>) dst(%arg11 : memref<128xi32, #tpu.memory_space<vmem>>)
          tpu.yield
        }) : () -> ()
        %dma_start3A_70 = arith.constant 0 : i32
        %dma_start3A_71 = arith.constant 0 : i32
        %dma_start3A_72 = tpu.memref_slice %arg2[%dma_start3A_70, %dma_start3A_71] : memref<61440x128xf32, #tpu.memory_space<hbm>> -> memref<61440x128xf32, #tpu.memory_space<hbm>>
        tpu.enqueue_indirect_dma source(%dma_start3A_72 : memref<61440x128xf32, #tpu.memory_space<hbm>>) target(%arg13 : memref<128x128xf32, #tpu.memory_space<vmem>>) offsets(%arg10 : memref<128xi32, #tpu.memory_space<vmem>>) semaphore(%arg15 : memref<!tpu.dma_semaphore, #tpu.memory_space<semaphore_mem>>)
      } else {
      }
      %dma_wait3A = arith.constant 0 : i32
      %dma_wait3A_49 = arith.constant 0 : i32
      %dma_wait3A_50 = tpu.memref_slice %arg2[%dma_wait3A, %dma_wait3A_49] : memref<61440x128xf32, #tpu.memory_space<hbm>> -> memref<61440x128xf32, #tpu.memory_space<hbm>>
      tpu.wait_indirect_dma semaphore(%arg14 : memref<!tpu.dma_semaphore, #tpu.memory_space<semaphore_mem>>) src(%dma_wait3A_50 : memref<61440x128xf32, #tpu.memory_space<hbm>>) dst(%arg12 : memref<128x128xf32, #tpu.memory_space<vmem>>)
      "tpu.region"() ({
        %run_scoped3A = tpu.sem_alloc : memref<!tpu.dma_semaphore, #tpu.memory_space<semaphore_mem>>
        %dma_start3A_64 = arith.constant 0 : i32
        %dma_start3A_65 = arith.constant 0 : i32
        %dma_start3A_66 = tpu.memref_slice %arg7[%dma_start3A_64, %dma_start3A_65] : memref<10240x128xf32, #tpu.memory_space<vmem_shared>> -> memref<10240x128xf32, #tpu.memory_space<vmem_shared>>
        tpu.enqueue_indirect_dma source(%arg12 : memref<128x128xf32, #tpu.memory_space<vmem>>) target(%dma_start3A_66 : memref<10240x128xf32, #tpu.memory_space<vmem_shared>>) offsets(%arg9 : memref<128xi32, #tpu.memory_space<vmem>>) semaphore(%run_scoped3A : memref<!tpu.dma_semaphore, #tpu.memory_space<semaphore_mem>>) {add = true}
        %dma_wait3A_67 = arith.constant 0 : i32
        %dma_wait3A_68 = arith.constant 0 : i32
        %dma_wait3A_69 = tpu.memref_slice %arg7[%dma_wait3A_67, %dma_wait3A_68] : memref<10240x128xf32, #tpu.memory_space<vmem_shared>> -> memref<10240x128xf32, #tpu.memory_space<vmem_shared>>
        tpu.wait_indirect_dma semaphore(%run_scoped3A : memref<!tpu.dma_semaphore, #tpu.memory_space<semaphore_mem>>) src(%arg12 : memref<128x128xf32, #tpu.memory_space<vmem>>) dst(%dma_wait3A_69 : memref<10240x128xf32, #tpu.memory_space<vmem_shared>>)
        tpu.yield
      }) : () -> ()
      %mul3A_51 = arith.constant 2 : i32
      %mul3A_52 = arith.muli %mul3A_51, %while3A_43 : i32
      %add3A_53 = arith.constant 1 : i32
      %add3A_54 = arith.addi %mul3A_52, %add3A_53 : i32
      %add3A_55 = arith.constant 1 : i32
      %add3A_56 = arith.addi %add3A_54, %add3A_55 : i32
      %lt3A_57 = arith.cmpi slt, %add3A_56, %select_n3A_3 : i32
      %convert_element_type3A_58 = arith.extui %lt3A_57 : i1 to i32
      %cond3A_59 = arith.constant 0 : i32
      %cond3A_60 = arith.cmpi ne, %convert_element_type3A_58, %cond3A_59 : i32
      scf.if %cond3A_60 {
        %add3A_64 = arith.constant 1 : i32
        %add3A_65 = arith.addi %add3A_54, %add3A_64 : i32
        %mul3A_66 = arith.constant 128 : i32
        %mul3A_67 = arith.muli %add3A_65, %mul3A_66 : i32
        %add3A_68 = arith.addi %multiple_of3A, %mul3A_67 : i32
        %multiple_of3A_69 = tpu.assume_multiple %add3A_68, 128 : i32
        "tpu.region"() ({
          %run_scoped3A = tpu.sem_alloc : memref<!tpu.dma_semaphore, #tpu.memory_space<semaphore_mem>>
          %dma_start3A_73 = tpu.memref_slice %arg4[%multiple_of3A_69] : memref<1368064xi32, #tpu.memory_space<hbm>> -> memref<128xi32, #tpu.memory_space<hbm>>
          %dma_start3A_74 = tpu.memref_slice %arg4[%multiple_of3A_69] : memref<1368064xi32, #tpu.memory_space<hbm>> -> memref<128xi32, #tpu.memory_space<hbm>>
          tpu.enqueue_dma source(%dma_start3A_74 : memref<128xi32, #tpu.memory_space<hbm>>) target(%arg8 : memref<128xi32, #tpu.memory_space<vmem>>) target_semaphore(%run_scoped3A : memref<!tpu.dma_semaphore, #tpu.memory_space<semaphore_mem>>)
          %dma_wait3A_75 = tpu.memref_slice %arg4[%multiple_of3A_69] : memref<1368064xi32, #tpu.memory_space<hbm>> -> memref<128xi32, #tpu.memory_space<hbm>>
          %dma_wait3A_76 = tpu.memref_slice %arg4[%multiple_of3A_69] : memref<1368064xi32, #tpu.memory_space<hbm>> -> memref<128xi32, #tpu.memory_space<hbm>>
          tpu.wait_dma2 semaphore(%run_scoped3A : memref<!tpu.dma_semaphore, #tpu.memory_space<semaphore_mem>>) src(%dma_wait3A_76 : memref<128xi32, #tpu.memory_space<hbm>>) dst(%arg8 : memref<128xi32, #tpu.memory_space<vmem>>)
          tpu.yield
        }) : () -> ()
        "tpu.region"() ({
          %run_scoped3A = tpu.sem_alloc : memref<!tpu.dma_semaphore, #tpu.memory_space<semaphore_mem>>
          %dma_start3A_73 = tpu.memref_slice %arg3[%multiple_of3A_69] : memref<1368064xi32, #tpu.memory_space<hbm>> -> memref<128xi32, #tpu.memory_space<hbm>>
          %dma_start3A_74 = tpu.memref_slice %arg3[%multiple_of3A_69] : memref<1368064xi32, #tpu.memory_space<hbm>> -> memref<128xi32, #tpu.memory_space<hbm>>
          tpu.enqueue_dma source(%dma_start3A_74 : memref<128xi32, #tpu.memory_space<hbm>>) target(%arg9 : memref<128xi32, #tpu.memory_space<vmem>>) target_semaphore(%run_scoped3A : memref<!tpu.dma_semaphore, #tpu.memory_space<semaphore_mem>>)
          %dma_wait3A_75 = tpu.memref_slice %arg3[%multiple_of3A_69] : memref<1368064xi32, #tpu.memory_space<hbm>> -> memref<128xi32, #tpu.memory_space<hbm>>
          %dma_wait3A_76 = tpu.memref_slice %arg3[%multiple_of3A_69] : memref<1368064xi32, #tpu.memory_space<hbm>> -> memref<128xi32, #tpu.memory_space<hbm>>
          tpu.wait_dma2 semaphore(%run_scoped3A : memref<!tpu.dma_semaphore, #tpu.memory_space<semaphore_mem>>) src(%dma_wait3A_76 : memref<128xi32, #tpu.memory_space<hbm>>) dst(%arg9 : memref<128xi32, #tpu.memory_space<vmem>>)
          tpu.yield
        }) : () -> ()
        %dma_start3A_70 = arith.constant 0 : i32
        %dma_start3A_71 = arith.constant 0 : i32
        %dma_start3A_72 = tpu.memref_slice %arg2[%dma_start3A_70, %dma_start3A_71] : memref<61440x128xf32, #tpu.memory_space<hbm>> -> memref<61440x128xf32, #tpu.memory_space<hbm>>
        tpu.enqueue_indirect_dma source(%dma_start3A_72 : memref<61440x128xf32, #tpu.memory_space<hbm>>) target(%arg12 : memref<128x128xf32, #tpu.memory_space<vmem>>) offsets(%arg8 : memref<128xi32, #tpu.memory_space<vmem>>) semaphore(%arg14 : memref<!tpu.dma_semaphore, #tpu.memory_space<semaphore_mem>>)
      } else {
      }
      %dma_wait3A_61 = arith.constant 0 : i32
      %dma_wait3A_62 = arith.constant 0 : i32
      %dma_wait3A_63 = tpu.memref_slice %arg2[%dma_wait3A_61, %dma_wait3A_62] : memref<61440x128xf32, #tpu.memory_space<hbm>> -> memref<61440x128xf32, #tpu.memory_space<hbm>>
      tpu.wait_indirect_dma semaphore(%arg15 : memref<!tpu.dma_semaphore, #tpu.memory_space<semaphore_mem>>) src(%dma_wait3A_63 : memref<61440x128xf32, #tpu.memory_space<hbm>>) dst(%arg13 : memref<128x128xf32, #tpu.memory_space<vmem>>)
      "tpu.region"() ({
        %run_scoped3A = tpu.sem_alloc : memref<!tpu.dma_semaphore, #tpu.memory_space<semaphore_mem>>
        %dma_start3A_64 = arith.constant 0 : i32
        %dma_start3A_65 = arith.constant 0 : i32
        %dma_start3A_66 = tpu.memref_slice %arg7[%dma_start3A_64, %dma_start3A_65] : memref<10240x128xf32, #tpu.memory_space<vmem_shared>> -> memref<10240x128xf32, #tpu.memory_space<vmem_shared>>
        tpu.enqueue_indirect_dma source(%arg13 : memref<128x128xf32, #tpu.memory_space<vmem>>) target(%dma_start3A_66 : memref<10240x128xf32, #tpu.memory_space<vmem_shared>>) offsets(%arg11 : memref<128xi32, #tpu.memory_space<vmem>>) semaphore(%run_scoped3A : memref<!tpu.dma_semaphore, #tpu.memory_space<semaphore_mem>>) {add = true}
        %dma_wait3A_67 = arith.constant 0 : i32
        %dma_wait3A_68 = arith.constant 0 : i32
        %dma_wait3A_69 = tpu.memref_slice %arg7[%dma_wait3A_67, %dma_wait3A_68] : memref<10240x128xf32, #tpu.memory_space<vmem_shared>> -> memref<10240x128xf32, #tpu.memory_space<vmem_shared>>
        tpu.wait_indirect_dma semaphore(%run_scoped3A : memref<!tpu.dma_semaphore, #tpu.memory_space<semaphore_mem>>) src(%arg13 : memref<128x128xf32, #tpu.memory_space<vmem>>) dst(%dma_wait3A_69 : memref<10240x128xf32, #tpu.memory_space<vmem_shared>>)
        tpu.yield
      }) : () -> ()
    }
    %barrier3A_42 = arith.constant 0 : index
    tpu.barrier barrier_id(%barrier3A_42)
    "tpu.region"() ({
      %run_scoped3A = tpu.sem_alloc : memref<!tpu.dma_semaphore, #tpu.memory_space<semaphore_mem>>
      %dma_start3A_43 = arith.constant 0 : i32
      %dma_start3A_44 = tpu.memref_slice %arg6[%arg0, %mul3A_0, %dma_start3A_43] : memref<2x10240x128xf32, #tpu.memory_space<hbm>> -> memref<1x640x128xf32, #tpu.memory_space<hbm>>
      %dma_start3A_45 = tpu.memref_squeeze %dma_start3A_44 : memref<1x640x128xf32, #tpu.memory_space<hbm>> -> memref<640x128xf32, #tpu.memory_space<hbm>>
      %dma_start3A_46 = arith.constant 0 : i32
      %dma_start3A_47 = tpu.memref_slice %arg7[%mul3A_0, %dma_start3A_46] : memref<10240x128xf32, #tpu.memory_space<vmem_shared>> -> memref<640x128xf32, #tpu.memory_space<vmem_shared>>
      tpu.enqueue_dma source(%dma_start3A_47 : memref<640x128xf32, #tpu.memory_space<vmem_shared>>) target(%dma_start3A_45 : memref<640x128xf32, #tpu.memory_space<hbm>>) target_semaphore(%run_scoped3A : memref<!tpu.dma_semaphore, #tpu.memory_space<semaphore_mem>>)
      %dma_wait3A = arith.constant 0 : i32
      %dma_wait3A_48 = tpu.memref_slice %arg6[%arg0, %mul3A_0, %dma_wait3A] : memref<2x10240x128xf32, #tpu.memory_space<hbm>> -> memref<1x640x128xf32, #tpu.memory_space<hbm>>
      %dma_wait3A_49 = tpu.memref_squeeze %dma_wait3A_48 : memref<1x640x128xf32, #tpu.memory_space<hbm>> -> memref<640x128xf32, #tpu.memory_space<hbm>>
      %dma_wait3A_50 = arith.constant 0 : i32
      %dma_wait3A_51 = tpu.memref_slice %arg7[%mul3A_0, %dma_wait3A_50] : memref<10240x128xf32, #tpu.memory_space<vmem_shared>> -> memref<640x128xf32, #tpu.memory_space<vmem_shared>>
      tpu.wait_dma2 semaphore(%run_scoped3A : memref<!tpu.dma_semaphore, #tpu.memory_space<semaphore_mem>>) src(%dma_wait3A_51 : memref<640x128xf32, #tpu.memory_space<vmem_shared>>) dst(%dma_wait3A_49 : memref<640x128xf32, #tpu.memory_space<hbm>>)
      tpu.yield
    }) : () -> ()
    return
  }
}

#map = affine_map<(d0, d1) -> (0, 0)>
#map1 = affine_map<(d0, d1) -> (0)>
#map2 = affine_map<(d0, d1) -> (0, 0, 0)>
module attributes {stable_mosaic.version = 14 : i64} {
  func.func @_sc_edge_body(%arg0: i32, %arg1: i32, %arg2: memref<61440x128xf32, #tpu.memory_space<hbm>>, %arg3: memref<1368064xi32, #tpu.memory_space<hbm>>, %arg4: memref<1368064xi32, #tpu.memory_space<hbm>>, %arg5: memref<10240x128xf32, #tpu.memory_space<hbm>>, %arg6: memref<2x10240x128xf32, #tpu.memory_space<hbm>>, %arg7: memref<10240x128xf32, #tpu.memory_space<vmem_shared>>, %arg8: memref<128xi32, #tpu.memory_space<vmem>>, %arg9: memref<128xi32, #tpu.memory_space<vmem>>, %arg10: memref<128xi32, #tpu.memory_space<vmem>>, %arg11: memref<128xi32, #tpu.memory_space<vmem>>, %arg12: memref<128x128xf32, #tpu.memory_space<vmem>>, %arg13: memref<128x128xf32, #tpu.memory_space<vmem>>, %arg14: memref<!tpu.dma_semaphore, #tpu.memory_space<semaphore_mem>>, %arg15: memref<!tpu.dma_semaphore, #tpu.memory_space<semaphore_mem>>) attributes {dimension_semantics = [#tpu.dimension_semantics<core_parallel>, #tpu.dimension_semantics<subcore_parallel>], iteration_bounds = array<i64: 2, 16>, scalar_prefetch = 0 : i64, scratch_operands = 9 : i64, tpu.core_type = #tpu.core_type<sc_vector_subcore>, window_params = [{transform_indices = #map}, {transform_indices = #map1}, {transform_indices = #map1}, {transform_indices = #map}, {transform_indices = #map2}]} {
    %mul3A = arith.constant 640 : i32
    %mul3A_0 = arith.muli %arg1, %mul3A : i32
    "tpu.region"() ({
      %run_scoped3A = tpu.sem_alloc : memref<!tpu.dma_semaphore, #tpu.memory_space<semaphore_mem>>
      %dma_start3A_43 = arith.constant 0 : i32
      %dma_start3A_44 = tpu.memref_slice %arg7[%mul3A_0, %dma_start3A_43] : memref<10240x128xf32, #tpu.memory_space<vmem_shared>> -> memref<640x128xf32, #tpu.memory_space<vmem_shared>>
      %dma_start3A_45 = arith.constant 0 : i32
      %dma_start3A_46 = tpu.memref_slice %arg5[%mul3A_0, %dma_start3A_45] : memref<10240x128xf32, #tpu.memory_space<hbm>> -> memref<640x128xf32, #tpu.memory_space<hbm>>
      tpu.enqueue_dma source(%dma_start3A_46 : memref<640x128xf32, #tpu.memory_space<hbm>>) target(%dma_start3A_44 : memref<640x128xf32, #tpu.memory_space<vmem_shared>>) target_semaphore(%run_scoped3A : memref<!tpu.dma_semaphore, #tpu.memory_space<semaphore_mem>>)
      %dma_wait3A = arith.constant 0 : i32
      %dma_wait3A_47 = tpu.memref_slice %arg7[%mul3A_0, %dma_wait3A] : memref<10240x128xf32, #tpu.memory_space<vmem_shared>> -> memref<640x128xf32, #tpu.memory_space<vmem_shared>>
      %dma_wait3A_48 = arith.constant 0 : i32
      %dma_wait3A_49 = tpu.memref_slice %arg5[%mul3A_0, %dma_wait3A_48] : memref<10240x128xf32, #tpu.memory_space<hbm>> -> memref<640x128xf32, #tpu.memory_space<hbm>>
      tpu.wait_dma2 semaphore(%run_scoped3A : memref<!tpu.dma_semaphore, #tpu.memory_space<semaphore_mem>>) src(%dma_wait3A_49 : memref<640x128xf32, #tpu.memory_space<hbm>>) dst(%dma_wait3A_47 : memref<640x128xf32, #tpu.memory_space<vmem_shared>>)
      tpu.yield
    }) : () -> ()
    %barrier3A = arith.constant 0 : index
    tpu.barrier barrier_id(%barrier3A)
    %eq3A = arith.constant 0 : i32
    %eq3A_1 = arith.cmpi eq, %arg0, %eq3A : i32
    %select_n3A = arith.constant 264 : i32
    %select_n3A_2 = arith.constant 404 : i32
    %select_n3A_3 = arith.select %eq3A_1, %select_n3A_2, %select_n3A : i32
    %eq3A_4 = arith.constant 0 : i32
    %eq3A_5 = arith.cmpi eq, %arg0, %eq3A_4 : i32
    %mul3A_6 = arith.constant 404 : i32
    %mul3A_7 = arith.muli %arg1, %mul3A_6 : i32
    %mul3A_8 = arith.constant 264 : i32
    %mul3A_9 = arith.muli %arg1, %mul3A_8 : i32
    %add3A = arith.constant 6464 : i32
    %add3A_10 = arith.addi %add3A, %mul3A_9 : i32
    %select_n3A_11 = arith.select %eq3A_5, %mul3A_7, %add3A_10 : i32
    %mul3A_12 = arith.constant 128 : i32
    %mul3A_13 = arith.muli %select_n3A_11, %mul3A_12 : i32
    %multiple_of3A = tpu.assume_multiple %mul3A_13, 128 : i32
    "tpu.region"() ({
      %run_scoped3A = tpu.sem_alloc : memref<!tpu.dma_semaphore, #tpu.memory_space<semaphore_mem>>
      %dma_start3A_43 = tpu.memref_slice %arg4[%multiple_of3A] : memref<1368064xi32, #tpu.memory_space<hbm>> -> memref<128xi32, #tpu.memory_space<hbm>>
      %dma_start3A_44 = tpu.memref_slice %arg4[%multiple_of3A] : memref<1368064xi32, #tpu.memory_space<hbm>> -> memref<128xi32, #tpu.memory_space<hbm>>
      tpu.enqueue_dma source(%dma_start3A_44 : memref<128xi32, #tpu.memory_space<hbm>>) target(%arg8 : memref<128xi32, #tpu.memory_space<vmem>>) target_semaphore(%run_scoped3A : memref<!tpu.dma_semaphore, #tpu.memory_space<semaphore_mem>>)
      %dma_wait3A = tpu.memref_slice %arg4[%multiple_of3A] : memref<1368064xi32, #tpu.memory_space<hbm>> -> memref<128xi32, #tpu.memory_space<hbm>>
      %dma_wait3A_45 = tpu.memref_slice %arg4[%multiple_of3A] : memref<1368064xi32, #tpu.memory_space<hbm>> -> memref<128xi32, #tpu.memory_space<hbm>>
      tpu.wait_dma2 semaphore(%run_scoped3A : memref<!tpu.dma_semaphore, #tpu.memory_space<semaphore_mem>>) src(%dma_wait3A_45 : memref<128xi32, #tpu.memory_space<hbm>>) dst(%arg8 : memref<128xi32, #tpu.memory_space<vmem>>)
      tpu.yield
    }) : () -> ()
    "tpu.region"() ({
      %run_scoped3A = tpu.sem_alloc : memref<!tpu.dma_semaphore, #tpu.memory_space<semaphore_mem>>
      %dma_start3A_43 = tpu.memref_slice %arg3[%multiple_of3A] : memref<1368064xi32, #tpu.memory_space<hbm>> -> memref<128xi32, #tpu.memory_space<hbm>>
      %dma_start3A_44 = tpu.memref_slice %arg3[%multiple_of3A] : memref<1368064xi32, #tpu.memory_space<hbm>> -> memref<128xi32, #tpu.memory_space<hbm>>
      tpu.enqueue_dma source(%dma_start3A_44 : memref<128xi32, #tpu.memory_space<hbm>>) target(%arg9 : memref<128xi32, #tpu.memory_space<vmem>>) target_semaphore(%run_scoped3A : memref<!tpu.dma_semaphore, #tpu.memory_space<semaphore_mem>>)
      %dma_wait3A = tpu.memref_slice %arg3[%multiple_of3A] : memref<1368064xi32, #tpu.memory_space<hbm>> -> memref<128xi32, #tpu.memory_space<hbm>>
      %dma_wait3A_45 = tpu.memref_slice %arg3[%multiple_of3A] : memref<1368064xi32, #tpu.memory_space<hbm>> -> memref<128xi32, #tpu.memory_space<hbm>>
      tpu.wait_dma2 semaphore(%run_scoped3A : memref<!tpu.dma_semaphore, #tpu.memory_space<semaphore_mem>>) src(%dma_wait3A_45 : memref<128xi32, #tpu.memory_space<hbm>>) dst(%arg9 : memref<128xi32, #tpu.memory_space<vmem>>)
      tpu.yield
    }) : () -> ()
    %dma_start3A = arith.constant 0 : i32
    %dma_start3A_14 = arith.constant 0 : i32
    %dma_start3A_15 = tpu.memref_slice %arg2[%dma_start3A, %dma_start3A_14] : memref<61440x128xf32, #tpu.memory_space<hbm>> -> memref<61440x128xf32, #tpu.memory_space<hbm>>
    tpu.enqueue_indirect_dma source(%dma_start3A_15 : memref<61440x128xf32, #tpu.memory_space<hbm>>) target(%arg12 : memref<128x128xf32, #tpu.memory_space<vmem>>) offsets(%arg8 : memref<128xi32, #tpu.memory_space<vmem>>) semaphore(%arg14 : memref<!tpu.dma_semaphore, #tpu.memory_space<semaphore_mem>>)
    %jit3A = arith.constant 2 : i32
    %div3A = arith.divsi %select_n3A_3, %jit3A : i32
    %sign3A = arith.constant 0 : i32
    %sign3A_16 = arith.cmpi sgt, %select_n3A_3, %sign3A : i32
    %sign3A_17 = arith.extui %sign3A_16 : i1 to i32
    %sign3A_18 = arith.constant 0 : i32
    %sign3A_19 = arith.cmpi slt, %select_n3A_3, %sign3A_18 : i32
    %sign3A_20 = arith.extui %sign3A_19 : i1 to i32
    %sign3A_21 = arith.subi %sign3A_17, %sign3A_20 : i32
    %sign3A_22 = arith.constant 0 : i32
    %sign3A_23 = arith.cmpi sgt, %jit3A, %sign3A_22 : i32
    %sign3A_24 = arith.extui %sign3A_23 : i1 to i32
    %sign3A_25 = arith.constant 0 : i32
    %sign3A_26 = arith.cmpi slt, %jit3A, %sign3A_25 : i32
    %sign3A_27 = arith.extui %sign3A_26 : i1 to i32
    %sign3A_28 = arith.subi %sign3A_24, %sign3A_27 : i32
    %ne3A = arith.cmpi ne, %sign3A_21, %sign3A_28 : i32
    %rem3A = arith.remsi %select_n3A_3, %jit3A : i32
    %ne3A_29 = arith.constant 0 : i32
    %ne3A_30 = arith.cmpi ne, %rem3A, %ne3A_29 : i32
    %and3A = arith.andi %ne3A, %ne3A_30 : i1
    %sub3A = arith.constant 1 : i32
    %sub3A_31 = arith.subi %div3A, %sub3A : i32
    %select_n3A_32 = arith.select %and3A, %sub3A_31, %div3A : i32
    %while3A = arith.constant 0 : i32
    %while3A_33 = arith.constant 0 : i32
    %while3A_34 = arith.subi %select_n3A_32, %while3A_33 : i32
    %while3A_35 = arith.addi %while3A_33, %while3A_34 : i32
    %while3A_36 = arith.constant 1 : i32
    %while3A_37 = arith.divsi %while3A_34, %while3A_36 : i32
    %while3A_38 = arith.muli %while3A_37, %while3A_36 : i32
    %while3A_39 = arith.addi %while3A_33, %while3A_38 : i32
    %while3A_40 = arith.constant 1 : i32
    scf.for %while3A_43 = %while3A_33 to %while3A_39 step %while3A_40  : i32 {
      %mul3A_44 = arith.constant 2 : i32
      %mul3A_45 = arith.muli %mul3A_44, %while3A_43 : i32
      %add3A_46 = arith.constant 1 : i32
      %add3A_47 = arith.addi %mul3A_45, %add3A_46 : i32
      %lt3A = arith.cmpi slt, %add3A_47, %select_n3A_3 : i32
      %convert_element_type3A = arith.extui %lt3A : i1 to i32
      %cond3A = arith.constant 0 : i32
      %cond3A_48 = arith.cmpi ne, %convert_element_type3A, %cond3A : i32
      scf.if %cond3A_48 {
        %add3A_64 = arith.constant 1 : i32
        %add3A_65 = arith.addi %mul3A_45, %add3A_64 : i32
        %mul3A_66 = arith.constant 128 : i32
        %mul3A_67 = arith.muli %add3A_65, %mul3A_66 : i32
        %add3A_68 = arith.addi %multiple_of3A, %mul3A_67 : i32
        %multiple_of3A_69 = tpu.assume_multiple %add3A_68, 128 : i32
        "tpu.region"() ({
          %run_scoped3A = tpu.sem_alloc : memref<!tpu.dma_semaphore, #tpu.memory_space<semaphore_mem>>
          %dma_start3A_73 = tpu.memref_slice %arg4[%multiple_of3A_69] : memref<1368064xi32, #tpu.memory_space<hbm>> -> memref<128xi32, #tpu.memory_space<hbm>>
          %dma_start3A_74 = tpu.memref_slice %arg4[%multiple_of3A_69] : memref<1368064xi32, #tpu.memory_space<hbm>> -> memref<128xi32, #tpu.memory_space<hbm>>
          tpu.enqueue_dma source(%dma_start3A_74 : memref<128xi32, #tpu.memory_space<hbm>>) target(%arg10 : memref<128xi32, #tpu.memory_space<vmem>>) target_semaphore(%run_scoped3A : memref<!tpu.dma_semaphore, #tpu.memory_space<semaphore_mem>>)
          %dma_wait3A_75 = tpu.memref_slice %arg4[%multiple_of3A_69] : memref<1368064xi32, #tpu.memory_space<hbm>> -> memref<128xi32, #tpu.memory_space<hbm>>
          %dma_wait3A_76 = tpu.memref_slice %arg4[%multiple_of3A_69] : memref<1368064xi32, #tpu.memory_space<hbm>> -> memref<128xi32, #tpu.memory_space<hbm>>
          tpu.wait_dma2 semaphore(%run_scoped3A : memref<!tpu.dma_semaphore, #tpu.memory_space<semaphore_mem>>) src(%dma_wait3A_76 : memref<128xi32, #tpu.memory_space<hbm>>) dst(%arg10 : memref<128xi32, #tpu.memory_space<vmem>>)
          tpu.yield
        }) : () -> ()
        "tpu.region"() ({
          %run_scoped3A = tpu.sem_alloc : memref<!tpu.dma_semaphore, #tpu.memory_space<semaphore_mem>>
          %dma_start3A_73 = tpu.memref_slice %arg3[%multiple_of3A_69] : memref<1368064xi32, #tpu.memory_space<hbm>> -> memref<128xi32, #tpu.memory_space<hbm>>
          %dma_start3A_74 = tpu.memref_slice %arg3[%multiple_of3A_69] : memref<1368064xi32, #tpu.memory_space<hbm>> -> memref<128xi32, #tpu.memory_space<hbm>>
          tpu.enqueue_dma source(%dma_start3A_74 : memref<128xi32, #tpu.memory_space<hbm>>) target(%arg11 : memref<128xi32, #tpu.memory_space<vmem>>) target_semaphore(%run_scoped3A : memref<!tpu.dma_semaphore, #tpu.memory_space<semaphore_mem>>)
          %dma_wait3A_75 = tpu.memref_slice %arg3[%multiple_of3A_69] : memref<1368064xi32, #tpu.memory_space<hbm>> -> memref<128xi32, #tpu.memory_space<hbm>>
          %dma_wait3A_76 = tpu.memref_slice %arg3[%multiple_of3A_69] : memref<1368064xi32, #tpu.memory_space<hbm>> -> memref<128xi32, #tpu.memory_space<hbm>>
          tpu.wait_dma2 semaphore(%run_scoped3A : memref<!tpu.dma_semaphore, #tpu.memory_space<semaphore_mem>>) src(%dma_wait3A_76 : memref<128xi32, #tpu.memory_space<hbm>>) dst(%arg11 : memref<128xi32, #tpu.memory_space<vmem>>)
          tpu.yield
        }) : () -> ()
        %dma_start3A_70 = arith.constant 0 : i32
        %dma_start3A_71 = arith.constant 0 : i32
        %dma_start3A_72 = tpu.memref_slice %arg2[%dma_start3A_70, %dma_start3A_71] : memref<61440x128xf32, #tpu.memory_space<hbm>> -> memref<61440x128xf32, #tpu.memory_space<hbm>>
        tpu.enqueue_indirect_dma source(%dma_start3A_72 : memref<61440x128xf32, #tpu.memory_space<hbm>>) target(%arg13 : memref<128x128xf32, #tpu.memory_space<vmem>>) offsets(%arg10 : memref<128xi32, #tpu.memory_space<vmem>>) semaphore(%arg15 : memref<!tpu.dma_semaphore, #tpu.memory_space<semaphore_mem>>)
      } else {
      }
      %dma_wait3A = arith.constant 0 : i32
      %dma_wait3A_49 = arith.constant 0 : i32
      %dma_wait3A_50 = tpu.memref_slice %arg2[%dma_wait3A, %dma_wait3A_49] : memref<61440x128xf32, #tpu.memory_space<hbm>> -> memref<61440x128xf32, #tpu.memory_space<hbm>>
      tpu.wait_indirect_dma semaphore(%arg14 : memref<!tpu.dma_semaphore, #tpu.memory_space<semaphore_mem>>) src(%dma_wait3A_50 : memref<61440x128xf32, #tpu.memory_space<hbm>>) dst(%arg12 : memref<128x128xf32, #tpu.memory_space<vmem>>)
      "tpu.region"() ({
        %run_scoped3A = tpu.sem_alloc : memref<!tpu.dma_semaphore, #tpu.memory_space<semaphore_mem>>
        %dma_start3A_64 = arith.constant 0 : i32
        %dma_start3A_65 = arith.constant 0 : i32
        %dma_start3A_66 = tpu.memref_slice %arg7[%dma_start3A_64, %dma_start3A_65] : memref<10240x128xf32, #tpu.memory_space<vmem_shared>> -> memref<10240x128xf32, #tpu.memory_space<vmem_shared>>
        tpu.enqueue_indirect_dma source(%arg12 : memref<128x128xf32, #tpu.memory_space<vmem>>) target(%dma_start3A_66 : memref<10240x128xf32, #tpu.memory_space<vmem_shared>>) offsets(%arg9 : memref<128xi32, #tpu.memory_space<vmem>>) semaphore(%run_scoped3A : memref<!tpu.dma_semaphore, #tpu.memory_space<semaphore_mem>>) {add = true}
        %dma_wait3A_67 = arith.constant 0 : i32
        %dma_wait3A_68 = arith.constant 0 : i32
        %dma_wait3A_69 = tpu.memref_slice %arg7[%dma_wait3A_67, %dma_wait3A_68] : memref<10240x128xf32, #tpu.memory_space<vmem_shared>> -> memref<10240x128xf32, #tpu.memory_space<vmem_shared>>
        tpu.wait_indirect_dma semaphore(%run_scoped3A : memref<!tpu.dma_semaphore, #tpu.memory_space<semaphore_mem>>) src(%arg12 : memref<128x128xf32, #tpu.memory_space<vmem>>) dst(%dma_wait3A_69 : memref<10240x128xf32, #tpu.memory_space<vmem_shared>>)
        tpu.yield
      }) : () -> ()
      %mul3A_51 = arith.constant 2 : i32
      %mul3A_52 = arith.muli %mul3A_51, %while3A_43 : i32
      %add3A_53 = arith.constant 1 : i32
      %add3A_54 = arith.addi %mul3A_52, %add3A_53 : i32
      %add3A_55 = arith.constant 1 : i32
      %add3A_56 = arith.addi %add3A_54, %add3A_55 : i32
      %lt3A_57 = arith.cmpi slt, %add3A_56, %select_n3A_3 : i32
      %convert_element_type3A_58 = arith.extui %lt3A_57 : i1 to i32
      %cond3A_59 = arith.constant 0 : i32
      %cond3A_60 = arith.cmpi ne, %convert_element_type3A_58, %cond3A_59 : i32
      scf.if %cond3A_60 {
        %add3A_64 = arith.constant 1 : i32
        %add3A_65 = arith.addi %add3A_54, %add3A_64 : i32
        %mul3A_66 = arith.constant 128 : i32
        %mul3A_67 = arith.muli %add3A_65, %mul3A_66 : i32
        %add3A_68 = arith.addi %multiple_of3A, %mul3A_67 : i32
        %multiple_of3A_69 = tpu.assume_multiple %add3A_68, 128 : i32
        "tpu.region"() ({
          %run_scoped3A = tpu.sem_alloc : memref<!tpu.dma_semaphore, #tpu.memory_space<semaphore_mem>>
          %dma_start3A_73 = tpu.memref_slice %arg4[%multiple_of3A_69] : memref<1368064xi32, #tpu.memory_space<hbm>> -> memref<128xi32, #tpu.memory_space<hbm>>
          %dma_start3A_74 = tpu.memref_slice %arg4[%multiple_of3A_69] : memref<1368064xi32, #tpu.memory_space<hbm>> -> memref<128xi32, #tpu.memory_space<hbm>>
          tpu.enqueue_dma source(%dma_start3A_74 : memref<128xi32, #tpu.memory_space<hbm>>) target(%arg8 : memref<128xi32, #tpu.memory_space<vmem>>) target_semaphore(%run_scoped3A : memref<!tpu.dma_semaphore, #tpu.memory_space<semaphore_mem>>)
          %dma_wait3A_75 = tpu.memref_slice %arg4[%multiple_of3A_69] : memref<1368064xi32, #tpu.memory_space<hbm>> -> memref<128xi32, #tpu.memory_space<hbm>>
          %dma_wait3A_76 = tpu.memref_slice %arg4[%multiple_of3A_69] : memref<1368064xi32, #tpu.memory_space<hbm>> -> memref<128xi32, #tpu.memory_space<hbm>>
          tpu.wait_dma2 semaphore(%run_scoped3A : memref<!tpu.dma_semaphore, #tpu.memory_space<semaphore_mem>>) src(%dma_wait3A_76 : memref<128xi32, #tpu.memory_space<hbm>>) dst(%arg8 : memref<128xi32, #tpu.memory_space<vmem>>)
          tpu.yield
        }) : () -> ()
        "tpu.region"() ({
          %run_scoped3A = tpu.sem_alloc : memref<!tpu.dma_semaphore, #tpu.memory_space<semaphore_mem>>
          %dma_start3A_73 = tpu.memref_slice %arg3[%multiple_of3A_69] : memref<1368064xi32, #tpu.memory_space<hbm>> -> memref<128xi32, #tpu.memory_space<hbm>>
          %dma_start3A_74 = tpu.memref_slice %arg3[%multiple_of3A_69] : memref<1368064xi32, #tpu.memory_space<hbm>> -> memref<128xi32, #tpu.memory_space<hbm>>
          tpu.enqueue_dma source(%dma_start3A_74 : memref<128xi32, #tpu.memory_space<hbm>>) target(%arg9 : memref<128xi32, #tpu.memory_space<vmem>>) target_semaphore(%run_scoped3A : memref<!tpu.dma_semaphore, #tpu.memory_space<semaphore_mem>>)
          %dma_wait3A_75 = tpu.memref_slice %arg3[%multiple_of3A_69] : memref<1368064xi32, #tpu.memory_space<hbm>> -> memref<128xi32, #tpu.memory_space<hbm>>
          %dma_wait3A_76 = tpu.memref_slice %arg3[%multiple_of3A_69] : memref<1368064xi32, #tpu.memory_space<hbm>> -> memref<128xi32, #tpu.memory_space<hbm>>
          tpu.wait_dma2 semaphore(%run_scoped3A : memref<!tpu.dma_semaphore, #tpu.memory_space<semaphore_mem>>) src(%dma_wait3A_76 : memref<128xi32, #tpu.memory_space<hbm>>) dst(%arg9 : memref<128xi32, #tpu.memory_space<vmem>>)
          tpu.yield
        }) : () -> ()
        %dma_start3A_70 = arith.constant 0 : i32
        %dma_start3A_71 = arith.constant 0 : i32
        %dma_start3A_72 = tpu.memref_slice %arg2[%dma_start3A_70, %dma_start3A_71] : memref<61440x128xf32, #tpu.memory_space<hbm>> -> memref<61440x128xf32, #tpu.memory_space<hbm>>
        tpu.enqueue_indirect_dma source(%dma_start3A_72 : memref<61440x128xf32, #tpu.memory_space<hbm>>) target(%arg12 : memref<128x128xf32, #tpu.memory_space<vmem>>) offsets(%arg8 : memref<128xi32, #tpu.memory_space<vmem>>) semaphore(%arg14 : memref<!tpu.dma_semaphore, #tpu.memory_space<semaphore_mem>>)
      } else {
      }
      %dma_wait3A_61 = arith.constant 0 : i32
      %dma_wait3A_62 = arith.constant 0 : i32
      %dma_wait3A_63 = tpu.memref_slice %arg2[%dma_wait3A_61, %dma_wait3A_62] : memref<61440x128xf32, #tpu.memory_space<hbm>> -> memref<61440x128xf32, #tpu.memory_space<hbm>>
      tpu.wait_indirect_dma semaphore(%arg15 : memref<!tpu.dma_semaphore, #tpu.memory_space<semaphore_mem>>) src(%dma_wait3A_63 : memref<61440x128xf32, #tpu.memory_space<hbm>>) dst(%arg13 : memref<128x128xf32, #tpu.memory_space<vmem>>)
      "tpu.region"() ({
        %run_scoped3A = tpu.sem_alloc : memref<!tpu.dma_semaphore, #tpu.memory_space<semaphore_mem>>
        %dma_start3A_64 = arith.constant 0 : i32
        %dma_start3A_65 = arith.constant 0 : i32
        %dma_start3A_66 = tpu.memref_slice %arg7[%dma_start3A_64, %dma_start3A_65] : memref<10240x128xf32, #tpu.memory_space<vmem_shared>> -> memref<10240x128xf32, #tpu.memory_space<vmem_shared>>
        tpu.enqueue_indirect_dma source(%arg13 : memref<128x128xf32, #tpu.memory_space<vmem>>) target(%dma_start3A_66 : memref<10240x128xf32, #tpu.memory_space<vmem_shared>>) offsets(%arg11 : memref<128xi32, #tpu.memory_space<vmem>>) semaphore(%run_scoped3A : memref<!tpu.dma_semaphore, #tpu.memory_space<semaphore_mem>>) {add = true}
        %dma_wait3A_67 = arith.constant 0 : i32
        %dma_wait3A_68 = arith.constant 0 : i32
        %dma_wait3A_69 = tpu.memref_slice %arg7[%dma_wait3A_67, %dma_wait3A_68] : memref<10240x128xf32, #tpu.memory_space<vmem_shared>> -> memref<10240x128xf32, #tpu.memory_space<vmem_shared>>
        tpu.wait_indirect_dma semaphore(%run_scoped3A : memref<!tpu.dma_semaphore, #tpu.memory_space<semaphore_mem>>) src(%arg13 : memref<128x128xf32, #tpu.memory_space<vmem>>) dst(%dma_wait3A_69 : memref<10240x128xf32, #tpu.memory_space<vmem_shared>>)
        tpu.yield
      }) : () -> ()
    }
    %while3A_41 = arith.constant 1 : i32
    scf.for %while3A_43 = %while3A_39 to %while3A_35 step %while3A_41  : i32 {
      %mul3A_44 = arith.constant 2 : i32
      %mul3A_45 = arith.muli %mul3A_44, %while3A_43 : i32
      %add3A_46 = arith.constant 1 : i32
      %add3A_47 = arith.addi %mul3A_45, %add3A_46 : i32
      %lt3A = arith.cmpi slt, %add3A_47, %select_n3A_3 : i32
      %convert_element_type3A = arith.extui %lt3A : i1 to i32
      %cond3A = arith.constant 0 : i32
      %cond3A_48 = arith.cmpi ne, %convert_element_type3A, %cond3A : i32
      scf.if %cond3A_48 {
        %add3A_64 = arith.constant 1 : i32
        %add3A_65 = arith.addi %mul3A_45, %add3A_64 : i32
        %mul3A_66 = arith.constant 128 : i32
        %mul3A_67 = arith.muli %add3A_65, %mul3A_66 : i32
        %add3A_68 = arith.addi %multiple_of3A, %mul3A_67 : i32
        %multiple_of3A_69 = tpu.assume_multiple %add3A_68, 128 : i32
        "tpu.region"() ({
          %run_scoped3A = tpu.sem_alloc : memref<!tpu.dma_semaphore, #tpu.memory_space<semaphore_mem>>
          %dma_start3A_73 = tpu.memref_slice %arg4[%multiple_of3A_69] : memref<1368064xi32, #tpu.memory_space<hbm>> -> memref<128xi32, #tpu.memory_space<hbm>>
          %dma_start3A_74 = tpu.memref_slice %arg4[%multiple_of3A_69] : memref<1368064xi32, #tpu.memory_space<hbm>> -> memref<128xi32, #tpu.memory_space<hbm>>
          tpu.enqueue_dma source(%dma_start3A_74 : memref<128xi32, #tpu.memory_space<hbm>>) target(%arg10 : memref<128xi32, #tpu.memory_space<vmem>>) target_semaphore(%run_scoped3A : memref<!tpu.dma_semaphore, #tpu.memory_space<semaphore_mem>>)
          %dma_wait3A_75 = tpu.memref_slice %arg4[%multiple_of3A_69] : memref<1368064xi32, #tpu.memory_space<hbm>> -> memref<128xi32, #tpu.memory_space<hbm>>
          %dma_wait3A_76 = tpu.memref_slice %arg4[%multiple_of3A_69] : memref<1368064xi32, #tpu.memory_space<hbm>> -> memref<128xi32, #tpu.memory_space<hbm>>
          tpu.wait_dma2 semaphore(%run_scoped3A : memref<!tpu.dma_semaphore, #tpu.memory_space<semaphore_mem>>) src(%dma_wait3A_76 : memref<128xi32, #tpu.memory_space<hbm>>) dst(%arg10 : memref<128xi32, #tpu.memory_space<vmem>>)
          tpu.yield
        }) : () -> ()
        "tpu.region"() ({
          %run_scoped3A = tpu.sem_alloc : memref<!tpu.dma_semaphore, #tpu.memory_space<semaphore_mem>>
          %dma_start3A_73 = tpu.memref_slice %arg3[%multiple_of3A_69] : memref<1368064xi32, #tpu.memory_space<hbm>> -> memref<128xi32, #tpu.memory_space<hbm>>
          %dma_start3A_74 = tpu.memref_slice %arg3[%multiple_of3A_69] : memref<1368064xi32, #tpu.memory_space<hbm>> -> memref<128xi32, #tpu.memory_space<hbm>>
          tpu.enqueue_dma source(%dma_start3A_74 : memref<128xi32, #tpu.memory_space<hbm>>) target(%arg11 : memref<128xi32, #tpu.memory_space<vmem>>) target_semaphore(%run_scoped3A : memref<!tpu.dma_semaphore, #tpu.memory_space<semaphore_mem>>)
          %dma_wait3A_75 = tpu.memref_slice %arg3[%multiple_of3A_69] : memref<1368064xi32, #tpu.memory_space<hbm>> -> memref<128xi32, #tpu.memory_space<hbm>>
          %dma_wait3A_76 = tpu.memref_slice %arg3[%multiple_of3A_69] : memref<1368064xi32, #tpu.memory_space<hbm>> -> memref<128xi32, #tpu.memory_space<hbm>>
          tpu.wait_dma2 semaphore(%run_scoped3A : memref<!tpu.dma_semaphore, #tpu.memory_space<semaphore_mem>>) src(%dma_wait3A_76 : memref<128xi32, #tpu.memory_space<hbm>>) dst(%arg11 : memref<128xi32, #tpu.memory_space<vmem>>)
          tpu.yield
        }) : () -> ()
        %dma_start3A_70 = arith.constant 0 : i32
        %dma_start3A_71 = arith.constant 0 : i32
        %dma_start3A_72 = tpu.memref_slice %arg2[%dma_start3A_70, %dma_start3A_71] : memref<61440x128xf32, #tpu.memory_space<hbm>> -> memref<61440x128xf32, #tpu.memory_space<hbm>>
        tpu.enqueue_indirect_dma source(%dma_start3A_72 : memref<61440x128xf32, #tpu.memory_space<hbm>>) target(%arg13 : memref<128x128xf32, #tpu.memory_space<vmem>>) offsets(%arg10 : memref<128xi32, #tpu.memory_space<vmem>>) semaphore(%arg15 : memref<!tpu.dma_semaphore, #tpu.memory_space<semaphore_mem>>)
      } else {
      }
      %dma_wait3A = arith.constant 0 : i32
      %dma_wait3A_49 = arith.constant 0 : i32
      %dma_wait3A_50 = tpu.memref_slice %arg2[%dma_wait3A, %dma_wait3A_49] : memref<61440x128xf32, #tpu.memory_space<hbm>> -> memref<61440x128xf32, #tpu.memory_space<hbm>>
      tpu.wait_indirect_dma semaphore(%arg14 : memref<!tpu.dma_semaphore, #tpu.memory_space<semaphore_mem>>) src(%dma_wait3A_50 : memref<61440x128xf32, #tpu.memory_space<hbm>>) dst(%arg12 : memref<128x128xf32, #tpu.memory_space<vmem>>)
      "tpu.region"() ({
        %run_scoped3A = tpu.sem_alloc : memref<!tpu.dma_semaphore, #tpu.memory_space<semaphore_mem>>
        %dma_start3A_64 = arith.constant 0 : i32
        %dma_start3A_65 = arith.constant 0 : i32
        %dma_start3A_66 = tpu.memref_slice %arg7[%dma_start3A_64, %dma_start3A_65] : memref<10240x128xf32, #tpu.memory_space<vmem_shared>> -> memref<10240x128xf32, #tpu.memory_space<vmem_shared>>
        tpu.enqueue_indirect_dma source(%arg12 : memref<128x128xf32, #tpu.memory_space<vmem>>) target(%dma_start3A_66 : memref<10240x128xf32, #tpu.memory_space<vmem_shared>>) offsets(%arg9 : memref<128xi32, #tpu.memory_space<vmem>>) semaphore(%run_scoped3A : memref<!tpu.dma_semaphore, #tpu.memory_space<semaphore_mem>>) {add = true}
        %dma_wait3A_67 = arith.constant 0 : i32
        %dma_wait3A_68 = arith.constant 0 : i32
        %dma_wait3A_69 = tpu.memref_slice %arg7[%dma_wait3A_67, %dma_wait3A_68] : memref<10240x128xf32, #tpu.memory_space<vmem_shared>> -> memref<10240x128xf32, #tpu.memory_space<vmem_shared>>
        tpu.wait_indirect_dma semaphore(%run_scoped3A : memref<!tpu.dma_semaphore, #tpu.memory_space<semaphore_mem>>) src(%arg12 : memref<128x128xf32, #tpu.memory_space<vmem>>) dst(%dma_wait3A_69 : memref<10240x128xf32, #tpu.memory_space<vmem_shared>>)
        tpu.yield
      }) : () -> ()
      %mul3A_51 = arith.constant 2 : i32
      %mul3A_52 = arith.muli %mul3A_51, %while3A_43 : i32
      %add3A_53 = arith.constant 1 : i32
      %add3A_54 = arith.addi %mul3A_52, %add3A_53 : i32
      %add3A_55 = arith.constant 1 : i32
      %add3A_56 = arith.addi %add3A_54, %add3A_55 : i32
      %lt3A_57 = arith.cmpi slt, %add3A_56, %select_n3A_3 : i32
      %convert_element_type3A_58 = arith.extui %lt3A_57 : i1 to i32
      %cond3A_59 = arith.constant 0 : i32
      %cond3A_60 = arith.cmpi ne, %convert_element_type3A_58, %cond3A_59 : i32
      scf.if %cond3A_60 {
        %add3A_64 = arith.constant 1 : i32
        %add3A_65 = arith.addi %add3A_54, %add3A_64 : i32
        %mul3A_66 = arith.constant 128 : i32
        %mul3A_67 = arith.muli %add3A_65, %mul3A_66 : i32
        %add3A_68 = arith.addi %multiple_of3A, %mul3A_67 : i32
        %multiple_of3A_69 = tpu.assume_multiple %add3A_68, 128 : i32
        "tpu.region"() ({
          %run_scoped3A = tpu.sem_alloc : memref<!tpu.dma_semaphore, #tpu.memory_space<semaphore_mem>>
          %dma_start3A_73 = tpu.memref_slice %arg4[%multiple_of3A_69] : memref<1368064xi32, #tpu.memory_space<hbm>> -> memref<128xi32, #tpu.memory_space<hbm>>
          %dma_start3A_74 = tpu.memref_slice %arg4[%multiple_of3A_69] : memref<1368064xi32, #tpu.memory_space<hbm>> -> memref<128xi32, #tpu.memory_space<hbm>>
          tpu.enqueue_dma source(%dma_start3A_74 : memref<128xi32, #tpu.memory_space<hbm>>) target(%arg8 : memref<128xi32, #tpu.memory_space<vmem>>) target_semaphore(%run_scoped3A : memref<!tpu.dma_semaphore, #tpu.memory_space<semaphore_mem>>)
          %dma_wait3A_75 = tpu.memref_slice %arg4[%multiple_of3A_69] : memref<1368064xi32, #tpu.memory_space<hbm>> -> memref<128xi32, #tpu.memory_space<hbm>>
          %dma_wait3A_76 = tpu.memref_slice %arg4[%multiple_of3A_69] : memref<1368064xi32, #tpu.memory_space<hbm>> -> memref<128xi32, #tpu.memory_space<hbm>>
          tpu.wait_dma2 semaphore(%run_scoped3A : memref<!tpu.dma_semaphore, #tpu.memory_space<semaphore_mem>>) src(%dma_wait3A_76 : memref<128xi32, #tpu.memory_space<hbm>>) dst(%arg8 : memref<128xi32, #tpu.memory_space<vmem>>)
          tpu.yield
        }) : () -> ()
        "tpu.region"() ({
          %run_scoped3A = tpu.sem_alloc : memref<!tpu.dma_semaphore, #tpu.memory_space<semaphore_mem>>
          %dma_start3A_73 = tpu.memref_slice %arg3[%multiple_of3A_69] : memref<1368064xi32, #tpu.memory_space<hbm>> -> memref<128xi32, #tpu.memory_space<hbm>>
          %dma_start3A_74 = tpu.memref_slice %arg3[%multiple_of3A_69] : memref<1368064xi32, #tpu.memory_space<hbm>> -> memref<128xi32, #tpu.memory_space<hbm>>
          tpu.enqueue_dma source(%dma_start3A_74 : memref<128xi32, #tpu.memory_space<hbm>>) target(%arg9 : memref<128xi32, #tpu.memory_space<vmem>>) target_semaphore(%run_scoped3A : memref<!tpu.dma_semaphore, #tpu.memory_space<semaphore_mem>>)
          %dma_wait3A_75 = tpu.memref_slice %arg3[%multiple_of3A_69] : memref<1368064xi32, #tpu.memory_space<hbm>> -> memref<128xi32, #tpu.memory_space<hbm>>
          %dma_wait3A_76 = tpu.memref_slice %arg3[%multiple_of3A_69] : memref<1368064xi32, #tpu.memory_space<hbm>> -> memref<128xi32, #tpu.memory_space<hbm>>
          tpu.wait_dma2 semaphore(%run_scoped3A : memref<!tpu.dma_semaphore, #tpu.memory_space<semaphore_mem>>) src(%dma_wait3A_76 : memref<128xi32, #tpu.memory_space<hbm>>) dst(%arg9 : memref<128xi32, #tpu.memory_space<vmem>>)
          tpu.yield
        }) : () -> ()
        %dma_start3A_70 = arith.constant 0 : i32
        %dma_start3A_71 = arith.constant 0 : i32
        %dma_start3A_72 = tpu.memref_slice %arg2[%dma_start3A_70, %dma_start3A_71] : memref<61440x128xf32, #tpu.memory_space<hbm>> -> memref<61440x128xf32, #tpu.memory_space<hbm>>
        tpu.enqueue_indirect_dma source(%dma_start3A_72 : memref<61440x128xf32, #tpu.memory_space<hbm>>) target(%arg12 : memref<128x128xf32, #tpu.memory_space<vmem>>) offsets(%arg8 : memref<128xi32, #tpu.memory_space<vmem>>) semaphore(%arg14 : memref<!tpu.dma_semaphore, #tpu.memory_space<semaphore_mem>>)
      } else {
      }
      %dma_wait3A_61 = arith.constant 0 : i32
      %dma_wait3A_62 = arith.constant 0 : i32
      %dma_wait3A_63 = tpu.memref_slice %arg2[%dma_wait3A_61, %dma_wait3A_62] : memref<61440x128xf32, #tpu.memory_space<hbm>> -> memref<61440x128xf32, #tpu.memory_space<hbm>>
      tpu.wait_indirect_dma semaphore(%arg15 : memref<!tpu.dma_semaphore, #tpu.memory_space<semaphore_mem>>) src(%dma_wait3A_63 : memref<61440x128xf32, #tpu.memory_space<hbm>>) dst(%arg13 : memref<128x128xf32, #tpu.memory_space<vmem>>)
      "tpu.region"() ({
        %run_scoped3A = tpu.sem_alloc : memref<!tpu.dma_semaphore, #tpu.memory_space<semaphore_mem>>
        %dma_start3A_64 = arith.constant 0 : i32
        %dma_start3A_65 = arith.constant 0 : i32
        %dma_start3A_66 = tpu.memref_slice %arg7[%dma_start3A_64, %dma_start3A_65] : memref<10240x128xf32, #tpu.memory_space<vmem_shared>> -> memref<10240x128xf32, #tpu.memory_space<vmem_shared>>
        tpu.enqueue_indirect_dma source(%arg13 : memref<128x128xf32, #tpu.memory_space<vmem>>) target(%dma_start3A_66 : memref<10240x128xf32, #tpu.memory_space<vmem_shared>>) offsets(%arg11 : memref<128xi32, #tpu.memory_space<vmem>>) semaphore(%run_scoped3A : memref<!tpu.dma_semaphore, #tpu.memory_space<semaphore_mem>>) {add = true}
        %dma_wait3A_67 = arith.constant 0 : i32
        %dma_wait3A_68 = arith.constant 0 : i32
        %dma_wait3A_69 = tpu.memref_slice %arg7[%dma_wait3A_67, %dma_wait3A_68] : memref<10240x128xf32, #tpu.memory_space<vmem_shared>> -> memref<10240x128xf32, #tpu.memory_space<vmem_shared>>
        tpu.wait_indirect_dma semaphore(%run_scoped3A : memref<!tpu.dma_semaphore, #tpu.memory_space<semaphore_mem>>) src(%arg13 : memref<128x128xf32, #tpu.memory_space<vmem>>) dst(%dma_wait3A_69 : memref<10240x128xf32, #tpu.memory_space<vmem_shared>>)
        tpu.yield
      }) : () -> ()
    }
    %barrier3A_42 = arith.constant 0 : index
    tpu.barrier barrier_id(%barrier3A_42)
    "tpu.region"() ({
      %run_scoped3A = tpu.sem_alloc : memref<!tpu.dma_semaphore, #tpu.memory_space<semaphore_mem>>
      %dma_start3A_43 = arith.constant 0 : i32
      %dma_start3A_44 = tpu.memref_slice %arg6[%arg0, %mul3A_0, %dma_start3A_43] : memref<2x10240x128xf32, #tpu.memory_space<hbm>> -> memref<1x640x128xf32, #tpu.memory_space<hbm>>
      %dma_start3A_45 = tpu.memref_squeeze %dma_start3A_44 : memref<1x640x128xf32, #tpu.memory_space<hbm>> -> memref<640x128xf32, #tpu.memory_space<hbm>>
      %dma_start3A_46 = arith.constant 0 : i32
      %dma_start3A_47 = tpu.memref_slice %arg7[%mul3A_0, %dma_start3A_46] : memref<10240x128xf32, #tpu.memory_space<vmem_shared>> -> memref<640x128xf32, #tpu.memory_space<vmem_shared>>
      tpu.enqueue_dma source(%dma_start3A_47 : memref<640x128xf32, #tpu.memory_space<vmem_shared>>) target(%dma_start3A_45 : memref<640x128xf32, #tpu.memory_space<hbm>>) target_semaphore(%run_scoped3A : memref<!tpu.dma_semaphore, #tpu.memory_space<semaphore_mem>>)
      %dma_wait3A = arith.constant 0 : i32
      %dma_wait3A_48 = tpu.memref_slice %arg6[%arg0, %mul3A_0, %dma_wait3A] : memref<2x10240x128xf32, #tpu.memory_space<hbm>> -> memref<1x640x128xf32, #tpu.memory_space<hbm>>
      %dma_wait3A_49 = tpu.memref_squeeze %dma_wait3A_48 : memref<1x640x128xf32, #tpu.memory_space<hbm>> -> memref<640x128xf32, #tpu.memory_space<hbm>>
      %dma_wait3A_50 = arith.constant 0 : i32
      %dma_wait3A_51 = tpu.memref_slice %arg7[%mul3A_0, %dma_wait3A_50] : memref<10240x128xf32, #tpu.memory_space<vmem_shared>> -> memref<640x128xf32, #tpu.memory_space<vmem_shared>>
      tpu.wait_dma2 semaphore(%run_scoped3A : memref<!tpu.dma_semaphore, #tpu.memory_space<semaphore_mem>>) src(%dma_wait3A_51 : memref<640x128xf32, #tpu.memory_space<vmem_shared>>) dst(%dma_wait3A_49 : memref<640x128xf32, #tpu.memory_space<hbm>>)
      tpu.yield
    }) : () -> ()
    return
  }
}

#map = affine_map<(d0, d1) -> (0, 0)>
#map1 = affine_map<(d0, d1) -> (0)>
#map2 = affine_map<(d0, d1) -> (0, 0, 0)>
module attributes {stable_mosaic.version = 14 : i64} {
  func.func @_sc_edge_body(%arg0: i32, %arg1: i32, %arg2: memref<61440x128xf32, #tpu.memory_space<hbm>>, %arg3: memref<1368064xi32, #tpu.memory_space<hbm>>, %arg4: memref<1368064xi32, #tpu.memory_space<hbm>>, %arg5: memref<10240x128xf32, #tpu.memory_space<hbm>>, %arg6: memref<2x10240x128xf32, #tpu.memory_space<hbm>>, %arg7: memref<10240x128xf32, #tpu.memory_space<vmem_shared>>, %arg8: memref<128xi32, #tpu.memory_space<vmem>>, %arg9: memref<128xi32, #tpu.memory_space<vmem>>, %arg10: memref<128xi32, #tpu.memory_space<vmem>>, %arg11: memref<128xi32, #tpu.memory_space<vmem>>, %arg12: memref<128x128xf32, #tpu.memory_space<vmem>>, %arg13: memref<128x128xf32, #tpu.memory_space<vmem>>, %arg14: memref<!tpu.dma_semaphore, #tpu.memory_space<semaphore_mem>>, %arg15: memref<!tpu.dma_semaphore, #tpu.memory_space<semaphore_mem>>) attributes {dimension_semantics = [#tpu.dimension_semantics<core_parallel>, #tpu.dimension_semantics<subcore_parallel>], iteration_bounds = array<i64: 2, 16>, scalar_prefetch = 0 : i64, scratch_operands = 9 : i64, tpu.core_type = #tpu.core_type<sc_vector_subcore>, window_params = [{transform_indices = #map}, {transform_indices = #map1}, {transform_indices = #map1}, {transform_indices = #map}, {transform_indices = #map2}]} {
    %mul3A = arith.constant 640 : i32
    %mul3A_0 = arith.muli %arg1, %mul3A : i32
    "tpu.region"() ({
      %run_scoped3A = tpu.sem_alloc : memref<!tpu.dma_semaphore, #tpu.memory_space<semaphore_mem>>
      %dma_start3A_43 = arith.constant 0 : i32
      %dma_start3A_44 = tpu.memref_slice %arg7[%mul3A_0, %dma_start3A_43] : memref<10240x128xf32, #tpu.memory_space<vmem_shared>> -> memref<640x128xf32, #tpu.memory_space<vmem_shared>>
      %dma_start3A_45 = arith.constant 0 : i32
      %dma_start3A_46 = tpu.memref_slice %arg5[%mul3A_0, %dma_start3A_45] : memref<10240x128xf32, #tpu.memory_space<hbm>> -> memref<640x128xf32, #tpu.memory_space<hbm>>
      tpu.enqueue_dma source(%dma_start3A_46 : memref<640x128xf32, #tpu.memory_space<hbm>>) target(%dma_start3A_44 : memref<640x128xf32, #tpu.memory_space<vmem_shared>>) target_semaphore(%run_scoped3A : memref<!tpu.dma_semaphore, #tpu.memory_space<semaphore_mem>>)
      %dma_wait3A = arith.constant 0 : i32
      %dma_wait3A_47 = tpu.memref_slice %arg7[%mul3A_0, %dma_wait3A] : memref<10240x128xf32, #tpu.memory_space<vmem_shared>> -> memref<640x128xf32, #tpu.memory_space<vmem_shared>>
      %dma_wait3A_48 = arith.constant 0 : i32
      %dma_wait3A_49 = tpu.memref_slice %arg5[%mul3A_0, %dma_wait3A_48] : memref<10240x128xf32, #tpu.memory_space<hbm>> -> memref<640x128xf32, #tpu.memory_space<hbm>>
      tpu.wait_dma2 semaphore(%run_scoped3A : memref<!tpu.dma_semaphore, #tpu.memory_space<semaphore_mem>>) src(%dma_wait3A_49 : memref<640x128xf32, #tpu.memory_space<hbm>>) dst(%dma_wait3A_47 : memref<640x128xf32, #tpu.memory_space<vmem_shared>>)
      tpu.yield
    }) : () -> ()
    %barrier3A = arith.constant 0 : index
    tpu.barrier barrier_id(%barrier3A)
    %eq3A = arith.constant 0 : i32
    %eq3A_1 = arith.cmpi eq, %arg0, %eq3A : i32
    %select_n3A = arith.constant 264 : i32
    %select_n3A_2 = arith.constant 404 : i32
    %select_n3A_3 = arith.select %eq3A_1, %select_n3A_2, %select_n3A : i32
    %eq3A_4 = arith.constant 0 : i32
    %eq3A_5 = arith.cmpi eq, %arg0, %eq3A_4 : i32
    %mul3A_6 = arith.constant 404 : i32
    %mul3A_7 = arith.muli %arg1, %mul3A_6 : i32
    %mul3A_8 = arith.constant 264 : i32
    %mul3A_9 = arith.muli %arg1, %mul3A_8 : i32
    %add3A = arith.constant 6464 : i32
    %add3A_10 = arith.addi %add3A, %mul3A_9 : i32
    %select_n3A_11 = arith.select %eq3A_5, %mul3A_7, %add3A_10 : i32
    %mul3A_12 = arith.constant 128 : i32
    %mul3A_13 = arith.muli %select_n3A_11, %mul3A_12 : i32
    %multiple_of3A = tpu.assume_multiple %mul3A_13, 128 : i32
    "tpu.region"() ({
      %run_scoped3A = tpu.sem_alloc : memref<!tpu.dma_semaphore, #tpu.memory_space<semaphore_mem>>
      %dma_start3A_43 = tpu.memref_slice %arg4[%multiple_of3A] : memref<1368064xi32, #tpu.memory_space<hbm>> -> memref<128xi32, #tpu.memory_space<hbm>>
      %dma_start3A_44 = tpu.memref_slice %arg4[%multiple_of3A] : memref<1368064xi32, #tpu.memory_space<hbm>> -> memref<128xi32, #tpu.memory_space<hbm>>
      tpu.enqueue_dma source(%dma_start3A_44 : memref<128xi32, #tpu.memory_space<hbm>>) target(%arg8 : memref<128xi32, #tpu.memory_space<vmem>>) target_semaphore(%run_scoped3A : memref<!tpu.dma_semaphore, #tpu.memory_space<semaphore_mem>>)
      %dma_wait3A = tpu.memref_slice %arg4[%multiple_of3A] : memref<1368064xi32, #tpu.memory_space<hbm>> -> memref<128xi32, #tpu.memory_space<hbm>>
      %dma_wait3A_45 = tpu.memref_slice %arg4[%multiple_of3A] : memref<1368064xi32, #tpu.memory_space<hbm>> -> memref<128xi32, #tpu.memory_space<hbm>>
      tpu.wait_dma2 semaphore(%run_scoped3A : memref<!tpu.dma_semaphore, #tpu.memory_space<semaphore_mem>>) src(%dma_wait3A_45 : memref<128xi32, #tpu.memory_space<hbm>>) dst(%arg8 : memref<128xi32, #tpu.memory_space<vmem>>)
      tpu.yield
    }) : () -> ()
    "tpu.region"() ({
      %run_scoped3A = tpu.sem_alloc : memref<!tpu.dma_semaphore, #tpu.memory_space<semaphore_mem>>
      %dma_start3A_43 = tpu.memref_slice %arg3[%multiple_of3A] : memref<1368064xi32, #tpu.memory_space<hbm>> -> memref<128xi32, #tpu.memory_space<hbm>>
      %dma_start3A_44 = tpu.memref_slice %arg3[%multiple_of3A] : memref<1368064xi32, #tpu.memory_space<hbm>> -> memref<128xi32, #tpu.memory_space<hbm>>
      tpu.enqueue_dma source(%dma_start3A_44 : memref<128xi32, #tpu.memory_space<hbm>>) target(%arg9 : memref<128xi32, #tpu.memory_space<vmem>>) target_semaphore(%run_scoped3A : memref<!tpu.dma_semaphore, #tpu.memory_space<semaphore_mem>>)
      %dma_wait3A = tpu.memref_slice %arg3[%multiple_of3A] : memref<1368064xi32, #tpu.memory_space<hbm>> -> memref<128xi32, #tpu.memory_space<hbm>>
      %dma_wait3A_45 = tpu.memref_slice %arg3[%multiple_of3A] : memref<1368064xi32, #tpu.memory_space<hbm>> -> memref<128xi32, #tpu.memory_space<hbm>>
      tpu.wait_dma2 semaphore(%run_scoped3A : memref<!tpu.dma_semaphore, #tpu.memory_space<semaphore_mem>>) src(%dma_wait3A_45 : memref<128xi32, #tpu.memory_space<hbm>>) dst(%arg9 : memref<128xi32, #tpu.memory_space<vmem>>)
      tpu.yield
    }) : () -> ()
    %dma_start3A = arith.constant 0 : i32
    %dma_start3A_14 = arith.constant 0 : i32
    %dma_start3A_15 = tpu.memref_slice %arg2[%dma_start3A, %dma_start3A_14] : memref<61440x128xf32, #tpu.memory_space<hbm>> -> memref<61440x128xf32, #tpu.memory_space<hbm>>
    tpu.enqueue_indirect_dma source(%dma_start3A_15 : memref<61440x128xf32, #tpu.memory_space<hbm>>) target(%arg12 : memref<128x128xf32, #tpu.memory_space<vmem>>) offsets(%arg8 : memref<128xi32, #tpu.memory_space<vmem>>) semaphore(%arg14 : memref<!tpu.dma_semaphore, #tpu.memory_space<semaphore_mem>>)
    %jit3A = arith.constant 2 : i32
    %div3A = arith.divsi %select_n3A_3, %jit3A : i32
    %sign3A = arith.constant 0 : i32
    %sign3A_16 = arith.cmpi sgt, %select_n3A_3, %sign3A : i32
    %sign3A_17 = arith.extui %sign3A_16 : i1 to i32
    %sign3A_18 = arith.constant 0 : i32
    %sign3A_19 = arith.cmpi slt, %select_n3A_3, %sign3A_18 : i32
    %sign3A_20 = arith.extui %sign3A_19 : i1 to i32
    %sign3A_21 = arith.subi %sign3A_17, %sign3A_20 : i32
    %sign3A_22 = arith.constant 0 : i32
    %sign3A_23 = arith.cmpi sgt, %jit3A, %sign3A_22 : i32
    %sign3A_24 = arith.extui %sign3A_23 : i1 to i32
    %sign3A_25 = arith.constant 0 : i32
    %sign3A_26 = arith.cmpi slt, %jit3A, %sign3A_25 : i32
    %sign3A_27 = arith.extui %sign3A_26 : i1 to i32
    %sign3A_28 = arith.subi %sign3A_24, %sign3A_27 : i32
    %ne3A = arith.cmpi ne, %sign3A_21, %sign3A_28 : i32
    %rem3A = arith.remsi %select_n3A_3, %jit3A : i32
    %ne3A_29 = arith.constant 0 : i32
    %ne3A_30 = arith.cmpi ne, %rem3A, %ne3A_29 : i32
    %and3A = arith.andi %ne3A, %ne3A_30 : i1
    %sub3A = arith.constant 1 : i32
    %sub3A_31 = arith.subi %div3A, %sub3A : i32
    %select_n3A_32 = arith.select %and3A, %sub3A_31, %div3A : i32
    %while3A = arith.constant 0 : i32
    %while3A_33 = arith.constant 0 : i32
    %while3A_34 = arith.subi %select_n3A_32, %while3A_33 : i32
    %while3A_35 = arith.addi %while3A_33, %while3A_34 : i32
    %while3A_36 = arith.constant 1 : i32
    %while3A_37 = arith.divsi %while3A_34, %while3A_36 : i32
    %while3A_38 = arith.muli %while3A_37, %while3A_36 : i32
    %while3A_39 = arith.addi %while3A_33, %while3A_38 : i32
    %while3A_40 = arith.constant 1 : i32
    scf.for %while3A_43 = %while3A_33 to %while3A_39 step %while3A_40  : i32 {
      %mul3A_44 = arith.constant 2 : i32
      %mul3A_45 = arith.muli %mul3A_44, %while3A_43 : i32
      %add3A_46 = arith.constant 1 : i32
      %add3A_47 = arith.addi %mul3A_45, %add3A_46 : i32
      %lt3A = arith.cmpi slt, %add3A_47, %select_n3A_3 : i32
      %convert_element_type3A = arith.extui %lt3A : i1 to i32
      %cond3A = arith.constant 0 : i32
      %cond3A_48 = arith.cmpi ne, %convert_element_type3A, %cond3A : i32
      scf.if %cond3A_48 {
        %add3A_64 = arith.constant 1 : i32
        %add3A_65 = arith.addi %mul3A_45, %add3A_64 : i32
        %mul3A_66 = arith.constant 128 : i32
        %mul3A_67 = arith.muli %add3A_65, %mul3A_66 : i32
        %add3A_68 = arith.addi %multiple_of3A, %mul3A_67 : i32
        %multiple_of3A_69 = tpu.assume_multiple %add3A_68, 128 : i32
        "tpu.region"() ({
          %run_scoped3A = tpu.sem_alloc : memref<!tpu.dma_semaphore, #tpu.memory_space<semaphore_mem>>
          %dma_start3A_73 = tpu.memref_slice %arg4[%multiple_of3A_69] : memref<1368064xi32, #tpu.memory_space<hbm>> -> memref<128xi32, #tpu.memory_space<hbm>>
          %dma_start3A_74 = tpu.memref_slice %arg4[%multiple_of3A_69] : memref<1368064xi32, #tpu.memory_space<hbm>> -> memref<128xi32, #tpu.memory_space<hbm>>
          tpu.enqueue_dma source(%dma_start3A_74 : memref<128xi32, #tpu.memory_space<hbm>>) target(%arg10 : memref<128xi32, #tpu.memory_space<vmem>>) target_semaphore(%run_scoped3A : memref<!tpu.dma_semaphore, #tpu.memory_space<semaphore_mem>>)
          %dma_wait3A_75 = tpu.memref_slice %arg4[%multiple_of3A_69] : memref<1368064xi32, #tpu.memory_space<hbm>> -> memref<128xi32, #tpu.memory_space<hbm>>
          %dma_wait3A_76 = tpu.memref_slice %arg4[%multiple_of3A_69] : memref<1368064xi32, #tpu.memory_space<hbm>> -> memref<128xi32, #tpu.memory_space<hbm>>
          tpu.wait_dma2 semaphore(%run_scoped3A : memref<!tpu.dma_semaphore, #tpu.memory_space<semaphore_mem>>) src(%dma_wait3A_76 : memref<128xi32, #tpu.memory_space<hbm>>) dst(%arg10 : memref<128xi32, #tpu.memory_space<vmem>>)
          tpu.yield
        }) : () -> ()
        "tpu.region"() ({
          %run_scoped3A = tpu.sem_alloc : memref<!tpu.dma_semaphore, #tpu.memory_space<semaphore_mem>>
          %dma_start3A_73 = tpu.memref_slice %arg3[%multiple_of3A_69] : memref<1368064xi32, #tpu.memory_space<hbm>> -> memref<128xi32, #tpu.memory_space<hbm>>
          %dma_start3A_74 = tpu.memref_slice %arg3[%multiple_of3A_69] : memref<1368064xi32, #tpu.memory_space<hbm>> -> memref<128xi32, #tpu.memory_space<hbm>>
          tpu.enqueue_dma source(%dma_start3A_74 : memref<128xi32, #tpu.memory_space<hbm>>) target(%arg11 : memref<128xi32, #tpu.memory_space<vmem>>) target_semaphore(%run_scoped3A : memref<!tpu.dma_semaphore, #tpu.memory_space<semaphore_mem>>)
          %dma_wait3A_75 = tpu.memref_slice %arg3[%multiple_of3A_69] : memref<1368064xi32, #tpu.memory_space<hbm>> -> memref<128xi32, #tpu.memory_space<hbm>>
          %dma_wait3A_76 = tpu.memref_slice %arg3[%multiple_of3A_69] : memref<1368064xi32, #tpu.memory_space<hbm>> -> memref<128xi32, #tpu.memory_space<hbm>>
          tpu.wait_dma2 semaphore(%run_scoped3A : memref<!tpu.dma_semaphore, #tpu.memory_space<semaphore_mem>>) src(%dma_wait3A_76 : memref<128xi32, #tpu.memory_space<hbm>>) dst(%arg11 : memref<128xi32, #tpu.memory_space<vmem>>)
          tpu.yield
        }) : () -> ()
        %dma_start3A_70 = arith.constant 0 : i32
        %dma_start3A_71 = arith.constant 0 : i32
        %dma_start3A_72 = tpu.memref_slice %arg2[%dma_start3A_70, %dma_start3A_71] : memref<61440x128xf32, #tpu.memory_space<hbm>> -> memref<61440x128xf32, #tpu.memory_space<hbm>>
        tpu.enqueue_indirect_dma source(%dma_start3A_72 : memref<61440x128xf32, #tpu.memory_space<hbm>>) target(%arg13 : memref<128x128xf32, #tpu.memory_space<vmem>>) offsets(%arg10 : memref<128xi32, #tpu.memory_space<vmem>>) semaphore(%arg15 : memref<!tpu.dma_semaphore, #tpu.memory_space<semaphore_mem>>)
      } else {
      }
      %dma_wait3A = arith.constant 0 : i32
      %dma_wait3A_49 = arith.constant 0 : i32
      %dma_wait3A_50 = tpu.memref_slice %arg2[%dma_wait3A, %dma_wait3A_49] : memref<61440x128xf32, #tpu.memory_space<hbm>> -> memref<61440x128xf32, #tpu.memory_space<hbm>>
      tpu.wait_indirect_dma semaphore(%arg14 : memref<!tpu.dma_semaphore, #tpu.memory_space<semaphore_mem>>) src(%dma_wait3A_50 : memref<61440x128xf32, #tpu.memory_space<hbm>>) dst(%arg12 : memref<128x128xf32, #tpu.memory_space<vmem>>)
      "tpu.region"() ({
        %run_scoped3A = tpu.sem_alloc : memref<!tpu.dma_semaphore, #tpu.memory_space<semaphore_mem>>
        %dma_start3A_64 = arith.constant 0 : i32
        %dma_start3A_65 = arith.constant 0 : i32
        %dma_start3A_66 = tpu.memref_slice %arg7[%dma_start3A_64, %dma_start3A_65] : memref<10240x128xf32, #tpu.memory_space<vmem_shared>> -> memref<10240x128xf32, #tpu.memory_space<vmem_shared>>
        tpu.enqueue_indirect_dma source(%arg12 : memref<128x128xf32, #tpu.memory_space<vmem>>) target(%dma_start3A_66 : memref<10240x128xf32, #tpu.memory_space<vmem_shared>>) offsets(%arg9 : memref<128xi32, #tpu.memory_space<vmem>>) semaphore(%run_scoped3A : memref<!tpu.dma_semaphore, #tpu.memory_space<semaphore_mem>>) {add = true}
        %dma_wait3A_67 = arith.constant 0 : i32
        %dma_wait3A_68 = arith.constant 0 : i32
        %dma_wait3A_69 = tpu.memref_slice %arg7[%dma_wait3A_67, %dma_wait3A_68] : memref<10240x128xf32, #tpu.memory_space<vmem_shared>> -> memref<10240x128xf32, #tpu.memory_space<vmem_shared>>
        tpu.wait_indirect_dma semaphore(%run_scoped3A : memref<!tpu.dma_semaphore, #tpu.memory_space<semaphore_mem>>) src(%arg12 : memref<128x128xf32, #tpu.memory_space<vmem>>) dst(%dma_wait3A_69 : memref<10240x128xf32, #tpu.memory_space<vmem_shared>>)
        tpu.yield
      }) : () -> ()
      %mul3A_51 = arith.constant 2 : i32
      %mul3A_52 = arith.muli %mul3A_51, %while3A_43 : i32
      %add3A_53 = arith.constant 1 : i32
      %add3A_54 = arith.addi %mul3A_52, %add3A_53 : i32
      %add3A_55 = arith.constant 1 : i32
      %add3A_56 = arith.addi %add3A_54, %add3A_55 : i32
      %lt3A_57 = arith.cmpi slt, %add3A_56, %select_n3A_3 : i32
      %convert_element_type3A_58 = arith.extui %lt3A_57 : i1 to i32
      %cond3A_59 = arith.constant 0 : i32
      %cond3A_60 = arith.cmpi ne, %convert_element_type3A_58, %cond3A_59 : i32
      scf.if %cond3A_60 {
        %add3A_64 = arith.constant 1 : i32
        %add3A_65 = arith.addi %add3A_54, %add3A_64 : i32
        %mul3A_66 = arith.constant 128 : i32
        %mul3A_67 = arith.muli %add3A_65, %mul3A_66 : i32
        %add3A_68 = arith.addi %multiple_of3A, %mul3A_67 : i32
        %multiple_of3A_69 = tpu.assume_multiple %add3A_68, 128 : i32
        "tpu.region"() ({
          %run_scoped3A = tpu.sem_alloc : memref<!tpu.dma_semaphore, #tpu.memory_space<semaphore_mem>>
          %dma_start3A_73 = tpu.memref_slice %arg4[%multiple_of3A_69] : memref<1368064xi32, #tpu.memory_space<hbm>> -> memref<128xi32, #tpu.memory_space<hbm>>
          %dma_start3A_74 = tpu.memref_slice %arg4[%multiple_of3A_69] : memref<1368064xi32, #tpu.memory_space<hbm>> -> memref<128xi32, #tpu.memory_space<hbm>>
          tpu.enqueue_dma source(%dma_start3A_74 : memref<128xi32, #tpu.memory_space<hbm>>) target(%arg8 : memref<128xi32, #tpu.memory_space<vmem>>) target_semaphore(%run_scoped3A : memref<!tpu.dma_semaphore, #tpu.memory_space<semaphore_mem>>)
          %dma_wait3A_75 = tpu.memref_slice %arg4[%multiple_of3A_69] : memref<1368064xi32, #tpu.memory_space<hbm>> -> memref<128xi32, #tpu.memory_space<hbm>>
          %dma_wait3A_76 = tpu.memref_slice %arg4[%multiple_of3A_69] : memref<1368064xi32, #tpu.memory_space<hbm>> -> memref<128xi32, #tpu.memory_space<hbm>>
          tpu.wait_dma2 semaphore(%run_scoped3A : memref<!tpu.dma_semaphore, #tpu.memory_space<semaphore_mem>>) src(%dma_wait3A_76 : memref<128xi32, #tpu.memory_space<hbm>>) dst(%arg8 : memref<128xi32, #tpu.memory_space<vmem>>)
          tpu.yield
        }) : () -> ()
        "tpu.region"() ({
          %run_scoped3A = tpu.sem_alloc : memref<!tpu.dma_semaphore, #tpu.memory_space<semaphore_mem>>
          %dma_start3A_73 = tpu.memref_slice %arg3[%multiple_of3A_69] : memref<1368064xi32, #tpu.memory_space<hbm>> -> memref<128xi32, #tpu.memory_space<hbm>>
          %dma_start3A_74 = tpu.memref_slice %arg3[%multiple_of3A_69] : memref<1368064xi32, #tpu.memory_space<hbm>> -> memref<128xi32, #tpu.memory_space<hbm>>
          tpu.enqueue_dma source(%dma_start3A_74 : memref<128xi32, #tpu.memory_space<hbm>>) target(%arg9 : memref<128xi32, #tpu.memory_space<vmem>>) target_semaphore(%run_scoped3A : memref<!tpu.dma_semaphore, #tpu.memory_space<semaphore_mem>>)
          %dma_wait3A_75 = tpu.memref_slice %arg3[%multiple_of3A_69] : memref<1368064xi32, #tpu.memory_space<hbm>> -> memref<128xi32, #tpu.memory_space<hbm>>
          %dma_wait3A_76 = tpu.memref_slice %arg3[%multiple_of3A_69] : memref<1368064xi32, #tpu.memory_space<hbm>> -> memref<128xi32, #tpu.memory_space<hbm>>
          tpu.wait_dma2 semaphore(%run_scoped3A : memref<!tpu.dma_semaphore, #tpu.memory_space<semaphore_mem>>) src(%dma_wait3A_76 : memref<128xi32, #tpu.memory_space<hbm>>) dst(%arg9 : memref<128xi32, #tpu.memory_space<vmem>>)
          tpu.yield
        }) : () -> ()
        %dma_start3A_70 = arith.constant 0 : i32
        %dma_start3A_71 = arith.constant 0 : i32
        %dma_start3A_72 = tpu.memref_slice %arg2[%dma_start3A_70, %dma_start3A_71] : memref<61440x128xf32, #tpu.memory_space<hbm>> -> memref<61440x128xf32, #tpu.memory_space<hbm>>
        tpu.enqueue_indirect_dma source(%dma_start3A_72 : memref<61440x128xf32, #tpu.memory_space<hbm>>) target(%arg12 : memref<128x128xf32, #tpu.memory_space<vmem>>) offsets(%arg8 : memref<128xi32, #tpu.memory_space<vmem>>) semaphore(%arg14 : memref<!tpu.dma_semaphore, #tpu.memory_space<semaphore_mem>>)
      } else {
      }
      %dma_wait3A_61 = arith.constant 0 : i32
      %dma_wait3A_62 = arith.constant 0 : i32
      %dma_wait3A_63 = tpu.memref_slice %arg2[%dma_wait3A_61, %dma_wait3A_62] : memref<61440x128xf32, #tpu.memory_space<hbm>> -> memref<61440x128xf32, #tpu.memory_space<hbm>>
      tpu.wait_indirect_dma semaphore(%arg15 : memref<!tpu.dma_semaphore, #tpu.memory_space<semaphore_mem>>) src(%dma_wait3A_63 : memref<61440x128xf32, #tpu.memory_space<hbm>>) dst(%arg13 : memref<128x128xf32, #tpu.memory_space<vmem>>)
      "tpu.region"() ({
        %run_scoped3A = tpu.sem_alloc : memref<!tpu.dma_semaphore, #tpu.memory_space<semaphore_mem>>
        %dma_start3A_64 = arith.constant 0 : i32
        %dma_start3A_65 = arith.constant 0 : i32
        %dma_start3A_66 = tpu.memref_slice %arg7[%dma_start3A_64, %dma_start3A_65] : memref<10240x128xf32, #tpu.memory_space<vmem_shared>> -> memref<10240x128xf32, #tpu.memory_space<vmem_shared>>
        tpu.enqueue_indirect_dma source(%arg13 : memref<128x128xf32, #tpu.memory_space<vmem>>) target(%dma_start3A_66 : memref<10240x128xf32, #tpu.memory_space<vmem_shared>>) offsets(%arg11 : memref<128xi32, #tpu.memory_space<vmem>>) semaphore(%run_scoped3A : memref<!tpu.dma_semaphore, #tpu.memory_space<semaphore_mem>>) {add = true}
        %dma_wait3A_67 = arith.constant 0 : i32
        %dma_wait3A_68 = arith.constant 0 : i32
        %dma_wait3A_69 = tpu.memref_slice %arg7[%dma_wait3A_67, %dma_wait3A_68] : memref<10240x128xf32, #tpu.memory_space<vmem_shared>> -> memref<10240x128xf32, #tpu.memory_space<vmem_shared>>
        tpu.wait_indirect_dma semaphore(%run_scoped3A : memref<!tpu.dma_semaphore, #tpu.memory_space<semaphore_mem>>) src(%arg13 : memref<128x128xf32, #tpu.memory_space<vmem>>) dst(%dma_wait3A_69 : memref<10240x128xf32, #tpu.memory_space<vmem_shared>>)
        tpu.yield
      }) : () -> ()
    }
    %while3A_41 = arith.constant 1 : i32
    scf.for %while3A_43 = %while3A_39 to %while3A_35 step %while3A_41  : i32 {
      %mul3A_44 = arith.constant 2 : i32
      %mul3A_45 = arith.muli %mul3A_44, %while3A_43 : i32
      %add3A_46 = arith.constant 1 : i32
      %add3A_47 = arith.addi %mul3A_45, %add3A_46 : i32
      %lt3A = arith.cmpi slt, %add3A_47, %select_n3A_3 : i32
      %convert_element_type3A = arith.extui %lt3A : i1 to i32
      %cond3A = arith.constant 0 : i32
      %cond3A_48 = arith.cmpi ne, %convert_element_type3A, %cond3A : i32
      scf.if %cond3A_48 {
        %add3A_64 = arith.constant 1 : i32
        %add3A_65 = arith.addi %mul3A_45, %add3A_64 : i32
        %mul3A_66 = arith.constant 128 : i32
        %mul3A_67 = arith.muli %add3A_65, %mul3A_66 : i32
        %add3A_68 = arith.addi %multiple_of3A, %mul3A_67 : i32
        %multiple_of3A_69 = tpu.assume_multiple %add3A_68, 128 : i32
        "tpu.region"() ({
          %run_scoped3A = tpu.sem_alloc : memref<!tpu.dma_semaphore, #tpu.memory_space<semaphore_mem>>
          %dma_start3A_73 = tpu.memref_slice %arg4[%multiple_of3A_69] : memref<1368064xi32, #tpu.memory_space<hbm>> -> memref<128xi32, #tpu.memory_space<hbm>>
          %dma_start3A_74 = tpu.memref_slice %arg4[%multiple_of3A_69] : memref<1368064xi32, #tpu.memory_space<hbm>> -> memref<128xi32, #tpu.memory_space<hbm>>
          tpu.enqueue_dma source(%dma_start3A_74 : memref<128xi32, #tpu.memory_space<hbm>>) target(%arg10 : memref<128xi32, #tpu.memory_space<vmem>>) target_semaphore(%run_scoped3A : memref<!tpu.dma_semaphore, #tpu.memory_space<semaphore_mem>>)
          %dma_wait3A_75 = tpu.memref_slice %arg4[%multiple_of3A_69] : memref<1368064xi32, #tpu.memory_space<hbm>> -> memref<128xi32, #tpu.memory_space<hbm>>
          %dma_wait3A_76 = tpu.memref_slice %arg4[%multiple_of3A_69] : memref<1368064xi32, #tpu.memory_space<hbm>> -> memref<128xi32, #tpu.memory_space<hbm>>
          tpu.wait_dma2 semaphore(%run_scoped3A : memref<!tpu.dma_semaphore, #tpu.memory_space<semaphore_mem>>) src(%dma_wait3A_76 : memref<128xi32, #tpu.memory_space<hbm>>) dst(%arg10 : memref<128xi32, #tpu.memory_space<vmem>>)
          tpu.yield
        }) : () -> ()
        "tpu.region"() ({
          %run_scoped3A = tpu.sem_alloc : memref<!tpu.dma_semaphore, #tpu.memory_space<semaphore_mem>>
          %dma_start3A_73 = tpu.memref_slice %arg3[%multiple_of3A_69] : memref<1368064xi32, #tpu.memory_space<hbm>> -> memref<128xi32, #tpu.memory_space<hbm>>
          %dma_start3A_74 = tpu.memref_slice %arg3[%multiple_of3A_69] : memref<1368064xi32, #tpu.memory_space<hbm>> -> memref<128xi32, #tpu.memory_space<hbm>>
          tpu.enqueue_dma source(%dma_start3A_74 : memref<128xi32, #tpu.memory_space<hbm>>) target(%arg11 : memref<128xi32, #tpu.memory_space<vmem>>) target_semaphore(%run_scoped3A : memref<!tpu.dma_semaphore, #tpu.memory_space<semaphore_mem>>)
          %dma_wait3A_75 = tpu.memref_slice %arg3[%multiple_of3A_69] : memref<1368064xi32, #tpu.memory_space<hbm>> -> memref<128xi32, #tpu.memory_space<hbm>>
          %dma_wait3A_76 = tpu.memref_slice %arg3[%multiple_of3A_69] : memref<1368064xi32, #tpu.memory_space<hbm>> -> memref<128xi32, #tpu.memory_space<hbm>>
          tpu.wait_dma2 semaphore(%run_scoped3A : memref<!tpu.dma_semaphore, #tpu.memory_space<semaphore_mem>>) src(%dma_wait3A_76 : memref<128xi32, #tpu.memory_space<hbm>>) dst(%arg11 : memref<128xi32, #tpu.memory_space<vmem>>)
          tpu.yield
        }) : () -> ()
        %dma_start3A_70 = arith.constant 0 : i32
        %dma_start3A_71 = arith.constant 0 : i32
        %dma_start3A_72 = tpu.memref_slice %arg2[%dma_start3A_70, %dma_start3A_71] : memref<61440x128xf32, #tpu.memory_space<hbm>> -> memref<61440x128xf32, #tpu.memory_space<hbm>>
        tpu.enqueue_indirect_dma source(%dma_start3A_72 : memref<61440x128xf32, #tpu.memory_space<hbm>>) target(%arg13 : memref<128x128xf32, #tpu.memory_space<vmem>>) offsets(%arg10 : memref<128xi32, #tpu.memory_space<vmem>>) semaphore(%arg15 : memref<!tpu.dma_semaphore, #tpu.memory_space<semaphore_mem>>)
      } else {
      }
      %dma_wait3A = arith.constant 0 : i32
      %dma_wait3A_49 = arith.constant 0 : i32
      %dma_wait3A_50 = tpu.memref_slice %arg2[%dma_wait3A, %dma_wait3A_49] : memref<61440x128xf32, #tpu.memory_space<hbm>> -> memref<61440x128xf32, #tpu.memory_space<hbm>>
      tpu.wait_indirect_dma semaphore(%arg14 : memref<!tpu.dma_semaphore, #tpu.memory_space<semaphore_mem>>) src(%dma_wait3A_50 : memref<61440x128xf32, #tpu.memory_space<hbm>>) dst(%arg12 : memref<128x128xf32, #tpu.memory_space<vmem>>)
      "tpu.region"() ({
        %run_scoped3A = tpu.sem_alloc : memref<!tpu.dma_semaphore, #tpu.memory_space<semaphore_mem>>
        %dma_start3A_64 = arith.constant 0 : i32
        %dma_start3A_65 = arith.constant 0 : i32
        %dma_start3A_66 = tpu.memref_slice %arg7[%dma_start3A_64, %dma_start3A_65] : memref<10240x128xf32, #tpu.memory_space<vmem_shared>> -> memref<10240x128xf32, #tpu.memory_space<vmem_shared>>
        tpu.enqueue_indirect_dma source(%arg12 : memref<128x128xf32, #tpu.memory_space<vmem>>) target(%dma_start3A_66 : memref<10240x128xf32, #tpu.memory_space<vmem_shared>>) offsets(%arg9 : memref<128xi32, #tpu.memory_space<vmem>>) semaphore(%run_scoped3A : memref<!tpu.dma_semaphore, #tpu.memory_space<semaphore_mem>>) {add = true}
        %dma_wait3A_67 = arith.constant 0 : i32
        %dma_wait3A_68 = arith.constant 0 : i32
        %dma_wait3A_69 = tpu.memref_slice %arg7[%dma_wait3A_67, %dma_wait3A_68] : memref<10240x128xf32, #tpu.memory_space<vmem_shared>> -> memref<10240x128xf32, #tpu.memory_space<vmem_shared>>
        tpu.wait_indirect_dma semaphore(%run_scoped3A : memref<!tpu.dma_semaphore, #tpu.memory_space<semaphore_mem>>) src(%arg12 : memref<128x128xf32, #tpu.memory_space<vmem>>) dst(%dma_wait3A_69 : memref<10240x128xf32, #tpu.memory_space<vmem_shared>>)
        tpu.yield
      }) : () -> ()
      %mul3A_51 = arith.constant 2 : i32
      %mul3A_52 = arith.muli %mul3A_51, %while3A_43 : i32
      %add3A_53 = arith.constant 1 : i32
      %add3A_54 = arith.addi %mul3A_52, %add3A_53 : i32
      %add3A_55 = arith.constant 1 : i32
      %add3A_56 = arith.addi %add3A_54, %add3A_55 : i32
      %lt3A_57 = arith.cmpi slt, %add3A_56, %select_n3A_3 : i32
      %convert_element_type3A_58 = arith.extui %lt3A_57 : i1 to i32
      %cond3A_59 = arith.constant 0 : i32
      %cond3A_60 = arith.cmpi ne, %convert_element_type3A_58, %cond3A_59 : i32
      scf.if %cond3A_60 {
        %add3A_64 = arith.constant 1 : i32
        %add3A_65 = arith.addi %add3A_54, %add3A_64 : i32
        %mul3A_66 = arith.constant 128 : i32
        %mul3A_67 = arith.muli %add3A_65, %mul3A_66 : i32
        %add3A_68 = arith.addi %multiple_of3A, %mul3A_67 : i32
        %multiple_of3A_69 = tpu.assume_multiple %add3A_68, 128 : i32
        "tpu.region"() ({
          %run_scoped3A = tpu.sem_alloc : memref<!tpu.dma_semaphore, #tpu.memory_space<semaphore_mem>>
          %dma_start3A_73 = tpu.memref_slice %arg4[%multiple_of3A_69] : memref<1368064xi32, #tpu.memory_space<hbm>> -> memref<128xi32, #tpu.memory_space<hbm>>
          %dma_start3A_74 = tpu.memref_slice %arg4[%multiple_of3A_69] : memref<1368064xi32, #tpu.memory_space<hbm>> -> memref<128xi32, #tpu.memory_space<hbm>>
          tpu.enqueue_dma source(%dma_start3A_74 : memref<128xi32, #tpu.memory_space<hbm>>) target(%arg8 : memref<128xi32, #tpu.memory_space<vmem>>) target_semaphore(%run_scoped3A : memref<!tpu.dma_semaphore, #tpu.memory_space<semaphore_mem>>)
          %dma_wait3A_75 = tpu.memref_slice %arg4[%multiple_of3A_69] : memref<1368064xi32, #tpu.memory_space<hbm>> -> memref<128xi32, #tpu.memory_space<hbm>>
          %dma_wait3A_76 = tpu.memref_slice %arg4[%multiple_of3A_69] : memref<1368064xi32, #tpu.memory_space<hbm>> -> memref<128xi32, #tpu.memory_space<hbm>>
          tpu.wait_dma2 semaphore(%run_scoped3A : memref<!tpu.dma_semaphore, #tpu.memory_space<semaphore_mem>>) src(%dma_wait3A_76 : memref<128xi32, #tpu.memory_space<hbm>>) dst(%arg8 : memref<128xi32, #tpu.memory_space<vmem>>)
          tpu.yield
        }) : () -> ()
        "tpu.region"() ({
          %run_scoped3A = tpu.sem_alloc : memref<!tpu.dma_semaphore, #tpu.memory_space<semaphore_mem>>
          %dma_start3A_73 = tpu.memref_slice %arg3[%multiple_of3A_69] : memref<1368064xi32, #tpu.memory_space<hbm>> -> memref<128xi32, #tpu.memory_space<hbm>>
          %dma_start3A_74 = tpu.memref_slice %arg3[%multiple_of3A_69] : memref<1368064xi32, #tpu.memory_space<hbm>> -> memref<128xi32, #tpu.memory_space<hbm>>
          tpu.enqueue_dma source(%dma_start3A_74 : memref<128xi32, #tpu.memory_space<hbm>>) target(%arg9 : memref<128xi32, #tpu.memory_space<vmem>>) target_semaphore(%run_scoped3A : memref<!tpu.dma_semaphore, #tpu.memory_space<semaphore_mem>>)
          %dma_wait3A_75 = tpu.memref_slice %arg3[%multiple_of3A_69] : memref<1368064xi32, #tpu.memory_space<hbm>> -> memref<128xi32, #tpu.memory_space<hbm>>
          %dma_wait3A_76 = tpu.memref_slice %arg3[%multiple_of3A_69] : memref<1368064xi32, #tpu.memory_space<hbm>> -> memref<128xi32, #tpu.memory_space<hbm>>
          tpu.wait_dma2 semaphore(%run_scoped3A : memref<!tpu.dma_semaphore, #tpu.memory_space<semaphore_mem>>) src(%dma_wait3A_76 : memref<128xi32, #tpu.memory_space<hbm>>) dst(%arg9 : memref<128xi32, #tpu.memory_space<vmem>>)
          tpu.yield
        }) : () -> ()
        %dma_start3A_70 = arith.constant 0 : i32
        %dma_start3A_71 = arith.constant 0 : i32
        %dma_start3A_72 = tpu.memref_slice %arg2[%dma_start3A_70, %dma_start3A_71] : memref<61440x128xf32, #tpu.memory_space<hbm>> -> memref<61440x128xf32, #tpu.memory_space<hbm>>
        tpu.enqueue_indirect_dma source(%dma_start3A_72 : memref<61440x128xf32, #tpu.memory_space<hbm>>) target(%arg12 : memref<128x128xf32, #tpu.memory_space<vmem>>) offsets(%arg8 : memref<128xi32, #tpu.memory_space<vmem>>) semaphore(%arg14 : memref<!tpu.dma_semaphore, #tpu.memory_space<semaphore_mem>>)
      } else {
      }
      %dma_wait3A_61 = arith.constant 0 : i32
      %dma_wait3A_62 = arith.constant 0 : i32
      %dma_wait3A_63 = tpu.memref_slice %arg2[%dma_wait3A_61, %dma_wait3A_62] : memref<61440x128xf32, #tpu.memory_space<hbm>> -> memref<61440x128xf32, #tpu.memory_space<hbm>>
      tpu.wait_indirect_dma semaphore(%arg15 : memref<!tpu.dma_semaphore, #tpu.memory_space<semaphore_mem>>) src(%dma_wait3A_63 : memref<61440x128xf32, #tpu.memory_space<hbm>>) dst(%arg13 : memref<128x128xf32, #tpu.memory_space<vmem>>)
      "tpu.region"() ({
        %run_scoped3A = tpu.sem_alloc : memref<!tpu.dma_semaphore, #tpu.memory_space<semaphore_mem>>
        %dma_start3A_64 = arith.constant 0 : i32
        %dma_start3A_65 = arith.constant 0 : i32
        %dma_start3A_66 = tpu.memref_slice %arg7[%dma_start3A_64, %dma_start3A_65] : memref<10240x128xf32, #tpu.memory_space<vmem_shared>> -> memref<10240x128xf32, #tpu.memory_space<vmem_shared>>
        tpu.enqueue_indirect_dma source(%arg13 : memref<128x128xf32, #tpu.memory_space<vmem>>) target(%dma_start3A_66 : memref<10240x128xf32, #tpu.memory_space<vmem_shared>>) offsets(%arg11 : memref<128xi32, #tpu.memory_space<vmem>>) semaphore(%run_scoped3A : memref<!tpu.dma_semaphore, #tpu.memory_space<semaphore_mem>>) {add = true}
        %dma_wait3A_67 = arith.constant 0 : i32
        %dma_wait3A_68 = arith.constant 0 : i32
        %dma_wait3A_69 = tpu.memref_slice %arg7[%dma_wait3A_67, %dma_wait3A_68] : memref<10240x128xf32, #tpu.memory_space<vmem_shared>> -> memref<10240x128xf32, #tpu.memory_space<vmem_shared>>
        tpu.wait_indirect_dma semaphore(%run_scoped3A : memref<!tpu.dma_semaphore, #tpu.memory_space<semaphore_mem>>) src(%arg13 : memref<128x128xf32, #tpu.memory_space<vmem>>) dst(%dma_wait3A_69 : memref<10240x128xf32, #tpu.memory_space<vmem_shared>>)
        tpu.yield
      }) : () -> ()
    }
    %barrier3A_42 = arith.constant 0 : index
    tpu.barrier barrier_id(%barrier3A_42)
    "tpu.region"() ({
      %run_scoped3A = tpu.sem_alloc : memref<!tpu.dma_semaphore, #tpu.memory_space<semaphore_mem>>
      %dma_start3A_43 = arith.constant 0 : i32
      %dma_start3A_44 = tpu.memref_slice %arg6[%arg0, %mul3A_0, %dma_start3A_43] : memref<2x10240x128xf32, #tpu.memory_space<hbm>> -> memref<1x640x128xf32, #tpu.memory_space<hbm>>
      %dma_start3A_45 = tpu.memref_squeeze %dma_start3A_44 : memref<1x640x128xf32, #tpu.memory_space<hbm>> -> memref<640x128xf32, #tpu.memory_space<hbm>>
      %dma_start3A_46 = arith.constant 0 : i32
      %dma_start3A_47 = tpu.memref_slice %arg7[%mul3A_0, %dma_start3A_46] : memref<10240x128xf32, #tpu.memory_space<vmem_shared>> -> memref<640x128xf32, #tpu.memory_space<vmem_shared>>
      tpu.enqueue_dma source(%dma_start3A_47 : memref<640x128xf32, #tpu.memory_space<vmem_shared>>) target(%dma_start3A_45 : memref<640x128xf32, #tpu.memory_space<hbm>>) target_semaphore(%run_scoped3A : memref<!tpu.dma_semaphore, #tpu.memory_space<semaphore_mem>>)
      %dma_wait3A = arith.constant 0 : i32
      %dma_wait3A_48 = tpu.memref_slice %arg6[%arg0, %mul3A_0, %dma_wait3A] : memref<2x10240x128xf32, #tpu.memory_space<hbm>> -> memref<1x640x128xf32, #tpu.memory_space<hbm>>
      %dma_wait3A_49 = tpu.memref_squeeze %dma_wait3A_48 : memref<1x640x128xf32, #tpu.memory_space<hbm>> -> memref<640x128xf32, #tpu.memory_space<hbm>>
      %dma_wait3A_50 = arith.constant 0 : i32
      %dma_wait3A_51 = tpu.memref_slice %arg7[%mul3A_0, %dma_wait3A_50] : memref<10240x128xf32, #tpu.memory_space<vmem_shared>> -> memref<640x128xf32, #tpu.memory_space<vmem_shared>>
      tpu.wait_dma2 semaphore(%run_scoped3A : memref<!tpu.dma_semaphore, #tpu.memory_space<semaphore_mem>>) src(%dma_wait3A_51 : memref<640x128xf32, #tpu.memory_space<vmem_shared>>) dst(%dma_wait3A_49 : memref<640x128xf32, #tpu.memory_space<hbm>>)
      tpu.yield
    }) : () -> ()
    return
  }
}

module attributes {stable_mosaic.version = 14 : i64} {
  func.func @_yall_body(%arg0: i32, %arg1: i32, %arg2: memref<512x128xf32, #tpu.memory_space<vmem>>, %arg3: memref<1x128x128xf32, #tpu.memory_space<vmem>>, %arg4: memref<1x512x128xf32, #tpu.memory_space<vmem>>) attributes {dimension_semantics = [#tpu.dimension_semantics<arbitrary>, #tpu.dimension_semantics<arbitrary>], iteration_bounds = array<i64: 6, 20>, scalar_prefetch = 0 : i64, scratch_operands = 0 : i64, tpu.core_type = #tpu.core_type<tc>, window_params = [{transform_indices = @transform_0, window_bounds = array<i64: 512, 128>}, {transform_indices = @transform_1, window_bounds = array<i64: 1, 128, 128>}, {transform_indices = @transform_2, window_bounds = array<i64: 1, 512, 128>}]} {
    %get3A = arith.constant 0 : index
    %get3A_0 = arith.constant 0 : index
    %get3A_1 = vector.load %arg2[%get3A, %get3A_0] : memref<512x128xf32, #tpu.memory_space<vmem>>, vector<512x128xf32>
    %get3A_2 = arith.constant 0 : index
    %get3A_3 = arith.constant 0 : index
    %get3A_4 = arith.constant 0 : index
    %get3A_5 = vector.load %arg3[%get3A_2, %get3A_3, %get3A_4] : memref<1x128x128xf32, #tpu.memory_space<vmem>>, vector<1x128x128xf32>
    %get3A_6 = vector.shape_cast %get3A_5 : vector<1x128x128xf32> to vector<128x128xf32>
    %dot_general3A = arith.constant dense<0.000000e+00> : vector<512x128xf32>
    %dot_general3A_7 = tpu.matmul %get3A_1, %get3A_6, %dot_general3A {dimension_numbers = #tpu.dot_dimension_numbers<[1], [0], [0], [1], [0, 0, 1, 1], [], []>, precision = #tpu.contract_precision<fp32>, transpose_lhs_hint = false} : vector<512x128xf32>, vector<128x128xf32>, vector<512x128xf32> -> vector<512x128xf32>
    %swap3A = arith.constant 0 : index
    %swap3A_8 = arith.constant 0 : index
    %swap3A_9 = arith.constant 0 : index
    %swap3A_10 = vector.load %arg4[%swap3A, %swap3A_8, %swap3A_9] : memref<1x512x128xf32, #tpu.memory_space<vmem>>, vector<1x512x128xf32>
    %swap3A_11 = vector.shape_cast %swap3A_10 : vector<1x512x128xf32> to vector<512x128xf32>
    %swap3A_12 = vector.shape_cast %dot_general3A_7 : vector<512x128xf32> to vector<1x512x128xf32>
    tpu.vector_store %arg4[%swap3A, %swap3A_8, %swap3A_9], %swap3A_12 {strides = array<i32>} : memref<1x512x128xf32, #tpu.memory_space<vmem>>, vector<1x512x128xf32>,
    return
  }
  func.func @transform_0(%arg0: i32, %arg1: i32) -> (i32, i32) {
    %c0_i32 = arith.constant 0 : i32
    %c0_i32_0 = arith.constant 0 : i32
    return %arg1, %c0_i32 : i32, i32
  }
  func.func @transform_1(%arg0: i32, %arg1: i32) -> (i32, i32, i32) {
    %c0_i32 = arith.constant 0 : i32
    %c0_i32_0 = arith.constant 0 : i32
    %c0_i32_1 = arith.constant 0 : i32
    return %arg0, %c0_i32, %c0_i32_0 : i32, i32, i32
  }
  func.func @transform_2(%arg0: i32, %arg1: i32) -> (i32, i32, i32) {
    %c0_i32 = arith.constant 0 : i32
    %c0_i32_0 = arith.constant 0 : i32
    return %arg0, %arg1, %c0_i32 : i32, i32, i32
  }
}

module attributes {stable_mosaic.version = 14 : i64} {
  func.func @_input_body(%arg0: i32, %arg1: memref<512x2xf32, #tpu.memory_space<vmem>>, %arg2: memref<512x2xf32, #tpu.memory_space<vmem>>, %arg3: memref<2x128xf32, #tpu.memory_space<vmem>>, %arg4: memref<1x128xf32, #tpu.memory_space<vmem>>, %arg5: memref<128x128xf32, #tpu.memory_space<vmem>>, %arg6: memref<1x128xf32, #tpu.memory_space<vmem>>, %arg7: memref<1x128xf32, #tpu.memory_space<vmem>>, %arg8: memref<2x128xf32, #tpu.memory_space<vmem>>, %arg9: memref<1x128xf32, #tpu.memory_space<vmem>>, %arg10: memref<128x128xf32, #tpu.memory_space<vmem>>, %arg11: memref<1x128xf32, #tpu.memory_space<vmem>>, %arg12: memref<1x128xf32, #tpu.memory_space<vmem>>, %arg13: memref<512x128xf32, #tpu.memory_space<vmem>>) attributes {dimension_semantics = [#tpu.dimension_semantics<arbitrary>], iteration_bounds = array<i64: 20>, scalar_prefetch = 0 : i64, scratch_operands = 0 : i64, tpu.core_type = #tpu.core_type<tc>, window_params = [{transform_indices = @transform_0, window_bounds = array<i64: 512, 2>}, {transform_indices = @transform_1, window_bounds = array<i64: 512, 2>}, {pipeline_mode = #tpu.pipeline_mode<synchronous>, transform_indices = @transform_2, window_bounds = array<i64: 2, 128>}, {pipeline_mode = #tpu.pipeline_mode<synchronous>, transform_indices = @transform_3, window_bounds = array<i64: 1, 128>}, {pipeline_mode = #tpu.pipeline_mode<synchronous>, transform_indices = @transform_4, window_bounds = array<i64: 128, 128>}, {pipeline_mode = #tpu.pipeline_mode<synchronous>, transform_indices = @transform_5, window_bounds = array<i64: 1, 128>}, {pipeline_mode = #tpu.pipeline_mode<synchronous>, transform_indices = @transform_6, window_bounds = array<i64: 1, 128>}, {pipeline_mode = #tpu.pipeline_mode<synchronous>, transform_indices = @transform_7, window_bounds = array<i64: 2, 128>}, {pipeline_mode = #tpu.pipeline_mode<synchronous>, transform_indices = @transform_8, window_bounds = array<i64: 1, 128>}, {pipeline_mode = #tpu.pipeline_mode<synchronous>, transform_indices = @transform_9, window_bounds = array<i64: 128, 128>}, {pipeline_mode = #tpu.pipeline_mode<synchronous>, transform_indices = @transform_10, window_bounds = array<i64: 1, 128>}, {pipeline_mode = #tpu.pipeline_mode<synchronous>, transform_indices = @transform_11, window_bounds = array<i64: 1, 128>}, {transform_indices = @transform_12, window_bounds = array<i64: 512, 128>}]} {
    %get3A = arith.constant 0 : index
    %get3A_0 = arith.constant 0 : index
    %get3A_1 = vector.load %arg1[%get3A, %get3A_0] : memref<512x2xf32, #tpu.memory_space<vmem>>, vector<512x2xf32>
    %get3A_2 = arith.constant 0 : index
    %get3A_3 = arith.constant 0 : index
    %get3A_4 = vector.load %arg3[%get3A_2, %get3A_3] : memref<2x128xf32, #tpu.memory_space<vmem>>, vector<2x128xf32>
    %dot_general3A = arith.constant dense<0.000000e+00> : vector<512x128xf32>
    %dot_general3A_5 = tpu.matmul %get3A_1, %get3A_4, %dot_general3A {dimension_numbers = #tpu.dot_dimension_numbers<[1], [0], [0], [1], [0, 0, 1, 1], [], []>, precision = #tpu.contract_precision<fp32>, transpose_lhs_hint = false} : vector<512x2xf32>, vector<2x128xf32>, vector<512x128xf32> -> vector<512x128xf32>
    %get3A_6 = arith.constant 0 : index
    %get3A_7 = arith.constant 0 : index
    %get3A_8 = vector.load %arg4[%get3A_6, %get3A_7] : memref<1x128xf32, #tpu.memory_space<vmem>>, vector<1x128xf32>
    %add3A = vector.broadcast %get3A_8 : vector<1x128xf32> to vector<512x128xf32>
    %add3A_9 = arith.addf %dot_general3A_5, %add3A : vector<512x128xf32>
    %max3A = arith.constant 0.000000e+00 : f32
    %max3A_10 = vector.broadcast %max3A : f32 to vector<512x128xf32>
    %max3A_11 = arith.maximumf %add3A_9, %max3A_10 : vector<512x128xf32>
    %get3A_12 = arith.constant 0 : index
    %get3A_13 = arith.constant 0 : index
    %get3A_14 = vector.load %arg5[%get3A_12, %get3A_13] : memref<128x128xf32, #tpu.memory_space<vmem>>, vector<128x128xf32>
    %dot_general3A_15 = arith.constant dense<0.000000e+00> : vector<512x128xf32>
    %dot_general3A_16 = tpu.matmul %max3A_11, %get3A_14, %dot_general3A_15 {dimension_numbers = #tpu.dot_dimension_numbers<[1], [0], [0], [1], [0, 0, 1, 1], [], []>, precision = #tpu.contract_precision<fp32>, transpose_lhs_hint = false} : vector<512x128xf32>, vector<128x128xf32>, vector<512x128xf32> -> vector<512x128xf32>
    %get3A_17 = arith.constant 0 : index
    %get3A_18 = arith.constant 0 : index
    %get3A_19 = vector.load %arg6[%get3A_17, %get3A_18] : memref<1x128xf32, #tpu.memory_space<vmem>>, vector<1x128xf32>
    %get3A_20 = arith.constant 0 : index
    %get3A_21 = arith.constant 0 : index
    %get3A_22 = vector.load %arg7[%get3A_20, %get3A_21] : memref<1x128xf32, #tpu.memory_space<vmem>>, vector<1x128xf32>
    %reduce_sum3A = arith.constant dense<0.000000e+00> : vector<512xf32>
    %reduce_sum3A_23 = vector.multi_reduction <add>, %dot_general3A_16, %reduce_sum3A [1] : vector<512x128xf32> to vector<512xf32>
    %broadcast_in_dim3A = vector.shape_cast %reduce_sum3A_23 : vector<512xf32> to vector<512x1xf32>
    %div3A = arith.constant 1.280000e+02 : f32
    %div3A_24 = vector.broadcast %div3A : f32 to vector<512x1xf32>
    %div3A_25 = arith.divf %broadcast_in_dim3A, %div3A_24 : vector<512x1xf32>
    %sub3A = vector.broadcast %div3A_25 : vector<512x1xf32> to vector<512x128xf32>
    %sub3A_26 = arith.subf %dot_general3A_16, %sub3A : vector<512x128xf32>
    %integer_pow3A = arith.mulf %sub3A_26, %sub3A_26 : vector<512x128xf32>
    %reduce_sum3A_27 = arith.constant dense<0.000000e+00> : vector<512xf32>
    %reduce_sum3A_28 = vector.multi_reduction <add>, %integer_pow3A, %reduce_sum3A_27 [1] : vector<512x128xf32> to vector<512xf32>
    %broadcast_in_dim3A_29 = vector.shape_cast %reduce_sum3A_28 : vector<512xf32> to vector<512x1xf32>
    %div3A_30 = arith.constant 1.280000e+02 : f32
    %div3A_31 = vector.broadcast %div3A_30 : f32 to vector<512x1xf32>
    %div3A_32 = arith.divf %broadcast_in_dim3A_29, %div3A_31 : vector<512x1xf32>
    %sub3A_33 = vector.broadcast %div3A_25 : vector<512x1xf32> to vector<512x128xf32>
    %sub3A_34 = arith.subf %dot_general3A_16, %sub3A_33 : vector<512x128xf32>
    %add3A_35 = arith.constant 9.99999974E-6 : f32
    %add3A_36 = vector.broadcast %add3A_35 : f32 to vector<512x1xf32>
    %add3A_37 = arith.addf %div3A_32, %add3A_36 : vector<512x1xf32>
    %rsqrt3A = math.rsqrt %add3A_37 : vector<512x1xf32>
    %mul3A = vector.broadcast %rsqrt3A : vector<512x1xf32> to vector<512x128xf32>
    %mul3A_38 = arith.mulf %sub3A_34, %mul3A : vector<512x128xf32>
    %mul3A_39 = vector.broadcast %get3A_19 : vector<1x128xf32> to vector<512x128xf32>
    %mul3A_40 = arith.mulf %mul3A_38, %mul3A_39 : vector<512x128xf32>
    %add3A_41 = vector.broadcast %get3A_22 : vector<1x128xf32> to vector<512x128xf32>
    %add3A_42 = arith.addf %mul3A_40, %add3A_41 : vector<512x128xf32>
    %get3A_43 = arith.constant 0 : index
    %get3A_44 = arith.constant 0 : index
    %get3A_45 = vector.load %arg2[%get3A_43, %get3A_44] : memref<512x2xf32, #tpu.memory_space<vmem>>, vector<512x2xf32>
    %get3A_46 = arith.constant 0 : index
    %get3A_47 = arith.constant 0 : index
    %get3A_48 = vector.load %arg8[%get3A_46, %get3A_47] : memref<2x128xf32, #tpu.memory_space<vmem>>, vector<2x128xf32>
    %dot_general3A_49 = arith.constant dense<0.000000e+00> : vector<512x128xf32>
    %dot_general3A_50 = tpu.matmul %get3A_45, %get3A_48, %dot_general3A_49 {dimension_numbers = #tpu.dot_dimension_numbers<[1], [0], [0], [1], [0, 0, 1, 1], [], []>, precision = #tpu.contract_precision<fp32>, transpose_lhs_hint = false} : vector<512x2xf32>, vector<2x128xf32>, vector<512x128xf32> -> vector<512x128xf32>
    %get3A_51 = arith.constant 0 : index
    %get3A_52 = arith.constant 0 : index
    %get3A_53 = vector.load %arg9[%get3A_51, %get3A_52] : memref<1x128xf32, #tpu.memory_space<vmem>>, vector<1x128xf32>
    %add3A_54 = vector.broadcast %get3A_53 : vector<1x128xf32> to vector<512x128xf32>
    %add3A_55 = arith.addf %dot_general3A_50, %add3A_54 : vector<512x128xf32>
    %max3A_56 = arith.constant 0.000000e+00 : f32
    %max3A_57 = vector.broadcast %max3A_56 : f32 to vector<512x128xf32>
    %max3A_58 = arith.maximumf %add3A_55, %max3A_57 : vector<512x128xf32>
    %get3A_59 = arith.constant 0 : index
    %get3A_60 = arith.constant 0 : index
    %get3A_61 = vector.load %arg10[%get3A_59, %get3A_60] : memref<128x128xf32, #tpu.memory_space<vmem>>, vector<128x128xf32>
    %dot_general3A_62 = arith.constant dense<0.000000e+00> : vector<512x128xf32>
    %dot_general3A_63 = tpu.matmul %max3A_58, %get3A_61, %dot_general3A_62 {dimension_numbers = #tpu.dot_dimension_numbers<[1], [0], [0], [1], [0, 0, 1, 1], [], []>, precision = #tpu.contract_precision<fp32>, transpose_lhs_hint = false} : vector<512x128xf32>, vector<128x128xf32>, vector<512x128xf32> -> vector<512x128xf32>
    %get3A_64 = arith.constant 0 : index
    %get3A_65 = arith.constant 0 : index
    %get3A_66 = vector.load %arg11[%get3A_64, %get3A_65] : memref<1x128xf32, #tpu.memory_space<vmem>>, vector<1x128xf32>
    %get3A_67 = arith.constant 0 : index
    %get3A_68 = arith.constant 0 : index
    %get3A_69 = vector.load %arg12[%get3A_67, %get3A_68] : memref<1x128xf32, #tpu.memory_space<vmem>>, vector<1x128xf32>
    %reduce_sum3A_70 = arith.constant dense<0.000000e+00> : vector<512xf32>
    %reduce_sum3A_71 = vector.multi_reduction <add>, %dot_general3A_63, %reduce_sum3A_70 [1] : vector<512x128xf32> to vector<512xf32>
    %broadcast_in_dim3A_72 = vector.shape_cast %reduce_sum3A_71 : vector<512xf32> to vector<512x1xf32>
    %div3A_73 = arith.constant 1.280000e+02 : f32
    %div3A_74 = vector.broadcast %div3A_73 : f32 to vector<512x1xf32>
    %div3A_75 = arith.divf %broadcast_in_dim3A_72, %div3A_74 : vector<512x1xf32>
    %sub3A_76 = vector.broadcast %div3A_75 : vector<512x1xf32> to vector<512x128xf32>
    %sub3A_77 = arith.subf %dot_general3A_63, %sub3A_76 : vector<512x128xf32>
    %integer_pow3A_78 = arith.mulf %sub3A_77, %sub3A_77 : vector<512x128xf32>
    %reduce_sum3A_79 = arith.constant dense<0.000000e+00> : vector<512xf32>
    %reduce_sum3A_80 = vector.multi_reduction <add>, %integer_pow3A_78, %reduce_sum3A_79 [1] : vector<512x128xf32> to vector<512xf32>
    %broadcast_in_dim3A_81 = vector.shape_cast %reduce_sum3A_80 : vector<512xf32> to vector<512x1xf32>
    %div3A_82 = arith.constant 1.280000e+02 : f32
    %div3A_83 = vector.broadcast %div3A_82 : f32 to vector<512x1xf32>
    %div3A_84 = arith.divf %broadcast_in_dim3A_81, %div3A_83 : vector<512x1xf32>
    %sub3A_85 = vector.broadcast %div3A_75 : vector<512x1xf32> to vector<512x128xf32>
    %sub3A_86 = arith.subf %dot_general3A_63, %sub3A_85 : vector<512x128xf32>
    %add3A_87 = arith.constant 9.99999974E-6 : f32
    %add3A_88 = vector.broadcast %add3A_87 : f32 to vector<512x1xf32>
    %add3A_89 = arith.addf %div3A_84, %add3A_88 : vector<512x1xf32>
    %rsqrt3A_90 = math.rsqrt %add3A_89 : vector<512x1xf32>
    %mul3A_91 = vector.broadcast %rsqrt3A_90 : vector<512x1xf32> to vector<512x128xf32>
    %mul3A_92 = arith.mulf %sub3A_86, %mul3A_91 : vector<512x128xf32>
    %mul3A_93 = vector.broadcast %get3A_66 : vector<1x128xf32> to vector<512x128xf32>
    %mul3A_94 = arith.mulf %mul3A_92, %mul3A_93 : vector<512x128xf32>
    %add3A_95 = vector.broadcast %get3A_69 : vector<1x128xf32> to vector<512x128xf32>
    %add3A_96 = arith.addf %mul3A_94, %add3A_95 : vector<512x128xf32>
    %add3A_97 = arith.addf %add3A_42, %add3A_96 : vector<512x128xf32>
    %max3A_98 = arith.constant 0.000000e+00 : f32
    %max3A_99 = vector.broadcast %max3A_98 : f32 to vector<512x128xf32>
    %max3A_100 = arith.maximumf %add3A_97, %max3A_99 : vector<512x128xf32>
    %swap3A = arith.constant 0 : index
    %swap3A_101 = arith.constant 0 : index
    %swap3A_102 = vector.load %arg13[%swap3A, %swap3A_101] : memref<512x128xf32, #tpu.memory_space<vmem>>, vector<512x128xf32>
    tpu.vector_store %arg13[%swap3A, %swap3A_101], %max3A_100 {strides = array<i32>} : memref<512x128xf32, #tpu.memory_space<vmem>>, vector<512x128xf32>,
    return
  }
  func.func @transform_0(%arg0: i32) -> (i32, i32) {
    %c0_i32 = arith.constant 0 : i32
    %c0_i32_0 = arith.constant 0 : i32
    return %arg0, %c0_i32 : i32, i32
  }
  func.func @transform_1(%arg0: i32) -> (i32, i32) {
    %c0_i32 = arith.constant 0 : i32
    %c0_i32_0 = arith.constant 0 : i32
    return %arg0, %c0_i32 : i32, i32
  }
  func.func @transform_2(%arg0: i32) -> (i32, i32) {
    %c0_i32 = arith.constant 0 : i32
    %c0_i32_0 = arith.constant 0 : i32
    %c0_i32_1 = arith.constant 0 : i32
    return %c0_i32, %c0_i32_0 : i32, i32
  }
  func.func @transform_3(%arg0: i32) -> (i32, i32) {
    %c0_i32 = arith.constant 0 : i32
    %c0_i32_0 = arith.constant 0 : i32
    %c0_i32_1 = arith.constant 0 : i32
    return %c0_i32, %c0_i32_0 : i32, i32
  }
  func.func @transform_4(%arg0: i32) -> (i32, i32) {
    %c0_i32 = arith.constant 0 : i32
    %c0_i32_0 = arith.constant 0 : i32
    %c0_i32_1 = arith.constant 0 : i32
    return %c0_i32, %c0_i32_0 : i32, i32
  }
  func.func @transform_5(%arg0: i32) -> (i32, i32) {
    %c0_i32 = arith.constant 0 : i32
    %c0_i32_0 = arith.constant 0 : i32
    %c0_i32_1 = arith.constant 0 : i32
    return %c0_i32, %c0_i32_0 : i32, i32
  }
  func.func @transform_6(%arg0: i32) -> (i32, i32) {
    %c0_i32 = arith.constant 0 : i32
    %c0_i32_0 = arith.constant 0 : i32
    %c0_i32_1 = arith.constant 0 : i32
    return %c0_i32, %c0_i32_0 : i32, i32
  }
  func.func @transform_7(%arg0: i32) -> (i32, i32) {
    %c0_i32 = arith.constant 0 : i32
    %c0_i32_0 = arith.constant 0 : i32
    %c0_i32_1 = arith.constant 0 : i32
    return %c0_i32, %c0_i32_0 : i32, i32
  }
  func.func @transform_8(%arg0: i32) -> (i32, i32) {
    %c0_i32 = arith.constant 0 : i32
    %c0_i32_0 = arith.constant 0 : i32
    %c0_i32_1 = arith.constant 0 : i32
    return %c0_i32, %c0_i32_0 : i32, i32
  }
  func.func @transform_9(%arg0: i32) -> (i32, i32) {
    %c0_i32 = arith.constant 0 : i32
    %c0_i32_0 = arith.constant 0 : i32
    %c0_i32_1 = arith.constant 0 : i32
    return %c0_i32, %c0_i32_0 : i32, i32
  }
  func.func @transform_10(%arg0: i32) -> (i32, i32) {
    %c0_i32 = arith.constant 0 : i32
    %c0_i32_0 = arith.constant 0 : i32
    %c0_i32_1 = arith.constant 0 : i32
    return %c0_i32, %c0_i32_0 : i32, i32
  }
  func.func @transform_11(%arg0: i32) -> (i32, i32) {
    %c0_i32 = arith.constant 0 : i32
    %c0_i32_0 = arith.constant 0 : i32
    %c0_i32_1 = arith.constant 0 : i32
    return %c0_i32, %c0_i32_0 : i32, i32
  }
  func.func @transform_12(%arg0: i32) -> (i32, i32) {
    %c0_i32 = arith.constant 0 : i32
    %c0_i32_0 = arith.constant 0 : i32
    return %arg0, %c0_i32 : i32, i32
  }
}

module attributes {stable_mosaic.version = 14 : i64} {
  func.func @_norm_body(%arg0: i32, %arg1: memref<512x128xf32, #tpu.memory_space<vmem>>, %arg2: memref<2x512x128xf32, #tpu.memory_space<vmem>>, %arg3: memref<128x128xf32, #tpu.memory_space<vmem>>, %arg4: memref<1x128xf32, #tpu.memory_space<vmem>>, %arg5: memref<1x128xf32, #tpu.memory_space<vmem>>, %arg6: memref<128x128xf32, #tpu.memory_space<vmem>>, %arg7: memref<1x128xf32, #tpu.memory_space<vmem>>, %arg8: memref<1x128xf32, #tpu.memory_space<vmem>>, %arg9: memref<512x128xf32, #tpu.memory_space<vmem>>) attributes {dimension_semantics = [#tpu.dimension_semantics<arbitrary>], iteration_bounds = array<i64: 20>, scalar_prefetch = 0 : i64, scratch_operands = 0 : i64, tpu.core_type = #tpu.core_type<tc>, window_params = [{transform_indices = @transform_0, window_bounds = array<i64: 512, 128>}, {transform_indices = @transform_1, window_bounds = array<i64: 2, 512, 128>}, {pipeline_mode = #tpu.pipeline_mode<synchronous>, transform_indices = @transform_2, window_bounds = array<i64: 128, 128>}, {pipeline_mode = #tpu.pipeline_mode<synchronous>, transform_indices = @transform_3, window_bounds = array<i64: 1, 128>}, {pipeline_mode = #tpu.pipeline_mode<synchronous>, transform_indices = @transform_4, window_bounds = array<i64: 1, 128>}, {pipeline_mode = #tpu.pipeline_mode<synchronous>, transform_indices = @transform_5, window_bounds = array<i64: 128, 128>}, {pipeline_mode = #tpu.pipeline_mode<synchronous>, transform_indices = @transform_6, window_bounds = array<i64: 1, 128>}, {pipeline_mode = #tpu.pipeline_mode<synchronous>, transform_indices = @transform_7, window_bounds = array<i64: 1, 128>}, {transform_indices = @transform_8, window_bounds = array<i64: 512, 128>}]} {
    %get3A = arith.constant 0 : index
    %get3A_0 = arith.constant 0 : index
    %get3A_1 = vector.load %arg1[%get3A, %get3A_0] : memref<512x128xf32, #tpu.memory_space<vmem>>, vector<512x128xf32>
    %get3A_2 = arith.constant 0 : index
    %get3A_3 = arith.constant 0 : index
    %get3A_4 = vector.load %arg3[%get3A_2, %get3A_3] : memref<128x128xf32, #tpu.memory_space<vmem>>, vector<128x128xf32>
    %dot_general3A = arith.constant dense<0.000000e+00> : vector<512x128xf32>
    %dot_general3A_5 = tpu.matmul %get3A_1, %get3A_4, %dot_general3A {dimension_numbers = #tpu.dot_dimension_numbers<[1], [0], [0], [1], [0, 0, 1, 1], [], []>, precision = #tpu.contract_precision<fp32>, transpose_lhs_hint = false} : vector<512x128xf32>, vector<128x128xf32>, vector<512x128xf32> -> vector<512x128xf32>
    %get3A_6 = arith.constant 0 : index
    %get3A_7 = arith.constant 0 : index
    %get3A_8 = arith.constant 0 : index
    %get3A_9 = vector.load %arg2[%get3A_6, %get3A_7, %get3A_8] : memref<2x512x128xf32, #tpu.memory_space<vmem>>, vector<1x512x128xf32>
    %get3A_10 = vector.shape_cast %get3A_9 : vector<1x512x128xf32> to vector<512x128xf32>
    %add3A = arith.addf %dot_general3A_5, %get3A_10 : vector<512x128xf32>
    %get3A_11 = arith.constant 1 : index
    %get3A_12 = arith.constant 0 : index
    %get3A_13 = arith.constant 0 : index
    %get3A_14 = vector.load %arg2[%get3A_11, %get3A_12, %get3A_13] : memref<2x512x128xf32, #tpu.memory_space<vmem>>, vector<1x512x128xf32>
    %get3A_15 = vector.shape_cast %get3A_14 : vector<1x512x128xf32> to vector<512x128xf32>
    %add3A_16 = arith.addf %add3A, %get3A_15 : vector<512x128xf32>
    %get3A_17 = arith.constant 0 : index
    %get3A_18 = arith.constant 0 : index
    %get3A_19 = vector.load %arg4[%get3A_17, %get3A_18] : memref<1x128xf32, #tpu.memory_space<vmem>>, vector<1x128xf32>
    %get3A_20 = arith.constant 0 : index
    %get3A_21 = arith.constant 0 : index
    %get3A_22 = vector.load %arg5[%get3A_20, %get3A_21] : memref<1x128xf32, #tpu.memory_space<vmem>>, vector<1x128xf32>
    %reduce_sum3A = arith.constant dense<0.000000e+00> : vector<512xf32>
    %reduce_sum3A_23 = vector.multi_reduction <add>, %add3A_16, %reduce_sum3A [1] : vector<512x128xf32> to vector<512xf32>
    %broadcast_in_dim3A = vector.shape_cast %reduce_sum3A_23 : vector<512xf32> to vector<512x1xf32>
    %div3A = arith.constant 1.280000e+02 : f32
    %div3A_24 = vector.broadcast %div3A : f32 to vector<512x1xf32>
    %div3A_25 = arith.divf %broadcast_in_dim3A, %div3A_24 : vector<512x1xf32>
    %sub3A = vector.broadcast %div3A_25 : vector<512x1xf32> to vector<512x128xf32>
    %sub3A_26 = arith.subf %add3A_16, %sub3A : vector<512x128xf32>
    %integer_pow3A = arith.mulf %sub3A_26, %sub3A_26 : vector<512x128xf32>
    %reduce_sum3A_27 = arith.constant dense<0.000000e+00> : vector<512xf32>
    %reduce_sum3A_28 = vector.multi_reduction <add>, %integer_pow3A, %reduce_sum3A_27 [1] : vector<512x128xf32> to vector<512xf32>
    %broadcast_in_dim3A_29 = vector.shape_cast %reduce_sum3A_28 : vector<512xf32> to vector<512x1xf32>
    %div3A_30 = arith.constant 1.280000e+02 : f32
    %div3A_31 = vector.broadcast %div3A_30 : f32 to vector<512x1xf32>
    %div3A_32 = arith.divf %broadcast_in_dim3A_29, %div3A_31 : vector<512x1xf32>
    %sub3A_33 = vector.broadcast %div3A_25 : vector<512x1xf32> to vector<512x128xf32>
    %sub3A_34 = arith.subf %add3A_16, %sub3A_33 : vector<512x128xf32>
    %add3A_35 = arith.constant 9.99999974E-6 : f32
    %add3A_36 = vector.broadcast %add3A_35 : f32 to vector<512x1xf32>
    %add3A_37 = arith.addf %div3A_32, %add3A_36 : vector<512x1xf32>
    %rsqrt3A = math.rsqrt %add3A_37 : vector<512x1xf32>
    %mul3A = vector.broadcast %rsqrt3A : vector<512x1xf32> to vector<512x128xf32>
    %mul3A_38 = arith.mulf %sub3A_34, %mul3A : vector<512x128xf32>
    %mul3A_39 = vector.broadcast %get3A_19 : vector<1x128xf32> to vector<512x128xf32>
    %mul3A_40 = arith.mulf %mul3A_38, %mul3A_39 : vector<512x128xf32>
    %add3A_41 = vector.broadcast %get3A_22 : vector<1x128xf32> to vector<512x128xf32>
    %add3A_42 = arith.addf %mul3A_40, %add3A_41 : vector<512x128xf32>
    %max3A = arith.constant 0.000000e+00 : f32
    %max3A_43 = vector.broadcast %max3A : f32 to vector<512x128xf32>
    %max3A_44 = arith.maximumf %add3A_42, %max3A_43 : vector<512x128xf32>
    %get3A_45 = arith.constant 0 : index
    %get3A_46 = arith.constant 0 : index
    %get3A_47 = vector.load %arg6[%get3A_45, %get3A_46] : memref<128x128xf32, #tpu.memory_space<vmem>>, vector<128x128xf32>
    %dot_general3A_48 = arith.constant dense<0.000000e+00> : vector<512x128xf32>
    %dot_general3A_49 = tpu.matmul %max3A_44, %get3A_47, %dot_general3A_48 {dimension_numbers = #tpu.dot_dimension_numbers<[1], [0], [0], [1], [0, 0, 1, 1], [], []>, precision = #tpu.contract_precision<fp32>, transpose_lhs_hint = false} : vector<512x128xf32>, vector<128x128xf32>, vector<512x128xf32> -> vector<512x128xf32>
    %get3A_50 = arith.constant 0 : index
    %get3A_51 = arith.constant 0 : index
    %get3A_52 = vector.load %arg7[%get3A_50, %get3A_51] : memref<1x128xf32, #tpu.memory_space<vmem>>, vector<1x128xf32>
    %get3A_53 = arith.constant 0 : index
    %get3A_54 = arith.constant 0 : index
    %get3A_55 = vector.load %arg8[%get3A_53, %get3A_54] : memref<1x128xf32, #tpu.memory_space<vmem>>, vector<1x128xf32>
    %reduce_sum3A_56 = arith.constant dense<0.000000e+00> : vector<512xf32>
    %reduce_sum3A_57 = vector.multi_reduction <add>, %dot_general3A_49, %reduce_sum3A_56 [1] : vector<512x128xf32> to vector<512xf32>
    %broadcast_in_dim3A_58 = vector.shape_cast %reduce_sum3A_57 : vector<512xf32> to vector<512x1xf32>
    %div3A_59 = arith.constant 1.280000e+02 : f32
    %div3A_60 = vector.broadcast %div3A_59 : f32 to vector<512x1xf32>
    %div3A_61 = arith.divf %broadcast_in_dim3A_58, %div3A_60 : vector<512x1xf32>
    %sub3A_62 = vector.broadcast %div3A_61 : vector<512x1xf32> to vector<512x128xf32>
    %sub3A_63 = arith.subf %dot_general3A_49, %sub3A_62 : vector<512x128xf32>
    %integer_pow3A_64 = arith.mulf %sub3A_63, %sub3A_63 : vector<512x128xf32>
    %reduce_sum3A_65 = arith.constant dense<0.000000e+00> : vector<512xf32>
    %reduce_sum3A_66 = vector.multi_reduction <add>, %integer_pow3A_64, %reduce_sum3A_65 [1] : vector<512x128xf32> to vector<512xf32>
    %broadcast_in_dim3A_67 = vector.shape_cast %reduce_sum3A_66 : vector<512xf32> to vector<512x1xf32>
    %div3A_68 = arith.constant 1.280000e+02 : f32
    %div3A_69 = vector.broadcast %div3A_68 : f32 to vector<512x1xf32>
    %div3A_70 = arith.divf %broadcast_in_dim3A_67, %div3A_69 : vector<512x1xf32>
    %sub3A_71 = vector.broadcast %div3A_61 : vector<512x1xf32> to vector<512x128xf32>
    %sub3A_72 = arith.subf %dot_general3A_49, %sub3A_71 : vector<512x128xf32>
    %add3A_73 = arith.constant 9.99999974E-6 : f32
    %add3A_74 = vector.broadcast %add3A_73 : f32 to vector<512x1xf32>
    %add3A_75 = arith.addf %div3A_70, %add3A_74 : vector<512x1xf32>
    %rsqrt3A_76 = math.rsqrt %add3A_75 : vector<512x1xf32>
    %mul3A_77 = vector.broadcast %rsqrt3A_76 : vector<512x1xf32> to vector<512x128xf32>
    %mul3A_78 = arith.mulf %sub3A_72, %mul3A_77 : vector<512x128xf32>
    %mul3A_79 = vector.broadcast %get3A_52 : vector<1x128xf32> to vector<512x128xf32>
    %mul3A_80 = arith.mulf %mul3A_78, %mul3A_79 : vector<512x128xf32>
    %add3A_81 = vector.broadcast %get3A_55 : vector<1x128xf32> to vector<512x128xf32>
    %add3A_82 = arith.addf %mul3A_80, %add3A_81 : vector<512x128xf32>
    %add3A_83 = arith.addf %add3A_82, %get3A_1 : vector<512x128xf32>
    %max3A_84 = arith.constant 0.000000e+00 : f32
    %max3A_85 = vector.broadcast %max3A_84 : f32 to vector<512x128xf32>
    %max3A_86 = arith.maximumf %add3A_83, %max3A_85 : vector<512x128xf32>
    %swap3A = arith.constant 0 : index
    %swap3A_87 = arith.constant 0 : index
    %swap3A_88 = vector.load %arg9[%swap3A, %swap3A_87] : memref<512x128xf32, #tpu.memory_space<vmem>>, vector<512x128xf32>
    tpu.vector_store %arg9[%swap3A, %swap3A_87], %max3A_86 {strides = array<i32>} : memref<512x128xf32, #tpu.memory_space<vmem>>, vector<512x128xf32>,
    return
  }
  func.func @transform_0(%arg0: i32) -> (i32, i32) {
    %c0_i32 = arith.constant 0 : i32
    %c0_i32_0 = arith.constant 0 : i32
    return %arg0, %c0_i32 : i32, i32
  }
  func.func @transform_1(%arg0: i32) -> (i32, i32, i32) {
    %c0_i32 = arith.constant 0 : i32
    %c0_i32_0 = arith.constant 0 : i32
    %c0_i32_1 = arith.constant 0 : i32
    return %c0_i32, %arg0, %c0_i32_0 : i32, i32, i32
  }
  func.func @transform_2(%arg0: i32) -> (i32, i32) {
    %c0_i32 = arith.constant 0 : i32
    %c0_i32_0 = arith.constant 0 : i32
    %c0_i32_1 = arith.constant 0 : i32
    return %c0_i32, %c0_i32_0 : i32, i32
  }
  func.func @transform_3(%arg0: i32) -> (i32, i32) {
    %c0_i32 = arith.constant 0 : i32
    %c0_i32_0 = arith.constant 0 : i32
    %c0_i32_1 = arith.constant 0 : i32
    return %c0_i32, %c0_i32_0 : i32, i32
  }
  func.func @transform_4(%arg0: i32) -> (i32, i32) {
    %c0_i32 = arith.constant 0 : i32
    %c0_i32_0 = arith.constant 0 : i32
    %c0_i32_1 = arith.constant 0 : i32
    return %c0_i32, %c0_i32_0 : i32, i32
  }
  func.func @transform_5(%arg0: i32) -> (i32, i32) {
    %c0_i32 = arith.constant 0 : i32
    %c0_i32_0 = arith.constant 0 : i32
    %c0_i32_1 = arith.constant 0 : i32
    return %c0_i32, %c0_i32_0 : i32, i32
  }
  func.func @transform_6(%arg0: i32) -> (i32, i32) {
    %c0_i32 = arith.constant 0 : i32
    %c0_i32_0 = arith.constant 0 : i32
    %c0_i32_1 = arith.constant 0 : i32
    return %c0_i32, %c0_i32_0 : i32, i32
  }
  func.func @transform_7(%arg0: i32) -> (i32, i32) {
    %c0_i32 = arith.constant 0 : i32
    %c0_i32_0 = arith.constant 0 : i32
    %c0_i32_1 = arith.constant 0 : i32
    return %c0_i32, %c0_i32_0 : i32, i32
  }
  func.func @transform_8(%arg0: i32) -> (i32, i32) {
    %c0_i32 = arith.constant 0 : i32
    %c0_i32_0 = arith.constant 0 : i32
    return %arg0, %c0_i32 : i32, i32
  }
}

</mosaic_0001>

<sc_bundles>
// kernel: kernel.15.cloned.1.call-start
scs
__scs_entry_jumppad:
0x0: {  	(pc) =	sbr.rel $0x88, $3  }
0x1: {  	(tag) =	ssettag $0x0;
	lr =	simm.s32 $0x1  }
0x2: {  	[smem:$0x3F7F] =	sst lr;
	_ =	strace $0xD0000000  }
0x3: {  	_ = 	snop  }
0x4: {  	_ = 	snop  }
0x5: {  	_ = 	snop  }
0x6: {  	_ = 	snop  }
0x7: {  	_ = 	snop  }
__scs_overlays_trampoline_lowered:
0x8: {  	[smem:$0x3F8E] =	sst s0  }
0x9: {  	[smem:$0x3F8F] =	sst s1  }
0xa: {  	[smem:$0x3F90] =	sst s2  }
0xb: {  	[smem:$0x3F91] =	sst s3  }
0xc: {  	[smem:$0x3F92] =	sst s4  }
0xd: {  	[smem:$0x3F93] =	sst s5  }
0xe: {  	[smem:$0x3F94] =	sst s6  }
0xf: {  	[smem:$0x3F95] =	sst s7  }
0x10: {  	[smem:$0x3F96] =	sst s8  }
0x11: {  	[smem:$0x3F97] =	sst s9;
	s0 =	simm.s32 @!p0 $0x0  }
0x12: {  	s1 =	sld [smem:$0x3F7D];
	s0 =	simm.s32 @p0 $0x1  }
0x13: {  	[smem:$0x3F98] =	sst s0;
	s0 =	simm.s32 @!p1 $0x0  }
0x14: {  	s2 =	sld [smem:$0x3F7C];
	s0 =	simm.s32 @p1 $0x1  }
0x15: {  	[smem:$0x3F99] =	sst s0;
	s0 =	simm.s32 @!p2 $0x0  }
0x16: {  	s3 =	sld [smem:$0x3FDB];
	s0 =	simm.s32 @p2 $0x1  }
0x17: {  	s4 =	simm.s32 $0x1BF5;
	[smem:$0x3F9B] =	sst s0  }
0x18: {  	s0 =	sld [smem:$0x3F7E];
	_ =	swait.ge [sflag:s4], $0x0  }
0x19: {  	s7 =	sld [smem:$0x3F7F]  }
0x1a: {  	s8 =	sadd.s32 $0xFFFFE003, lr  }
0x1b: {  	s9 =	sadd.s32 $0xFFFFFEF7, lr;
	s5 =	simm.s32 $0xFFFFFFFF;
	p2 =	slt.u32 s8, $0xFFFFF086  }
0x1c: {  	p1 =	slt.u32 s9, $0xF7A;
	s5 =	simm.s32 @!p2 $0x0  }
0x1d: {  	s5 =	simm.s32 @p1 $0x1;
	p0 =	seq.s32 s7, s2  }
0x1e: {  	s7 =	smul.u32 @!p0 $0xF7A, s2;
	p2 =	seq.s32 @!p0 s5, $0x0  }
0x1f: {  	s9 =	smul.u32 $0xF7A, s1;
	s8 =	simm.s32 @!p0 $0x1BF5;
	p2 =	por !p2, p0  }
0x20: {  	[sflag:s8] =	ssyncset.s32 @!p0 $0xFFFFF086;
	s6 =	sadd.s32 @!p0 s3, s7;
	s7 =	simm.s32 @!p0 $0x108  }
0x21: {  	s3 =	sadd.s32 s3, s9;
	s6 =	sadd.s32 @!p0 $0x88, s6;
	s7 =	simm.s32 @p2 $0x1082  }
0x22: {  	[simem:s7], [sflag:s8] =	dma.local @!p0 [hbm:s6], $0xF7A  }
0x23: {  	s9 =	sor.u32 $0xD0000000, s2;
	s6 =	simm.s32 $0x108;
	_ =	swait.ge @!p0 [sflag:s8], $0x0  }
0x24: {  	s3 =	sadd.s32 $0x88, s3;
	s6 =	simm.s32 @!p1 $0x1082;
	[sflag:s4] =	ssyncset.s32 $0xFFFFF086  }
0x25: {  	[simem:s6], [sflag:s4] =	dma.local [hbm:s3], $0xF7A  }
0x26: {  	[smem:$0x3F7F] =	sst s1;
	(tag) =	ssettag s2;
	_ =	strace s9  }
0x27: {  	s1 =	sld [smem:$0x3F8F]  }
0x28: {  	s2 =	sld [smem:$0x3F90]  }
0x29: {  	s4 =	sld [smem:$0x3F92]  }
0x2a: {  	p0 =	seq.s32 s5, $0x0;
	s5 =	sld [smem:$0x3F93]  }
0x2b: {  	s6 =	sld [smem:$0x3F94]  }
0x2c: {  	s7 =	sld [smem:$0x3F95]  }
0x2d: {  	s3 =	simm.s32 $0x108;
	s8 =	sld [smem:$0x3F96]  }
0x2e: {  	s3 =	simm.s32 @!p0 $0x1082;
	s9 =	sld [smem:$0x3F97]  }
0x2f: {  	lr =	sadd.s32 s0, s3;
	s0 =	sld [smem:$0x3F8E]  }
0x30: {  	s3 =	sld [smem:$0x3F91]  }
0x31: {  	[smem:$0x3F9A] =	sst s10  }
0x32: {  	s10 =	sld [smem:$0x3F98];
	_ =	sdelay $0x3  }
0x33: {  	p0 =	seq.s32 s10, $0x1;
	s10 =	sld [smem:$0x3F9A];
	_ =	sdelay $0x3  }
0x34: {  	[smem:$0x3F9A] =	sst s10  }
0x35: {  	s10 =	sld [smem:$0x3F99];
	_ =	sdelay $0x3  }
0x36: {  	p1 =	seq.s32 s10, $0x1;
	s10 =	sld [smem:$0x3F9A];
	_ =	sdelay $0x3  }
0x37: {  	[smem:$0x3F9A] =	sst s10  }
0x38: {  	s10 =	sld [smem:$0x3F9B]  }
0x39: {  	_ = 	snop;
	(pc) =	sbr.ind lr, $3  }
0x3a: {  	_ = 	snop  }
0x3b: {  	_ = 	snop  }
0x3c: {  	p2 =	seq.s32 s10, $0x1;
	s10 =	sld [smem:$0x3F9A]  }
0x3d: {  	_ =	shalt  }
0x3e: {  	_ =	shalt  }
0x3f: {  	_ =	shalt  }
0x40: {  	_ =	shalt  }
0x41: {  	_ =	shalt  }
0x42: {  	_ =	shalt  }
0x43: {  	_ =	shalt  }
0x44: {  	_ =	shalt  }
0x45: {  	_ =	shalt  }
0x46: {  	_ =	shalt  }
0x47: {  	_ =	shalt  }
0x48: {  	_ =	shalt  }
0x49: {  	_ =	shalt  }
0x4a: {  	_ =	shalt  }
0x4b: {  	_ =	shalt  }
0x4c: {  	_ =	shalt  }
0x4d: {  	_ =	shalt  }
0x4e: {  	_ =	shalt  }
0x4f: {  	_ =	shalt  }
0x50: {  	_ =	shalt  }
0x51: {  	_ =	shalt  }
0x52: {  	_ =	shalt  }
0x53: {  	_ =	shalt  }
0x54: {  	_ =	shalt  }
0x55: {  	_ =	shalt  }
0x56: {  	_ =	shalt  }
0x57: {  	_ =	shalt  }
0x58: {  	_ =	shalt  }
0x59: {  	_ =	shalt  }
0x5a: {  	_ =	shalt  }
0x5b: {  	_ =	shalt  }
0x5c: {  	_ =	shalt  }
0x5d: {  	_ =	shalt  }
0x5e: {  	_ =	shalt  }
0x5f: {  	_ =	shalt  }
0x60: {  	_ =	shalt  }
0x61: {  	_ =	shalt  }
0x62: {  	_ =	shalt  }
0x63: {  	_ =	shalt  }
0x64: {  	_ =	shalt  }
0x65: {  	_ =	shalt  }
0x66: {  	_ =	shalt  }
0x67: {  	_ =	shalt  }
0x68: {  	_ =	shalt  }
0x69: {  	_ =	shalt  }
0x6a: {  	_ =	shalt  }
0x6b: {  	_ =	shalt  }
0x6c: {  	_ =	shalt  }
0x6d: {  	_ =	shalt  }
0x6e: {  	_ =	shalt  }
0x6f: {  	_ =	shalt  }
0x70: {  	_ =	shalt  }
0x71: {  	_ =	shalt  }
0x72: {  	_ =	shalt  }
0x73: {  	_ =	shalt  }
0x74: {  	_ =	shalt  }
0x75: {  	_ =	shalt  }
0x76: {  	_ =	shalt  }
0x77: {  	_ =	shalt  }
0x78: {  	_ =	shalt  }
0x79: {  	_ =	shalt  }
0x7a: {  	_ =	shalt  }
0x7b: {  	_ =	shalt  }
0x7c: {  	_ =	shalt  }
0x7d: {  	_ =	shalt  }
0x7e: {  	_ =	shalt  }
0x7f: {  	_ =	shalt  }
0x80: {  	_ =	shalt  }
0x81: {  	_ =	shalt  }
0x82: {  	_ =	shalt  }
0x83: {  	_ =	shalt  }
0x84: {  	_ =	shalt  }
0x85: {  	_ =	shalt  }
0x86: {  	_ =	shalt  }
0x87: {  	_ =	shalt  }
.Lfunc_end0:
.L_simem_size_0:
called_computation_lowered:
.L_overlay_start_0:
0x88: {  	s2 =	sld [smem:$0x3FD9]  }
0x89: {  	s3 =	sld [smem:$0x3FFE];
	_ =	sdelay $0x1  }
0x8a: {  	s1 =	srdreg.scid  }
0x8b: {  	s0 =	sand.u32 $0x1, s1  }
0x8c: {  	s16 =	sshll.u32 s0, $0xA;
	s2 =	sadd.s32 s3, s2  }
0x8d: {  	s2 =	sadd.s32 s2, s16  }
0x8e: {  	[smem:$0x3FA6] =	sst s2  }
0x8f: {  	_ = 	snop  }
0x90: {  	(tm) =	ssettm $0x1  }
0x91: {  	s17 =	sld [smem:$0x3FFB];
	_ =	sdelay $0x3  }
0x92: {  	_ =	strace s17  }
0x93: {  	s2 =	sld [smem:$0x3FFC];
	_ =	sdelay $0x3  }
0x94: {  	_ =	strace s2  }
0x95: {  	s2 =	sld [smem:$0x3FFD];
	_ =	sdelay $0x3  }
0x96: {  	_ =	strace s2  }
0x97: {  	_ =	strace $0x8FFFFFFF  }
0x98: {  	s18 =	sld [smem:$0x3FDB];
	_ =	sdelay $0x1  }
0x99: {  	s19 =	simm.s32 $_scs_section_size  }
0x9a: {  	s4 =	simm.s32 $_size__tile_overlayer_lowered;
	s5 =	simm.s32 $_tile_overlayer_lowered  }
0x9b: {  	s22 =	simm.s32 $0x1BFF;
	s21 =	sshll.u32 s5, $0x1;
	s2 =	sadd.s32 s19, s18  }
0x9c: {  	s6 =	simm.s32 $0x0;
	s20 =	sshll.u32 s4, $0x1;
	s4 =	sadd.s32 s21, s2  }
0x9d: {  	[timem:s6], [sflag:s22] =	dma.local [hbm:s4], s20  }
0x9e: {  	_ =	swait.ge [sflag:s22], s20  }
0x9f: {  	s3 =	ssub.s32 $0x0, s20;
	[sflag:s22] =	ssyncset.done $0x0  }
0xa0: {  	[sflag:s22] =	ssyncadd.s32 s3;
	_ =	sdelay $0x1  }
0xa1: {  	s23 =	simm.s32 $0x1B8B  }
0xa2: {  	_ =	swait.ge [sflag:s23], $0x1  }
0xa3: {  	[sflag:s23] =	ssyncset.done $0x0  }
0xa4: {  	s25 =	simm.s32 $0x1B8E;
	s24 =	sld [smem:$0x3FFE];
	[sflag:s23] =	ssyncadd.s32 $0xFFFFFFFF  }
0xa5: {  	s26 =	simm.s32 $execute0_lowered;
	[smem:$0x3FD2] =	sst s25  }
0xa6: {  	s4 =	sshll.u32 s26, $0x1;
	_ =	strace $0x80000046;
	[dreg:$0x1] =	wrdreg $0xFFFFFFFF  }
0xa7: {  	s28 =	simm.s32 $_size_execute0_lowered;
	s2 =	sadd.s32 s2, s4;
	[dreg:$0x0] =	wrdreg $0x0  }
0xa8: {  	s4 =	sshll.u32 s28, $0x1;
	[dreg:$0x2] =	wrdreg s2  }
0xa9: {  	[dreg:$0x3] =	wrdreg s4  }
0xaa: {  	[dreg:$0x4] =	wrdreg $0xC0  }
0xab: {  	_ =	task [dreg:s6], $0x5FFFF  }
0xac: {  	[dreg:$0x1] =	wrdreg $0xFFFFFFFF  }
0xad: {  	[dreg:$0x0] =	wrdreg $0x60  }
0xae: {  	[dreg:$0x2] =	wrdreg s24  }
0xaf: {  	[dreg:$0x3] =	wrdreg $0x0  }
0xb0: {  	[dreg:$0x4] =	wrdreg $0x9  }
0xb1: {  	_ =	task.clear_ibuf [dreg:s6], $0x5FFFF;
	_ =	strace $0x90000046  }
0xb2: {  	s29 =	simm.s32 $0x9;
	_ =	strace $0x80000048  }
0xb3: {  	_ =	swait.ge [sflag:s29], $0x1  }
0xb4: {  	[sflag:s29] =	ssyncadd.s32 $0xFFFFFFFF  }
0xb5: {  	_ =	strace $0x90000048  }
0xb6: {  	_ =	sfence  }
0xb7: {  	s30 =	sld [smem:$0x0];
	_ =	sdelay $0x2  }
0xb8: {  	s31 =	sshll.u32 s1, $0xD;
	s1 =	sshrl.u32 s1, $0x2  }
0xb9: {  	s3 =	sand.u32 $0x4000, s31;
	s1 =	sadd.s32 s1, s30  }
0xba: {  	s0 =	sor.u32 s3, s0;
	s1 =	sshll.u32 s1, $0x11  }
0xbb: {  	s0 =	sor.u32 s1, s0  }
0xbc: {  	s0 =	sadd.s32 $0x8F2B, s0  }
0xbd: {  	[sflag:s0] =	ssyncadd.remote.s32 $0x1  }
0xbe: {  	_ =	sfence.sel $0xFFFF  }
0xbf: {  	[dreg:$0x0] =	wrdreg $0xFFFFFFFF;
	(pc) =	sbr.abs _section_cstart, $3  }
0xc0: {  	[dreg:$0x1] =	wrdreg $0xFFFFFFFF  }
0xc1: {  	_ =	task.clear_ibuf [dreg:s6], $0x2FFFF;
	_ =	strace $0x9FFFFFFF  }
0xc2: {  	(tm) =	ssettm $0x7FFFFFFF  }
0xc3: {  	_ =	shalt  }
tec
execute0_lowered:
.L_overlay_start_1:
0x0: {  	(tag) =	ssettag $0x1  }
0x1: {  	s5 =	rddreg [dreg:$0x0]  }
0x2: {  	s2 =	rddreg [dreg:$0x1]  }
0x3: {  	s0 =	rddreg [dreg:$0x2]  }
0x4: {  	s1 =	stileid.u32;
	s4 =	srdreg.scid  }
0x5: {  	s3 =	simm.s32 $0x0;
	s15 =	simm.s32 $0x14080;
	s16 =	simm.s32 $0x80  }
0x6: {  	s17 =	simm.s32 $0x14200;
	s18 =	simm.s32 $0x1;
	s6 =	smul.u32 $0x108, s1  }
0x7: {  	s19 =	simm.s32 $0x2;
	s7 =	sand.u32 $0x1, s4;
	s4 =	smul.u32 $0x194, s1  }
0x8: {  	s20 =	simm.s32 $0x14180;
	s21 =	simm.s32 $0x18200;
	s8 =	smul.u32 $0x14000, s1  }
0x9: {  	s22 =	simm.s32 $0x0;
	[smem:$0x7FF] =	sst s3;
	s28 =	smul.u32 $0x50000, s1  }
0xa: {  	s30 =	sshll.u32 s1, $0x6;
	p0 =	seq.s32 s7, $0x0;
	_ =	strace $0x80000047  }
0xb: {  	s9 =	smul.u32 $0x140000, s7;
	s7 =	ssub.s32 $0x2, s7;
	s6 =	sadd.s32 $0x1940, s6  }
0xc: {  	s26 =	sshrl.u32 s8, $0x3;
	s11 =	sshrl.u32 s7, $0x1;
	s29 =	sshrl.u32 s28, $0x2  }
0xd: {  	s6 =	smov.u32 @p0 s4;
	s4 =	sadd.s32 $0xA600, s5;
	s8 =	sadd.s32 s8, s9  }
0xe: {  	s11 =	ssub.s32 s7, s11;
	s13 =	sadd.s32 s29, s2;
	s6 =	sshll.u32 s6, $0x4  }
0xf: {  	s7 =	sor.u32 $0x1C03, s30;
	s8 =	sshrl.u32 s8, $0x3;
	s10 =	sadd.s32 s6, s5  }
0x10: {  	s6 =	sadd.s32 s26, s5;
	s12 =	sadd.s32 s8, s5;
	s5 =	simm.s32 $0x194  }
0x11: {  	s11 =	smax.u32 s11, $0x1;
	s6 =	sadd.s32 $0x14DE00, s6;
	s5 =	simm.s32 @!p0 $0x108  }
0x12: {  	s8 =	sadd.s32 $0xFA600, s10;
	s9 =	sadd.s32 $0x124200, s10;
	s14 =	sshll.u32 s5, $0x4  }
0x13: {  	s10 =	sadd.s32 $0x175E00, s12;
	s12 =	sshrl.u32 s13, $0x3;
	s31 =	sadd.s32 $0xFFFFFFE0, s14  }
0x14: {  	s13 =	simm.s32 $0x3;
	s14 =	simm.s32 $0x14000;
	[dreg:$0x3] =	wrdreg s31  }
.LBB2_1:
0x15: {  	[spmem:s12], [sflag:s7] =	dma.local [hbm:s6], $0x2800  }
0x16: {  	_ =	swait.ge [sflag:s13], $0x2800  }
0x17: {  	[sflag:s13] =	ssyncset.done $0x0  }
0x18: {  	[sflag:s13] =	ssyncadd.s32 $0xFFFFD800  }
0x19: {  	[bflag:$0x0] =	sbarrier.arrive $0xFFFF  }
0x1a: {  	[tilespmem:s14], [sflag:$0x3] =	stream.linear.gather [hbm4b:s8+s3], $0x80, $0x38;
	[tilespmem:$0x1C200] =	vst v63  }
0x1b: {  	_ =	swait.ge [sflag:s13], $0x80  }
0x1c: {  	[sflag:s13] =	ssyncset.done $0x0  }
0x1d: {  	[sflag:s13] =	ssyncadd.s32 $0xFFFFFF80  }
0x1e: {  	[tilespmem:s15], [sflag:$0x3] =	stream.linear.gather [hbm4b:s9+s3], $0x80, $0x38;
	[tilespmem:$0x1C200] =	vst v63  }
0x1f: {  	_ =	swait.ge [sflag:s13], $0x80  }
0x20: {  	[sflag:s13] =	ssyncset.done $0x0  }
0x21: {  	s24 =	simm.s32 $0x2;
	s23 =	simm.s32 $0x0;
	[sflag:s13] =	ssyncadd.s32 $0xFFFFFF80  }
0x22: {  	[tilespmem:s17], [sflag:$0x1] =	stream.indirect.gather [hbm4b:s4+s16], $0x80, s14, s16, $0xb8;
	[tilespmem:$0x1C200] =	vst v63  }
.LBB2_2:
0x23: {  	s25 =	sadd.s32 $0xFFFFFFFF, s24  }
0x24: {  	p0 =	sge.u32 s25, s5  }
0x25: {  	s25 =	sadd.s32 @!p0 s23, s8  }
0x26: {  	s26 =	simm.s32 @!p0 $0x0;
	s28 =	simm.s32 @!p0 $0x14100;
	s25 =	sadd.s32 @!p0 $0x10, s25  }
0x27: {  	[tilespmem:s28], [sflag:$0x3] =	stream.linear.gather @!p0 [hbm4b:s25+s26], $0x80, $0x38;
	[tilespmem:$0x1C200] =	vst v63  }
0x28: {  	s25 =	simm.s32 @!p0 $0x3  }
0x29: {  	_ =	swait.ge @!p0 [sflag:s25], $0x80  }
0x2a: {  	s29 =	sadd.s32 @!p0 s23, s9;
	[sflag:s25] =	ssyncset.done @!p0 $0x0  }
0x2b: {  	s30 =	simm.s32 @!p0 $0x14180;
	s29 =	sadd.s32 @!p0 $0x10, s29;
	[sflag:s25] =	ssyncadd.s32 @!p0 $0xFFFFFF80  }
0x2c: {  	[tilespmem:s30], [sflag:$0x3] =	stream.linear.gather @!p0 [hbm4b:s29+s26], $0x80, $0x38;
	[tilespmem:$0x1C200] =	vst v63  }
0x2d: {  	_ =	swait.ge @!p0 [sflag:s25], $0x80  }
0x2e: {  	[sflag:s25] =	ssyncset.done @!p0 $0x0  }
0x2f: {  	s26 =	simm.s32 @!p0 $0x18200;
	[sflag:s25] =	ssyncadd.s32 @!p0 $0xFFFFFF80;
	s25 =	simm.s32 @!p0 $0x80  }
0x30: {  	[tilespmem:s26], [sflag:$0x2] =	stream.indirect.gather @!p0 [hbm4b:s4+s25], $0x80, s28, s25, $0xb8;
	[tilespmem:$0x1C200] =	vst v63  }
0x31: {  	_ =	swait.ge [sflag:s18], $0x4000  }
0x32: {  	[sflag:s18] =	ssyncset.done $0x0  }
0x33: {  	[sflag:s18] =	ssyncadd.s32 $0xFFFFC000  }
0x34: {  	[spmem:s2] =	stream.indirect.scatter.add.f32 [tilespmem:s17], [sflag:$0x3], $0x80, s15, s16, $0xb8;
	[tilespmem:$0x1C200] =	vst v63  }
0x35: {  	p0 =	sge.u32 s24, s5;
	_ =	swait.ge [sflag:s13], $0x4000  }
0x36: {  	s25 =	sadd.s32 @!p0 s23, s8;
	s26 =	simm.s32 @!p0 $0x0;
	[sflag:s13] =	ssyncset.done $0x0  }
0x37: {  	s28 =	simm.s32 @!p0 $0x14000;
	s25 =	sadd.s32 @!p0 $0x20, s25;
	[sflag:s13] =	ssyncadd.s32 $0xFFFFC000  }
0x38: {  	[tilespmem:s28], [sflag:$0x3] =	stream.linear.gather @!p0 [hbm4b:s25+s26], $0x80, $0x38;
	[tilespmem:$0x1C200] =	vst v63  }
0x39: {  	s25 =	simm.s32 @!p0 $0x3  }
0x3a: {  	_ =	swait.ge @!p0 [sflag:s25], $0x80  }
0x3b: {  	s29 =	sadd.s32 @!p0 s23, s9;
	[sflag:s25] =	ssyncset.done @!p0 $0x0  }
0x3c: {  	s30 =	simm.s32 @!p0 $0x14080;
	s29 =	sadd.s32 @!p0 $0x20, s29;
	[sflag:s25] =	ssyncadd.s32 @!p0 $0xFFFFFF80  }
0x3d: {  	[tilespmem:s30], [sflag:$0x3] =	stream.linear.gather @!p0 [hbm4b:s29+s26], $0x80, $0x38;
	[tilespmem:$0x1C200] =	vst v63  }
0x3e: {  	_ =	swait.ge @!p0 [sflag:s25], $0x80  }
0x3f: {  	[sflag:s25] =	ssyncset.done @!p0 $0x0  }
0x40: {  	s26 =	simm.s32 @!p0 $0x14200;
	[sflag:s25] =	ssyncadd.s32 @!p0 $0xFFFFFF80;
	s25 =	simm.s32 @!p0 $0x80  }
0x41: {  	[tilespmem:s26], [sflag:$0x1] =	stream.indirect.gather @!p0 [hbm4b:s4+s25], $0x80, s28, s25, $0xb8;
	[tilespmem:$0x1C200] =	vst v63  }
0x42: {  	_ =	swait.ge [sflag:s19], $0x4000  }
0x43: {  	[sflag:s19] =	ssyncset.done $0x0  }
0x44: {  	[sflag:s19] =	ssyncadd.s32 $0xFFFFC000  }
0x45: {  	[spmem:s2] =	stream.indirect.scatter.add.f32 [tilespmem:s21], [sflag:$0x3], $0x80, s20, s16, $0xb8;
	[tilespmem:$0x1C200] =	vst v63  }
0x46: {  	_ =	swait.ge [sflag:s13], $0x4000  }
0x47: {  	s23 =	sadd.s32 $0x20, s23;
	s31 =	rddreg [dreg:$0x3]  }
0x48: {  	p0 =	sne.s32 s31, s23  }
.Ltmp0:
0x49: {  	_ = 	snop;
	(pc) =	sbr.rel @p0 .LBB2_2-.Ltmp0, $3  }
0x4a: {  	_ =	sdelay $0x1  }
0x4b: {  	[sflag:s13] =	ssyncset.done $0x0  }
0x4c: {  	s24 =	sadd.s32 $0x2, s24;
	[sflag:s13] =	ssyncadd.s32 $0xFFFFC000  }
0x4d: {  	s25 =	sadd.s32 $0xFFFFFFFF, s24  }
0x4e: {  	p0 =	sge.u32 s25, s5  }
0x4f: {  	s25 =	sadd.s32 @!p0 s23, s8  }
0x50: {  	s26 =	simm.s32 @!p0 $0x0;
	s28 =	simm.s32 @!p0 $0x14100;
	s25 =	sadd.s32 @!p0 $0x10, s25  }
0x51: {  	[tilespmem:s28], [sflag:$0x3] =	stream.linear.gather @!p0 [hbm4b:s25+s26], $0x80, $0x38;
	[tilespmem:$0x1C200] =	vst v63  }
0x52: {  	s25 =	simm.s32 @!p0 $0x3  }
0x53: {  	_ =	swait.ge @!p0 [sflag:s25], $0x80  }
0x54: {  	s29 =	sadd.s32 @!p0 s23, s9;
	[sflag:s25] =	ssyncset.done @!p0 $0x0  }
0x55: {  	s30 =	simm.s32 @!p0 $0x14180;
	s29 =	sadd.s32 @!p0 $0x10, s29;
	[sflag:s25] =	ssyncadd.s32 @!p0 $0xFFFFFF80  }
0x56: {  	[tilespmem:s30], [sflag:$0x3] =	stream.linear.gather @!p0 [hbm4b:s29+s26], $0x80, $0x38;
	[tilespmem:$0x1C200] =	vst v63  }
0x57: {  	_ =	swait.ge @!p0 [sflag:s25], $0x80  }
0x58: {  	[sflag:s25] =	ssyncset.done @!p0 $0x0  }
0x59: {  	s26 =	simm.s32 @!p0 $0x18200;
	[sflag:s25] =	ssyncadd.s32 @!p0 $0xFFFFFF80;
	s25 =	simm.s32 @!p0 $0x80  }
0x5a: {  	[tilespmem:s26], [sflag:$0x2] =	stream.indirect.gather @!p0 [hbm4b:s4+s25], $0x80, s28, s25, $0xb8;
	[tilespmem:$0x1C200] =	vst v63  }
0x5b: {  	_ =	swait.ge [sflag:s18], $0x4000  }
0x5c: {  	[sflag:s18] =	ssyncset.done $0x0  }
0x5d: {  	[sflag:s18] =	ssyncadd.s32 $0xFFFFC000  }
0x5e: {  	[spmem:s2] =	stream.indirect.scatter.add.f32 [tilespmem:s17], [sflag:$0x3], $0x80, s15, s16, $0xb8;
	[tilespmem:$0x1C200] =	vst v63  }
0x5f: {  	p0 =	sge.u32 s24, s5;
	_ =	swait.ge [sflag:s13], $0x4000  }
0x60: {  	s24 =	sadd.s32 @!p0 s23, s8;
	s25 =	simm.s32 @!p0 $0x0;
	[sflag:s13] =	ssyncset.done $0x0  }
0x61: {  	s26 =	simm.s32 @!p0 $0x14000;
	s24 =	sadd.s32 @!p0 $0x20, s24;
	[sflag:s13] =	ssyncadd.s32 $0xFFFFC000  }
0x62: {  	[tilespmem:s26], [sflag:$0x3] =	stream.linear.gather @!p0 [hbm4b:s24+s25], $0x80, $0x38;
	[tilespmem:$0x1C200] =	vst v63  }
0x63: {  	s24 =	simm.s32 @!p0 $0x3  }
0x64: {  	_ =	swait.ge @!p0 [sflag:s24], $0x80  }
0x65: {  	s23 =	sadd.s32 @!p0 s23, s9;
	[sflag:s24] =	ssyncset.done @!p0 $0x0  }
0x66: {  	s28 =	simm.s32 @!p0 $0x14080;
	s23 =	sadd.s32 @!p0 $0x20, s23;
	[sflag:s24] =	ssyncadd.s32 @!p0 $0xFFFFFF80  }
0x67: {  	[tilespmem:s28], [sflag:$0x3] =	stream.linear.gather @!p0 [hbm4b:s23+s25], $0x80, $0x38;
	[tilespmem:$0x1C200] =	vst v63  }
0x68: {  	_ =	swait.ge @!p0 [sflag:s24], $0x80  }
0x69: {  	[sflag:s24] =	ssyncset.done @!p0 $0x0  }
0x6a: {  	s23 =	simm.s32 @!p0 $0x80;
	[sflag:s24] =	ssyncadd.s32 @!p0 $0xFFFFFF80;
	s24 =	simm.s32 @!p0 $0x14200  }
0x6b: {  	[tilespmem:s24], [sflag:$0x1] =	stream.indirect.gather @!p0 [hbm4b:s4+s23], $0x80, s26, s23, $0xb8;
	[tilespmem:$0x1C200] =	vst v63  }
0x6c: {  	_ =	swait.ge [sflag:s19], $0x4000  }
0x6d: {  	[sflag:s19] =	ssyncset.done $0x0  }
0x6e: {  	[sflag:s19] =	ssyncadd.s32 $0xFFFFC000  }
0x6f: {  	[spmem:s2] =	stream.indirect.scatter.add.f32 [tilespmem:s21], [sflag:$0x3], $0x80, s20, s16, $0xb8;
	[tilespmem:$0x1C200] =	vst v63  }
0x70: {  	_ =	swait.ge [sflag:s13], $0x4000  }
0x71: {  	s22 =	sadd.s32 $0x1, s22;
	[sflag:s13] =	ssyncset.done $0x0  }
0x72: {  	p0 =	sne.s32 s22, s11;
	[sflag:s13] =	ssyncadd.s32 $0xFFFFC000  }
.Ltmp1:
0x73: {  	[bflag:$0x0] =	sbarrier.arrive $0xFFFF;
	(pc) =	sbr.rel @p0 .LBB2_1-.Ltmp1, $4  }
0x74: {  	[hbm:s10], [sflag:s7] =	dma.local [spmem:s12], $0x2800  }
0x75: {  	_ =	swait.ge [sflag:s13], $0x2800  }
0x76: {  	[sflag:s13] =	ssyncset.done $0x0  }
0x77: {  	[sflag:s13] =	ssyncadd.s32 $0xFFFFD800  }
0x78: {  	_ =	sfence.sel $0x180000  }
0x79: {  	[bflag:$0x0] =	sbarrier.arrive $0xFFFF  }
0x7a: {  	p0 =	sne.s32 s1, $0x0;
	_ =	strace $0x90000047  }
0x7b: {  	s0 =	sadd.s32 @!p0 $0x100000, s0;
	[bflag:$0x2] =	sbarrier.arrive $0xFFFF  }
0x7c: {  	[sflag:s0] =	ssyncadd.tile.s32 @!p0 $0x1;
	_ =	shalt  }
.Lfunc_end2:
_tile_overlayer_lowered:
.L_overlay_start_2:
0x7d: {  	(tag) =	ssettag $0x2  }
0x7e: {  	s0 =	rddreg [dreg:$0x0];
	s2 =	stileid.u32  }
0x7f: {  	s1 =	rddreg [dreg:$0x1];
	p0 =	sne.s32 s2, $0x0  }
0x80: {  	s3 =	rddreg [dreg:$0x2];
	[bflag:$0x3] =	sbarrier.arrive $0xFFFF;
	s2 =	simm.s32 @!p0 $0x1C03  }
0x81: {  	[timem:s3], [sflag:s2] =	dma.local @!p0 [hbm:s0], s1  }
0x82: {  	s0 =	simm.s32 @!p0 $0x3  }
0x83: {  	_ =	swait.ge @!p0 [sflag:s0], s1  }
0x84: {  	s1 =	ssub.s32 @!p0 $0x0, s1;
	[sflag:s0] =	ssyncset.done @!p0 $0x0  }
0x85: {  	[sflag:s0] =	ssyncadd.s32 @!p0 s1  }
0x86: {  	[bflag:$0x3] =	sbarrier.arrive $0xFFFF  }
0x87: {  	_ =	shalt  }

// kernel: kernel.18.cloned.1.call-start
scs
__scs_entry_jumppad:
0x0: {  	(pc) =	sbr.rel $0x88, $3  }
0x1: {  	(tag) =	ssettag $0x0;
	lr =	simm.s32 $0x1  }
0x2: {  	[smem:$0x3F7F] =	sst lr;
	_ =	strace $0xD0000000  }
0x3: {  	_ = 	snop  }
0x4: {  	_ = 	snop  }
0x5: {  	_ = 	snop  }
0x6: {  	_ = 	snop  }
0x7: {  	_ = 	snop  }
__scs_overlays_trampoline_lowered:
0x8: {  	[smem:$0x3F8E] =	sst s0  }
0x9: {  	[smem:$0x3F8F] =	sst s1  }
0xa: {  	[smem:$0x3F90] =	sst s2  }
0xb: {  	[smem:$0x3F91] =	sst s3  }
0xc: {  	[smem:$0x3F92] =	sst s4  }
0xd: {  	[smem:$0x3F93] =	sst s5  }
0xe: {  	[smem:$0x3F94] =	sst s6  }
0xf: {  	[smem:$0x3F95] =	sst s7  }
0x10: {  	[smem:$0x3F96] =	sst s8  }
0x11: {  	[smem:$0x3F97] =	sst s9;
	s0 =	simm.s32 @!p0 $0x0  }
0x12: {  	s1 =	sld [smem:$0x3F7D];
	s0 =	simm.s32 @p0 $0x1  }
0x13: {  	[smem:$0x3F98] =	sst s0;
	s0 =	simm.s32 @!p1 $0x0  }
0x14: {  	s2 =	sld [smem:$0x3F7C];
	s0 =	simm.s32 @p1 $0x1  }
0x15: {  	[smem:$0x3F99] =	sst s0;
	s0 =	simm.s32 @!p2 $0x0  }
0x16: {  	s3 =	sld [smem:$0x3FDB];
	s0 =	simm.s32 @p2 $0x1  }
0x17: {  	s4 =	simm.s32 $0x1BF5;
	[smem:$0x3F9B] =	sst s0  }
0x18: {  	s0 =	sld [smem:$0x3F7E];
	_ =	swait.ge [sflag:s4], $0x0  }
0x19: {  	s7 =	sld [smem:$0x3F7F]  }
0x1a: {  	s8 =	sadd.s32 $0xFFFFE003, lr  }
0x1b: {  	s9 =	sadd.s32 $0xFFFFFEF7, lr;
	s5 =	simm.s32 $0xFFFFFFFF;
	p2 =	slt.u32 s8, $0xFFFFF086  }
0x1c: {  	p1 =	slt.u32 s9, $0xF7A;
	s5 =	simm.s32 @!p2 $0x0  }
0x1d: {  	s5 =	simm.s32 @p1 $0x1;
	p0 =	seq.s32 s7, s2  }
0x1e: {  	s7 =	smul.u32 @!p0 $0xF7A, s2;
	p2 =	seq.s32 @!p0 s5, $0x0  }
0x1f: {  	s9 =	smul.u32 $0xF7A, s1;
	s8 =	simm.s32 @!p0 $0x1BF5;
	p2 =	por !p2, p0  }
0x20: {  	[sflag:s8] =	ssyncset.s32 @!p0 $0xFFFFF086;
	s6 =	sadd.s32 @!p0 s3, s7;
	s7 =	simm.s32 @!p0 $0x108  }
0x21: {  	s3 =	sadd.s32 s3, s9;
	s6 =	sadd.s32 @!p0 $0x88, s6;
	s7 =	simm.s32 @p2 $0x1082  }
0x22: {  	[simem:s7], [sflag:s8] =	dma.local @!p0 [hbm:s6], $0xF7A  }
0x23: {  	s9 =	sor.u32 $0xD0000000, s2;
	s6 =	simm.s32 $0x108;
	_ =	swait.ge @!p0 [sflag:s8], $0x0  }
0x24: {  	s3 =	sadd.s32 $0x88, s3;
	s6 =	simm.s32 @!p1 $0x1082;
	[sflag:s4] =	ssyncset.s32 $0xFFFFF086  }
0x25: {  	[simem:s6], [sflag:s4] =	dma.local [hbm:s3], $0xF7A  }
0x26: {  	[smem:$0x3F7F] =	sst s1;
	(tag) =	ssettag s2;
	_ =	strace s9  }
0x27: {  	s1 =	sld [smem:$0x3F8F]  }
0x28: {  	s2 =	sld [smem:$0x3F90]  }
0x29: {  	s4 =	sld [smem:$0x3F92]  }
0x2a: {  	p0 =	seq.s32 s5, $0x0;
	s5 =	sld [smem:$0x3F93]  }
0x2b: {  	s6 =	sld [smem:$0x3F94]  }
0x2c: {  	s7 =	sld [smem:$0x3F95]  }
0x2d: {  	s3 =	simm.s32 $0x108;
	s8 =	sld [smem:$0x3F96]  }
0x2e: {  	s3 =	simm.s32 @!p0 $0x1082;
	s9 =	sld [smem:$0x3F97]  }
0x2f: {  	lr =	sadd.s32 s0, s3;
	s0 =	sld [smem:$0x3F8E]  }
0x30: {  	s3 =	sld [smem:$0x3F91]  }
0x31: {  	[smem:$0x3F9A] =	sst s10  }
0x32: {  	s10 =	sld [smem:$0x3F98];
	_ =	sdelay $0x3  }
0x33: {  	p0 =	seq.s32 s10, $0x1;
	s10 =	sld [smem:$0x3F9A];
	_ =	sdelay $0x3  }
0x34: {  	[smem:$0x3F9A] =	sst s10  }
0x35: {  	s10 =	sld [smem:$0x3F99];
	_ =	sdelay $0x3  }
0x36: {  	p1 =	seq.s32 s10, $0x1;
	s10 =	sld [smem:$0x3F9A];
	_ =	sdelay $0x3  }
0x37: {  	[smem:$0x3F9A] =	sst s10  }
0x38: {  	s10 =	sld [smem:$0x3F9B]  }
0x39: {  	_ = 	snop;
	(pc) =	sbr.ind lr, $3  }
0x3a: {  	_ = 	snop  }
0x3b: {  	_ = 	snop  }
0x3c: {  	p2 =	seq.s32 s10, $0x1;
	s10 =	sld [smem:$0x3F9A]  }
0x3d: {  	_ =	shalt  }
0x3e: {  	_ =	shalt  }
0x3f: {  	_ =	shalt  }
0x40: {  	_ =	shalt  }
0x41: {  	_ =	shalt  }
0x42: {  	_ =	shalt  }
0x43: {  	_ =	shalt  }
0x44: {  	_ =	shalt  }
0x45: {  	_ =	shalt  }
0x46: {  	_ =	shalt  }
0x47: {  	_ =	shalt  }
0x48: {  	_ =	shalt  }
0x49: {  	_ =	shalt  }
0x4a: {  	_ =	shalt  }
0x4b: {  	_ =	shalt  }
0x4c: {  	_ =	shalt  }
0x4d: {  	_ =	shalt  }
0x4e: {  	_ =	shalt  }
0x4f: {  	_ =	shalt  }
0x50: {  	_ =	shalt  }
0x51: {  	_ =	shalt  }
0x52: {  	_ =	shalt  }
0x53: {  	_ =	shalt  }
0x54: {  	_ =	shalt  }
0x55: {  	_ =	shalt  }
0x56: {  	_ =	shalt  }
0x57: {  	_ =	shalt  }
0x58: {  	_ =	shalt  }
0x59: {  	_ =	shalt  }
0x5a: {  	_ =	shalt  }
0x5b: {  	_ =	shalt  }
0x5c: {  	_ =	shalt  }
0x5d: {  	_ =	shalt  }
0x5e: {  	_ =	shalt  }
0x5f: {  	_ =	shalt  }
0x60: {  	_ =	shalt  }
0x61: {  	_ =	shalt  }
0x62: {  	_ =	shalt  }
0x63: {  	_ =	shalt  }
0x64: {  	_ =	shalt  }
0x65: {  	_ =	shalt  }
0x66: {  	_ =	shalt  }
0x67: {  	_ =	shalt  }
0x68: {  	_ =	shalt  }
0x69: {  	_ =	shalt  }
0x6a: {  	_ =	shalt  }
0x6b: {  	_ =	shalt  }
0x6c: {  	_ =	shalt  }
0x6d: {  	_ =	shalt  }
0x6e: {  	_ =	shalt  }
0x6f: {  	_ =	shalt  }
0x70: {  	_ =	shalt  }
0x71: {  	_ =	shalt  }
0x72: {  	_ =	shalt  }
0x73: {  	_ =	shalt  }
0x74: {  	_ =	shalt  }
0x75: {  	_ =	shalt  }
0x76: {  	_ =	shalt  }
0x77: {  	_ =	shalt  }
0x78: {  	_ =	shalt  }
0x79: {  	_ =	shalt  }
0x7a: {  	_ =	shalt  }
0x7b: {  	_ =	shalt  }
0x7c: {  	_ =	shalt  }
0x7d: {  	_ =	shalt  }
0x7e: {  	_ =	shalt  }
0x7f: {  	_ =	shalt  }
0x80: {  	_ =	shalt  }
0x81: {  	_ =	shalt  }
0x82: {  	_ =	shalt  }
0x83: {  	_ =	shalt  }
0x84: {  	_ =	shalt  }
0x85: {  	_ =	shalt  }
0x86: {  	_ =	shalt  }
0x87: {  	_ =	shalt  }
.Lfunc_end0:
.L_simem_size_0:
called_computation.1_lowered:
.L_overlay_start_0:
0x88: {  	s2 =	sld [smem:$0x3FD9]  }
0x89: {  	s3 =	sld [smem:$0x3FFE];
	_ =	sdelay $0x1  }
0x8a: {  	s1 =	srdreg.scid  }
0x8b: {  	s0 =	sand.u32 $0x1, s1  }
0x8c: {  	s16 =	sshll.u32 s0, $0xA;
	s2 =	sadd.s32 s3, s2  }
0x8d: {  	s2 =	sadd.s32 s2, s16  }
0x8e: {  	[smem:$0x3FA6] =	sst s2  }
0x8f: {  	_ = 	snop  }
0x90: {  	(tm) =	ssettm $0x1  }
0x91: {  	s17 =	sld [smem:$0x3FFB];
	_ =	sdelay $0x3  }
0x92: {  	_ =	strace s17  }
0x93: {  	s2 =	sld [smem:$0x3FFC];
	_ =	sdelay $0x3  }
0x94: {  	_ =	strace s2  }
0x95: {  	s2 =	sld [smem:$0x3FFD];
	_ =	sdelay $0x3  }
0x96: {  	_ =	strace s2  }
0x97: {  	_ =	strace $0x8FFFFFFF  }
0x98: {  	s18 =	sld [smem:$0x3FDB];
	_ =	sdelay $0x1  }
0x99: {  	s19 =	simm.s32 $_scs_section_size  }
0x9a: {  	s4 =	simm.s32 $_size__tile_overlayer_lowered;
	s5 =	simm.s32 $_tile_overlayer_lowered  }
0x9b: {  	s22 =	simm.s32 $0x1BFF;
	s21 =	sshll.u32 s5, $0x1;
	s2 =	sadd.s32 s19, s18  }
0x9c: {  	s6 =	simm.s32 $0x0;
	s20 =	sshll.u32 s4, $0x1;
	s4 =	sadd.s32 s21, s2  }
0x9d: {  	[timem:s6], [sflag:s22] =	dma.local [hbm:s4], s20  }
0x9e: {  	_ =	swait.ge [sflag:s22], s20  }
0x9f: {  	s3 =	ssub.s32 $0x0, s20;
	[sflag:s22] =	ssyncset.done $0x0  }
0xa0: {  	[sflag:s22] =	ssyncadd.s32 s3;
	_ =	sdelay $0x1  }
0xa1: {  	s23 =	simm.s32 $0x1B8B  }
0xa2: {  	_ =	swait.ge [sflag:s23], $0x1  }
0xa3: {  	[sflag:s23] =	ssyncset.done $0x0  }
0xa4: {  	s25 =	simm.s32 $0x1B8E;
	s24 =	sld [smem:$0x3FFE];
	[sflag:s23] =	ssyncadd.s32 $0xFFFFFFFF  }
0xa5: {  	s26 =	simm.s32 $execute0_lowered;
	[smem:$0x3FD2] =	sst s25  }
0xa6: {  	s4 =	sshll.u32 s26, $0x1;
	_ =	strace $0x80000049;
	[dreg:$0x1] =	wrdreg $0xFFFFFFFF  }
0xa7: {  	s28 =	simm.s32 $_size_execute0_lowered;
	s2 =	sadd.s32 s2, s4;
	[dreg:$0x0] =	wrdreg $0x0  }
0xa8: {  	s4 =	sshll.u32 s28, $0x1;
	[dreg:$0x2] =	wrdreg s2  }
0xa9: {  	[dreg:$0x3] =	wrdreg s4  }
0xaa: {  	[dreg:$0x4] =	wrdreg $0xC0  }
0xab: {  	_ =	task [dreg:s6], $0x5FFFF  }
0xac: {  	[dreg:$0x1] =	wrdreg $0xFFFFFFFF  }
0xad: {  	[dreg:$0x0] =	wrdreg $0x60  }
0xae: {  	[dreg:$0x2] =	wrdreg s24  }
0xaf: {  	[dreg:$0x3] =	wrdreg $0x0  }
0xb0: {  	[dreg:$0x4] =	wrdreg $0x9  }
0xb1: {  	_ =	task.clear_ibuf [dreg:s6], $0x5FFFF;
	_ =	strace $0x90000049  }
0xb2: {  	s29 =	simm.s32 $0x9;
	_ =	strace $0x8000004B  }
0xb3: {  	_ =	swait.ge [sflag:s29], $0x1  }
0xb4: {  	[sflag:s29] =	ssyncadd.s32 $0xFFFFFFFF  }
0xb5: {  	_ =	strace $0x9000004B  }
0xb6: {  	_ =	sfence  }
0xb7: {  	s30 =	sld [smem:$0x0];
	_ =	sdelay $0x2  }
0xb8: {  	s31 =	sshll.u32 s1, $0xD;
	s1 =	sshrl.u32 s1, $0x2  }
0xb9: {  	s3 =	sand.u32 $0x4000, s31;
	s1 =	sadd.s32 s1, s30  }
0xba: {  	s0 =	sor.u32 s3, s0;
	s1 =	sshll.u32 s1, $0x11  }
0xbb: {  	s0 =	sor.u32 s1, s0  }
0xbc: {  	s0 =	sadd.s32 $0x8F2B, s0  }
0xbd: {  	[sflag:s0] =	ssyncadd.remote.s32 $0x1  }
0xbe: {  	_ =	sfence.sel $0xFFFF  }
0xbf: {  	[dreg:$0x0] =	wrdreg $0xFFFFFFFF;
	(pc) =	sbr.abs _section_cstart, $3  }
0xc0: {  	[dreg:$0x1] =	wrdreg $0xFFFFFFFF  }
0xc1: {  	_ =	task.clear_ibuf [dreg:s6], $0x2FFFF;
	_ =	strace $0x9FFFFFFF  }
0xc2: {  	(tm) =	ssettm $0x7FFFFFFF  }
0xc3: {  	_ =	shalt  }
tec
execute0_lowered:
.L_overlay_start_1:
0x0: {  	(tag) =	ssettag $0x1  }
0x1: {  	s5 =	rddreg [dreg:$0x0]  }
0x2: {  	s2 =	rddreg [dreg:$0x1]  }
0x3: {  	s0 =	rddreg [dreg:$0x2]  }
0x4: {  	s1 =	stileid.u32;
	s4 =	srdreg.scid  }
0x5: {  	s3 =	simm.s32 $0x0;
	s15 =	simm.s32 $0x14080;
	s16 =	simm.s32 $0x80  }
0x6: {  	s17 =	simm.s32 $0x14200;
	s18 =	simm.s32 $0x1;
	s6 =	smul.u32 $0x108, s1  }
0x7: {  	s19 =	simm.s32 $0x2;
	s7 =	sand.u32 $0x1, s4;
	s4 =	smul.u32 $0x194, s1  }
0x8: {  	s20 =	simm.s32 $0x14180;
	s21 =	simm.s32 $0x18200;
	s8 =	smul.u32 $0x14000, s1  }
0x9: {  	s22 =	simm.s32 $0x0;
	[smem:$0x7FF] =	sst s3;
	s28 =	smul.u32 $0x50000, s1  }
0xa: {  	s30 =	sshll.u32 s1, $0x6;
	p0 =	seq.s32 s7, $0x0;
	_ =	strace $0x8000004A  }
0xb: {  	s9 =	smul.u32 $0x140000, s7;
	s7 =	ssub.s32 $0x2, s7;
	s6 =	sadd.s32 $0x1940, s6  }
0xc: {  	s26 =	sshrl.u32 s8, $0x3;
	s11 =	sshrl.u32 s7, $0x1;
	s29 =	sshrl.u32 s28, $0x2  }
0xd: {  	s6 =	smov.u32 @p0 s4;
	s4 =	sadd.s32 $0xA600, s5;
	s8 =	sadd.s32 s8, s9  }
0xe: {  	s11 =	ssub.s32 s7, s11;
	s13 =	sadd.s32 s29, s2;
	s6 =	sshll.u32 s6, $0x4  }
0xf: {  	s7 =	sor.u32 $0x1C03, s30;
	s8 =	sshrl.u32 s8, $0x3;
	s10 =	sadd.s32 s6, s5  }
0x10: {  	s6 =	sadd.s32 s26, s5;
	s12 =	sadd.s32 s8, s5;
	s5 =	simm.s32 $0x194  }
0x11: {  	s11 =	smax.u32 s11, $0x1;
	s6 =	sadd.s32 $0x14DE00, s6;
	s5 =	simm.s32 @!p0 $0x108  }
0x12: {  	s8 =	sadd.s32 $0xFA600, s10;
	s9 =	sadd.s32 $0x124200, s10;
	s14 =	sshll.u32 s5, $0x4  }
0x13: {  	s10 =	sadd.s32 $0x175E00, s12;
	s12 =	sshrl.u32 s13, $0x3;
	s31 =	sadd.s32 $0xFFFFFFE0, s14  }
0x14: {  	s13 =	simm.s32 $0x3;
	s14 =	simm.s32 $0x14000;
	[dreg:$0x3] =	wrdreg s31  }
.LBB2_1:
0x15: {  	[spmem:s12], [sflag:s7] =	dma.local [hbm:s6], $0x2800  }
0x16: {  	_ =	swait.ge [sflag:s13], $0x2800  }
0x17: {  	[sflag:s13] =	ssyncset.done $0x0  }
0x18: {  	[sflag:s13] =	ssyncadd.s32 $0xFFFFD800  }
0x19: {  	[bflag:$0x0] =	sbarrier.arrive $0xFFFF  }
0x1a: {  	[tilespmem:s14], [sflag:$0x3] =	stream.linear.gather [hbm4b:s8+s3], $0x80, $0x38;
	[tilespmem:$0x1C200] =	vst v63  }
0x1b: {  	_ =	swait.ge [sflag:s13], $0x80  }
0x1c: {  	[sflag:s13] =	ssyncset.done $0x0  }
0x1d: {  	[sflag:s13] =	ssyncadd.s32 $0xFFFFFF80  }
0x1e: {  	[tilespmem:s15], [sflag:$0x3] =	stream.linear.gather [hbm4b:s9+s3], $0x80, $0x38;
	[tilespmem:$0x1C200] =	vst v63  }
0x1f: {  	_ =	swait.ge [sflag:s13], $0x80  }
0x20: {  	[sflag:s13] =	ssyncset.done $0x0  }
0x21: {  	s24 =	simm.s32 $0x2;
	s23 =	simm.s32 $0x0;
	[sflag:s13] =	ssyncadd.s32 $0xFFFFFF80  }
0x22: {  	[tilespmem:s17], [sflag:$0x1] =	stream.indirect.gather [hbm4b:s4+s16], $0x80, s14, s16, $0xb8;
	[tilespmem:$0x1C200] =	vst v63  }
.LBB2_2:
0x23: {  	s25 =	sadd.s32 $0xFFFFFFFF, s24  }
0x24: {  	p0 =	sge.u32 s25, s5  }
0x25: {  	s25 =	sadd.s32 @!p0 s23, s8  }
0x26: {  	s26 =	simm.s32 @!p0 $0x0;
	s28 =	simm.s32 @!p0 $0x14100;
	s25 =	sadd.s32 @!p0 $0x10, s25  }
0x27: {  	[tilespmem:s28], [sflag:$0x3] =	stream.linear.gather @!p0 [hbm4b:s25+s26], $0x80, $0x38;
	[tilespmem:$0x1C200] =	vst v63  }
0x28: {  	s25 =	simm.s32 @!p0 $0x3  }
0x29: {  	_ =	swait.ge @!p0 [sflag:s25], $0x80  }
0x2a: {  	s29 =	sadd.s32 @!p0 s23, s9;
	[sflag:s25] =	ssyncset.done @!p0 $0x0  }
0x2b: {  	s30 =	simm.s32 @!p0 $0x14180;
	s29 =	sadd.s32 @!p0 $0x10, s29;
	[sflag:s25] =	ssyncadd.s32 @!p0 $0xFFFFFF80  }
0x2c: {  	[tilespmem:s30], [sflag:$0x3] =	stream.linear.gather @!p0 [hbm4b:s29+s26], $0x80, $0x38;
	[tilespmem:$0x1C200] =	vst v63  }
0x2d: {  	_ =	swait.ge @!p0 [sflag:s25], $0x80  }
0x2e: {  	[sflag:s25] =	ssyncset.done @!p0 $0x0  }
0x2f: {  	s26 =	simm.s32 @!p0 $0x18200;
	[sflag:s25] =	ssyncadd.s32 @!p0 $0xFFFFFF80;
	s25 =	simm.s32 @!p0 $0x80  }
0x30: {  	[tilespmem:s26], [sflag:$0x2] =	stream.indirect.gather @!p0 [hbm4b:s4+s25], $0x80, s28, s25, $0xb8;
	[tilespmem:$0x1C200] =	vst v63  }
0x31: {  	_ =	swait.ge [sflag:s18], $0x4000  }
0x32: {  	[sflag:s18] =	ssyncset.done $0x0  }
0x33: {  	[sflag:s18] =	ssyncadd.s32 $0xFFFFC000  }
0x34: {  	[spmem:s2] =	stream.indirect.scatter.add.f32 [tilespmem:s17], [sflag:$0x3], $0x80, s15, s16, $0xb8;
	[tilespmem:$0x1C200] =	vst v63  }
0x35: {  	p0 =	sge.u32 s24, s5;
	_ =	swait.ge [sflag:s13], $0x4000  }
0x36: {  	s25 =	sadd.s32 @!p0 s23, s8;
	s26 =	simm.s32 @!p0 $0x0;
	[sflag:s13] =	ssyncset.done $0x0  }
0x37: {  	s28 =	simm.s32 @!p0 $0x14000;
	s25 =	sadd.s32 @!p0 $0x20, s25;
	[sflag:s13] =	ssyncadd.s32 $0xFFFFC000  }
0x38: {  	[tilespmem:s28], [sflag:$0x3] =	stream.linear.gather @!p0 [hbm4b:s25+s26], $0x80, $0x38;
	[tilespmem:$0x1C200] =	vst v63  }
0x39: {  	s25 =	simm.s32 @!p0 $0x3  }
0x3a: {  	_ =	swait.ge @!p0 [sflag:s25], $0x80  }
0x3b: {  	s29 =	sadd.s32 @!p0 s23, s9;
	[sflag:s25] =	ssyncset.done @!p0 $0x0  }
0x3c: {  	s30 =	simm.s32 @!p0 $0x14080;
	s29 =	sadd.s32 @!p0 $0x20, s29;
	[sflag:s25] =	ssyncadd.s32 @!p0 $0xFFFFFF80  }
0x3d: {  	[tilespmem:s30], [sflag:$0x3] =	stream.linear.gather @!p0 [hbm4b:s29+s26], $0x80, $0x38;
	[tilespmem:$0x1C200] =	vst v63  }
0x3e: {  	_ =	swait.ge @!p0 [sflag:s25], $0x80  }
0x3f: {  	[sflag:s25] =	ssyncset.done @!p0 $0x0  }
0x40: {  	s26 =	simm.s32 @!p0 $0x14200;
	[sflag:s25] =	ssyncadd.s32 @!p0 $0xFFFFFF80;
	s25 =	simm.s32 @!p0 $0x80  }
0x41: {  	[tilespmem:s26], [sflag:$0x1] =	stream.indirect.gather @!p0 [hbm4b:s4+s25], $0x80, s28, s25, $0xb8;
	[tilespmem:$0x1C200] =	vst v63  }
0x42: {  	_ =	swait.ge [sflag:s19], $0x4000  }
0x43: {  	[sflag:s19] =	ssyncset.done $0x0  }
0x44: {  	[sflag:s19] =	ssyncadd.s32 $0xFFFFC000  }
0x45: {  	[spmem:s2] =	stream.indirect.scatter.add.f32 [tilespmem:s21], [sflag:$0x3], $0x80, s20, s16, $0xb8;
	[tilespmem:$0x1C200] =	vst v63  }
0x46: {  	_ =	swait.ge [sflag:s13], $0x4000  }
0x47: {  	s23 =	sadd.s32 $0x20, s23;
	s31 =	rddreg [dreg:$0x3]  }
0x48: {  	p0 =	sne.s32 s31, s23  }
.Ltmp0:
0x49: {  	_ = 	snop;
	(pc) =	sbr.rel @p0 .LBB2_2-.Ltmp0, $3  }
0x4a: {  	_ =	sdelay $0x1  }
0x4b: {  	[sflag:s13] =	ssyncset.done $0x0  }
0x4c: {  	s24 =	sadd.s32 $0x2, s24;
	[sflag:s13] =	ssyncadd.s32 $0xFFFFC000  }
0x4d: {  	s25 =	sadd.s32 $0xFFFFFFFF, s24  }
0x4e: {  	p0 =	sge.u32 s25, s5  }
0x4f: {  	s25 =	sadd.s32 @!p0 s23, s8  }
0x50: {  	s26 =	simm.s32 @!p0 $0x0;
	s28 =	simm.s32 @!p0 $0x14100;
	s25 =	sadd.s32 @!p0 $0x10, s25  }
0x51: {  	[tilespmem:s28], [sflag:$0x3] =	stream.linear.gather @!p0 [hbm4b:s25+s26], $0x80, $0x38;
	[tilespmem:$0x1C200] =	vst v63  }
0x52: {  	s25 =	simm.s32 @!p0 $0x3  }
0x53: {  	_ =	swait.ge @!p0 [sflag:s25], $0x80  }
0x54: {  	s29 =	sadd.s32 @!p0 s23, s9;
	[sflag:s25] =	ssyncset.done @!p0 $0x0  }
0x55: {  	s30 =	simm.s32 @!p0 $0x14180;
	s29 =	sadd.s32 @!p0 $0x10, s29;
	[sflag:s25] =	ssyncadd.s32 @!p0 $0xFFFFFF80  }
0x56: {  	[tilespmem:s30], [sflag:$0x3] =	stream.linear.gather @!p0 [hbm4b:s29+s26], $0x80, $0x38;
	[tilespmem:$0x1C200] =	vst v63  }
0x57: {  	_ =	swait.ge @!p0 [sflag:s25], $0x80  }
0x58: {  	[sflag:s25] =	ssyncset.done @!p0 $0x0  }
0x59: {  	s26 =	simm.s32 @!p0 $0x18200;
	[sflag:s25] =	ssyncadd.s32 @!p0 $0xFFFFFF80;
	s25 =	simm.s32 @!p0 $0x80  }
0x5a: {  	[tilespmem:s26], [sflag:$0x2] =	stream.indirect.gather @!p0 [hbm4b:s4+s25], $0x80, s28, s25, $0xb8;
	[tilespmem:$0x1C200] =	vst v63  }
0x5b: {  	_ =	swait.ge [sflag:s18], $0x4000  }
0x5c: {  	[sflag:s18] =	ssyncset.done $0x0  }
0x5d: {  	[sflag:s18] =	ssyncadd.s32 $0xFFFFC000  }
0x5e: {  	[spmem:s2] =	stream.indirect.scatter.add.f32 [tilespmem:s17], [sflag:$0x3], $0x80, s15, s16, $0xb8;
	[tilespmem:$0x1C200] =	vst v63  }
0x5f: {  	p0 =	sge.u32 s24, s5;
	_ =	swait.ge [sflag:s13], $0x4000  }
0x60: {  	s24 =	sadd.s32 @!p0 s23, s8;
	s25 =	simm.s32 @!p0 $0x0;
	[sflag:s13] =	ssyncset.done $0x0  }
0x61: {  	s26 =	simm.s32 @!p0 $0x14000;
	s24 =	sadd.s32 @!p0 $0x20, s24;
	[sflag:s13] =	ssyncadd.s32 $0xFFFFC000  }
0x62: {  	[tilespmem:s26], [sflag:$0x3] =	stream.linear.gather @!p0 [hbm4b:s24+s25], $0x80, $0x38;
	[tilespmem:$0x1C200] =	vst v63  }
0x63: {  	s24 =	simm.s32 @!p0 $0x3  }
0x64: {  	_ =	swait.ge @!p0 [sflag:s24], $0x80  }
0x65: {  	s23 =	sadd.s32 @!p0 s23, s9;
	[sflag:s24] =	ssyncset.done @!p0 $0x0  }
0x66: {  	s28 =	simm.s32 @!p0 $0x14080;
	s23 =	sadd.s32 @!p0 $0x20, s23;
	[sflag:s24] =	ssyncadd.s32 @!p0 $0xFFFFFF80  }
0x67: {  	[tilespmem:s28], [sflag:$0x3] =	stream.linear.gather @!p0 [hbm4b:s23+s25], $0x80, $0x38;
	[tilespmem:$0x1C200] =	vst v63  }
0x68: {  	_ =	swait.ge @!p0 [sflag:s24], $0x80  }
0x69: {  	[sflag:s24] =	ssyncset.done @!p0 $0x0  }
0x6a: {  	s23 =	simm.s32 @!p0 $0x80;
	[sflag:s24] =	ssyncadd.s32 @!p0 $0xFFFFFF80;
	s24 =	simm.s32 @!p0 $0x14200  }
0x6b: {  	[tilespmem:s24], [sflag:$0x1] =	stream.indirect.gather @!p0 [hbm4b:s4+s23], $0x80, s26, s23, $0xb8;
	[tilespmem:$0x1C200] =	vst v63  }
0x6c: {  	_ =	swait.ge [sflag:s19], $0x4000  }
0x6d: {  	[sflag:s19] =	ssyncset.done $0x0  }
0x6e: {  	[sflag:s19] =	ssyncadd.s32 $0xFFFFC000  }
0x6f: {  	[spmem:s2] =	stream.indirect.scatter.add.f32 [tilespmem:s21], [sflag:$0x3], $0x80, s20, s16, $0xb8;
	[tilespmem:$0x1C200] =	vst v63  }
0x70: {  	_ =	swait.ge [sflag:s13], $0x4000  }
0x71: {  	s22 =	sadd.s32 $0x1, s22;
	[sflag:s13] =	ssyncset.done $0x0  }
0x72: {  	p0 =	sne.s32 s22, s11;
	[sflag:s13] =	ssyncadd.s32 $0xFFFFC000  }
.Ltmp1:
0x73: {  	[bflag:$0x0] =	sbarrier.arrive $0xFFFF;
	(pc) =	sbr.rel @p0 .LBB2_1-.Ltmp1, $4  }
0x74: {  	[hbm:s10], [sflag:s7] =	dma.local [spmem:s12], $0x2800  }
0x75: {  	_ =	swait.ge [sflag:s13], $0x2800  }
0x76: {  	[sflag:s13] =	ssyncset.done $0x0  }
0x77: {  	[sflag:s13] =	ssyncadd.s32 $0xFFFFD800  }
0x78: {  	_ =	sfence.sel $0x180000  }
0x79: {  	[bflag:$0x0] =	sbarrier.arrive $0xFFFF  }
0x7a: {  	p0 =	sne.s32 s1, $0x0;
	_ =	strace $0x9000004A  }
0x7b: {  	s0 =	sadd.s32 @!p0 $0x100000, s0;
	[bflag:$0x2] =	sbarrier.arrive $0xFFFF  }
0x7c: {  	[sflag:s0] =	ssyncadd.tile.s32 @!p0 $0x1;
	_ =	shalt  }
.Lfunc_end2:
_tile_overlayer_lowered:
.L_overlay_start_2:
0x7d: {  	(tag) =	ssettag $0x2  }
0x7e: {  	s0 =	rddreg [dreg:$0x0];
	s2 =	stileid.u32  }
0x7f: {  	s1 =	rddreg [dreg:$0x1];
	p0 =	sne.s32 s2, $0x0  }
0x80: {  	s3 =	rddreg [dreg:$0x2];
	[bflag:$0x3] =	sbarrier.arrive $0xFFFF;
	s2 =	simm.s32 @!p0 $0x1C03  }
0x81: {  	[timem:s3], [sflag:s2] =	dma.local @!p0 [hbm:s0], s1  }
0x82: {  	s0 =	simm.s32 @!p0 $0x3  }
0x83: {  	_ =	swait.ge @!p0 [sflag:s0], s1  }
0x84: {  	s1 =	ssub.s32 @!p0 $0x0, s1;
	[sflag:s0] =	ssyncset.done @!p0 $0x0  }
0x85: {  	[sflag:s0] =	ssyncadd.s32 @!p0 s1  }
0x86: {  	[bflag:$0x3] =	sbarrier.arrive $0xFFFF  }
0x87: {  	_ =	shalt  }

// kernel: kernel.21.cloned.1.call-start
scs
__scs_entry_jumppad:
0x0: {  	(pc) =	sbr.rel $0x88, $3  }
0x1: {  	(tag) =	ssettag $0x0;
	lr =	simm.s32 $0x1  }
0x2: {  	[smem:$0x3F7F] =	sst lr;
	_ =	strace $0xD0000000  }
0x3: {  	_ = 	snop  }
0x4: {  	_ = 	snop  }
0x5: {  	_ = 	snop  }
0x6: {  	_ = 	snop  }
0x7: {  	_ = 	snop  }
__scs_overlays_trampoline_lowered:
0x8: {  	[smem:$0x3F8E] =	sst s0  }
0x9: {  	[smem:$0x3F8F] =	sst s1  }
0xa: {  	[smem:$0x3F90] =	sst s2  }
0xb: {  	[smem:$0x3F91] =	sst s3  }
0xc: {  	[smem:$0x3F92] =	sst s4  }
0xd: {  	[smem:$0x3F93] =	sst s5  }
0xe: {  	[smem:$0x3F94] =	sst s6  }
0xf: {  	[smem:$0x3F95] =	sst s7  }
0x10: {  	[smem:$0x3F96] =	sst s8  }
0x11: {  	[smem:$0x3F97] =	sst s9;
	s0 =	simm.s32 @!p0 $0x0  }
0x12: {  	s1 =	sld [smem:$0x3F7D];
	s0 =	simm.s32 @p0 $0x1  }
0x13: {  	[smem:$0x3F98] =	sst s0;
	s0 =	simm.s32 @!p1 $0x0  }
0x14: {  	s2 =	sld [smem:$0x3F7C];
	s0 =	simm.s32 @p1 $0x1  }
0x15: {  	[smem:$0x3F99] =	sst s0;
	s0 =	simm.s32 @!p2 $0x0  }
0x16: {  	s3 =	sld [smem:$0x3FDB];
	s0 =	simm.s32 @p2 $0x1  }
0x17: {  	s4 =	simm.s32 $0x1BF5;
	[smem:$0x3F9B] =	sst s0  }
0x18: {  	s0 =	sld [smem:$0x3F7E];
	_ =	swait.ge [sflag:s4], $0x0  }
0x19: {  	s7 =	sld [smem:$0x3F7F]  }
0x1a: {  	s8 =	sadd.s32 $0xFFFFE003, lr  }
0x1b: {  	s9 =	sadd.s32 $0xFFFFFEF7, lr;
	s5 =	simm.s32 $0xFFFFFFFF;
	p2 =	slt.u32 s8, $0xFFFFF086  }
0x1c: {  	p1 =	slt.u32 s9, $0xF7A;
	s5 =	simm.s32 @!p2 $0x0  }
0x1d: {  	s5 =	simm.s32 @p1 $0x1;
	p0 =	seq.s32 s7, s2  }
0x1e: {  	s7 =	smul.u32 @!p0 $0xF7A, s2;
	p2 =	seq.s32 @!p0 s5, $0x0  }
0x1f: {  	s9 =	smul.u32 $0xF7A, s1;
	s8 =	simm.s32 @!p0 $0x1BF5;
	p2 =	por !p2, p0  }
0x20: {  	[sflag:s8] =	ssyncset.s32 @!p0 $0xFFFFF086;
	s6 =	sadd.s32 @!p0 s3, s7;
	s7 =	simm.s32 @!p0 $0x108  }
0x21: {  	s3 =	sadd.s32 s3, s9;
	s6 =	sadd.s32 @!p0 $0x88, s6;
	s7 =	simm.s32 @p2 $0x1082  }
0x22: {  	[simem:s7], [sflag:s8] =	dma.local @!p0 [hbm:s6], $0xF7A  }
0x23: {  	s9 =	sor.u32 $0xD0000000, s2;
	s6 =	simm.s32 $0x108;
	_ =	swait.ge @!p0 [sflag:s8], $0x0  }
0x24: {  	s3 =	sadd.s32 $0x88, s3;
	s6 =	simm.s32 @!p1 $0x1082;
	[sflag:s4] =	ssyncset.s32 $0xFFFFF086  }
0x25: {  	[simem:s6], [sflag:s4] =	dma.local [hbm:s3], $0xF7A  }
0x26: {  	[smem:$0x3F7F] =	sst s1;
	(tag) =	ssettag s2;
	_ =	strace s9  }
0x27: {  	s1 =	sld [smem:$0x3F8F]  }
0x28: {  	s2 =	sld [smem:$0x3F90]  }
0x29: {  	s4 =	sld [smem:$0x3F92]  }
0x2a: {  	p0 =	seq.s32 s5, $0x0;
	s5 =	sld [smem:$0x3F93]  }
0x2b: {  	s6 =	sld [smem:$0x3F94]  }
0x2c: {  	s7 =	sld [smem:$0x3F95]  }
0x2d: {  	s3 =	simm.s32 $0x108;
	s8 =	sld [smem:$0x3F96]  }
0x2e: {  	s3 =	simm.s32 @!p0 $0x1082;
	s9 =	sld [smem:$0x3F97]  }
0x2f: {  	lr =	sadd.s32 s0, s3;
	s0 =	sld [smem:$0x3F8E]  }
0x30: {  	s3 =	sld [smem:$0x3F91]  }
0x31: {  	[smem:$0x3F9A] =	sst s10  }
0x32: {  	s10 =	sld [smem:$0x3F98];
	_ =	sdelay $0x3  }
0x33: {  	p0 =	seq.s32 s10, $0x1;
	s10 =	sld [smem:$0x3F9A];
	_ =	sdelay $0x3  }
0x34: {  	[smem:$0x3F9A] =	sst s10  }
0x35: {  	s10 =	sld [smem:$0x3F99];
	_ =	sdelay $0x3  }
0x36: {  	p1 =	seq.s32 s10, $0x1;
	s10 =	sld [smem:$0x3F9A];
	_ =	sdelay $0x3  }
0x37: {  	[smem:$0x3F9A] =	sst s10  }
0x38: {  	s10 =	sld [smem:$0x3F9B]  }
0x39: {  	_ = 	snop;
	(pc) =	sbr.ind lr, $3  }
0x3a: {  	_ = 	snop  }
0x3b: {  	_ = 	snop  }
0x3c: {  	p2 =	seq.s32 s10, $0x1;
	s10 =	sld [smem:$0x3F9A]  }
0x3d: {  	_ =	shalt  }
0x3e: {  	_ =	shalt  }
0x3f: {  	_ =	shalt  }
0x40: {  	_ =	shalt  }
0x41: {  	_ =	shalt  }
0x42: {  	_ =	shalt  }
0x43: {  	_ =	shalt  }
0x44: {  	_ =	shalt  }
0x45: {  	_ =	shalt  }
0x46: {  	_ =	shalt  }
0x47: {  	_ =	shalt  }
0x48: {  	_ =	shalt  }
0x49: {  	_ =	shalt  }
0x4a: {  	_ =	shalt  }
0x4b: {  	_ =	shalt  }
0x4c: {  	_ =	shalt  }
0x4d: {  	_ =	shalt  }
0x4e: {  	_ =	shalt  }
0x4f: {  	_ =	shalt  }
0x50: {  	_ =	shalt  }
0x51: {  	_ =	shalt  }
0x52: {  	_ =	shalt  }
0x53: {  	_ =	shalt  }
0x54: {  	_ =	shalt  }
0x55: {  	_ =	shalt  }
0x56: {  	_ =	shalt  }
0x57: {  	_ =	shalt  }
0x58: {  	_ =	shalt  }
0x59: {  	_ =	shalt  }
0x5a: {  	_ =	shalt  }
0x5b: {  	_ =	shalt  }
0x5c: {  	_ =	shalt  }
0x5d: {  	_ =	shalt  }
0x5e: {  	_ =	shalt  }
0x5f: {  	_ =	shalt  }
0x60: {  	_ =	shalt  }
0x61: {  	_ =	shalt  }
0x62: {  	_ =	shalt  }
0x63: {  	_ =	shalt  }
0x64: {  	_ =	shalt  }
0x65: {  	_ =	shalt  }
0x66: {  	_ =	shalt  }
0x67: {  	_ =	shalt  }
0x68: {  	_ =	shalt  }
0x69: {  	_ =	shalt  }
0x6a: {  	_ =	shalt  }
0x6b: {  	_ =	shalt  }
0x6c: {  	_ =	shalt  }
0x6d: {  	_ =	shalt  }
0x6e: {  	_ =	shalt  }
0x6f: {  	_ =	shalt  }
0x70: {  	_ =	shalt  }
0x71: {  	_ =	shalt  }
0x72: {  	_ =	shalt  }
0x73: {  	_ =	shalt  }
0x74: {  	_ =	shalt  }
0x75: {  	_ =	shalt  }
0x76: {  	_ =	shalt  }
0x77: {  	_ =	shalt  }
0x78: {  	_ =	shalt  }
0x79: {  	_ =	shalt  }
0x7a: {  	_ =	shalt  }
0x7b: {  	_ =	shalt  }
0x7c: {  	_ =	shalt  }
0x7d: {  	_ =	shalt  }
0x7e: {  	_ =	shalt  }
0x7f: {  	_ =	shalt  }
0x80: {  	_ =	shalt  }
0x81: {  	_ =	shalt  }
0x82: {  	_ =	shalt  }
0x83: {  	_ =	shalt  }
0x84: {  	_ =	shalt  }
0x85: {  	_ =	shalt  }
0x86: {  	_ =	shalt  }
0x87: {  	_ =	shalt  }
.Lfunc_end0:
.L_simem_size_0:
called_computation.2_lowered:
.L_overlay_start_0:
0x88: {  	s2 =	sld [smem:$0x3FD9]  }
0x89: {  	s3 =	sld [smem:$0x3FFE];
	_ =	sdelay $0x1  }
0x8a: {  	s1 =	srdreg.scid  }
0x8b: {  	s0 =	sand.u32 $0x1, s1  }
0x8c: {  	s16 =	sshll.u32 s0, $0xA;
	s2 =	sadd.s32 s3, s2  }
0x8d: {  	s2 =	sadd.s32 s2, s16  }
0x8e: {  	[smem:$0x3FA6] =	sst s2  }
0x8f: {  	_ = 	snop  }
0x90: {  	(tm) =	ssettm $0x1  }
0x91: {  	s17 =	sld [smem:$0x3FFB];
	_ =	sdelay $0x3  }
0x92: {  	_ =	strace s17  }
0x93: {  	s2 =	sld [smem:$0x3FFC];
	_ =	sdelay $0x3  }
0x94: {  	_ =	strace s2  }
0x95: {  	s2 =	sld [smem:$0x3FFD];
	_ =	sdelay $0x3  }
0x96: {  	_ =	strace s2  }
0x97: {  	_ =	strace $0x8FFFFFFF  }
0x98: {  	s18 =	sld [smem:$0x3FDB];
	_ =	sdelay $0x1  }
0x99: {  	s19 =	simm.s32 $_scs_section_size  }
0x9a: {  	s4 =	simm.s32 $_size__tile_overlayer_lowered;
	s5 =	simm.s32 $_tile_overlayer_lowered  }
0x9b: {  	s22 =	simm.s32 $0x1BFF;
	s21 =	sshll.u32 s5, $0x1;
	s2 =	sadd.s32 s19, s18  }
0x9c: {  	s6 =	simm.s32 $0x0;
	s20 =	sshll.u32 s4, $0x1;
	s4 =	sadd.s32 s21, s2  }
0x9d: {  	[timem:s6], [sflag:s22] =	dma.local [hbm:s4], s20  }
0x9e: {  	_ =	swait.ge [sflag:s22], s20  }
0x9f: {  	s3 =	ssub.s32 $0x0, s20;
	[sflag:s22] =	ssyncset.done $0x0  }
0xa0: {  	[sflag:s22] =	ssyncadd.s32 s3;
	_ =	sdelay $0x1  }
0xa1: {  	s23 =	simm.s32 $0x1B8B  }
0xa2: {  	_ =	swait.ge [sflag:s23], $0x1  }
0xa3: {  	[sflag:s23] =	ssyncset.done $0x0  }
0xa4: {  	s25 =	simm.s32 $0x1B8E;
	s24 =	sld [smem:$0x3FFE];
	[sflag:s23] =	ssyncadd.s32 $0xFFFFFFFF  }
0xa5: {  	s26 =	simm.s32 $execute0_lowered;
	[smem:$0x3FD2] =	sst s25  }
0xa6: {  	s4 =	sshll.u32 s26, $0x1;
	_ =	strace $0x8000004C;
	[dreg:$0x1] =	wrdreg $0xFFFFFFFF  }
0xa7: {  	s28 =	simm.s32 $_size_execute0_lowered;
	s2 =	sadd.s32 s2, s4;
	[dreg:$0x0] =	wrdreg $0x0  }
0xa8: {  	s4 =	sshll.u32 s28, $0x1;
	[dreg:$0x2] =	wrdreg s2  }
0xa9: {  	[dreg:$0x3] =	wrdreg s4  }
0xaa: {  	[dreg:$0x4] =	wrdreg $0xC0  }
0xab: {  	_ =	task [dreg:s6], $0x5FFFF  }
0xac: {  	[dreg:$0x1] =	wrdreg $0xFFFFFFFF  }
0xad: {  	[dreg:$0x0] =	wrdreg $0x60  }
0xae: {  	[dreg:$0x2] =	wrdreg s24  }
0xaf: {  	[dreg:$0x3] =	wrdreg $0x0  }
0xb0: {  	[dreg:$0x4] =	wrdreg $0x9  }
0xb1: {  	_ =	task.clear_ibuf [dreg:s6], $0x5FFFF;
	_ =	strace $0x9000004C  }
0xb2: {  	s29 =	simm.s32 $0x9;
	_ =	strace $0x8000004E  }
0xb3: {  	_ =	swait.ge [sflag:s29], $0x1  }
0xb4: {  	[sflag:s29] =	ssyncadd.s32 $0xFFFFFFFF  }
0xb5: {  	_ =	strace $0x9000004E  }
0xb6: {  	_ =	sfence  }
0xb7: {  	s30 =	sld [smem:$0x0];
	_ =	sdelay $0x2  }
0xb8: {  	s31 =	sshll.u32 s1, $0xD;
	s1 =	sshrl.u32 s1, $0x2  }
0xb9: {  	s3 =	sand.u32 $0x4000, s31;
	s1 =	sadd.s32 s1, s30  }
0xba: {  	s0 =	sor.u32 s3, s0;
	s1 =	sshll.u32 s1, $0x11  }
0xbb: {  	s0 =	sor.u32 s1, s0  }
0xbc: {  	s0 =	sadd.s32 $0x8F2B, s0  }
0xbd: {  	[sflag:s0] =	ssyncadd.remote.s32 $0x1  }
0xbe: {  	_ =	sfence.sel $0xFFFF  }
0xbf: {  	[dreg:$0x0] =	wrdreg $0xFFFFFFFF;
	(pc) =	sbr.abs _section_cstart, $3  }
0xc0: {  	[dreg:$0x1] =	wrdreg $0xFFFFFFFF  }
0xc1: {  	_ =	task.clear_ibuf [dreg:s6], $0x2FFFF;
	_ =	strace $0x9FFFFFFF  }
0xc2: {  	(tm) =	ssettm $0x7FFFFFFF  }
0xc3: {  	_ =	shalt  }
tec
execute0_lowered:
.L_overlay_start_1:
0x0: {  	(tag) =	ssettag $0x1  }
0x1: {  	s5 =	rddreg [dreg:$0x0]  }
0x2: {  	s2 =	rddreg [dreg:$0x1]  }
0x3: {  	s0 =	rddreg [dreg:$0x2]  }
0x4: {  	s1 =	stileid.u32;
	s4 =	srdreg.scid  }
0x5: {  	s3 =	simm.s32 $0x0;
	s15 =	simm.s32 $0x14080;
	s16 =	simm.s32 $0x80  }
0x6: {  	s17 =	simm.s32 $0x14200;
	s18 =	simm.s32 $0x1;
	s6 =	smul.u32 $0x108, s1  }
0x7: {  	s19 =	simm.s32 $0x2;
	s7 =	sand.u32 $0x1, s4;
	s4 =	smul.u32 $0x194, s1  }
0x8: {  	s20 =	simm.s32 $0x14180;
	s21 =	simm.s32 $0x18200;
	s8 =	smul.u32 $0x14000, s1  }
0x9: {  	s22 =	simm.s32 $0x0;
	[smem:$0x7FF] =	sst s3;
	s28 =	smul.u32 $0x50000, s1  }
0xa: {  	s30 =	sshll.u32 s1, $0x6;
	p0 =	seq.s32 s7, $0x0;
	_ =	strace $0x8000004D  }
0xb: {  	s9 =	smul.u32 $0x140000, s7;
	s7 =	ssub.s32 $0x2, s7;
	s6 =	sadd.s32 $0x1940, s6  }
0xc: {  	s26 =	sshrl.u32 s8, $0x3;
	s11 =	sshrl.u32 s7, $0x1;
	s29 =	sshrl.u32 s28, $0x2  }
0xd: {  	s6 =	smov.u32 @p0 s4;
	s4 =	sadd.s32 $0x7600, s5;
	s8 =	sadd.s32 s8, s9  }
0xe: {  	s11 =	ssub.s32 s7, s11;
	s13 =	sadd.s32 s29, s2;
	s6 =	sshll.u32 s6, $0x4  }
0xf: {  	s7 =	sor.u32 $0x1C03, s30;
	s8 =	sshrl.u32 s8, $0x3;
	s10 =	sadd.s32 s6, s5  }
0x10: {  	s6 =	sadd.s32 s26, s5;
	s12 =	sadd.s32 s8, s5;
	s5 =	simm.s32 $0x194  }
0x11: {  	s11 =	smax.u32 s11, $0x1;
	s6 =	sadd.s32 $0x14DE00, s6;
	s5 =	simm.s32 @!p0 $0x108  }
0x12: {  	s8 =	sadd.s32 $0xFA600, s10;
	s9 =	sadd.s32 $0x124200, s10;
	s14 =	sshll.u32 s5, $0x4  }
0x13: {  	s10 =	sadd.s32 $0x175E00, s12;
	s12 =	sshrl.u32 s13, $0x3;
	s31 =	sadd.s32 $0xFFFFFFE0, s14  }
0x14: {  	s13 =	simm.s32 $0x3;
	s14 =	simm.s32 $0x14000;
	[dreg:$0x3] =	wrdreg s31  }
.LBB2_1:
0x15: {  	[spmem:s12], [sflag:s7] =	dma.local [hbm:s6], $0x2800  }
0x16: {  	_ =	swait.ge [sflag:s13], $0x2800  }
0x17: {  	[sflag:s13] =	ssyncset.done $0x0  }
0x18: {  	[sflag:s13] =	ssyncadd.s32 $0xFFFFD800  }
0x19: {  	[bflag:$0x0] =	sbarrier.arrive $0xFFFF  }
0x1a: {  	[tilespmem:s14], [sflag:$0x3] =	stream.linear.gather [hbm4b:s8+s3], $0x80, $0x38;
	[tilespmem:$0x1C200] =	vst v63  }
0x1b: {  	_ =	swait.ge [sflag:s13], $0x80  }
0x1c: {  	[sflag:s13] =	ssyncset.done $0x0  }
0x1d: {  	[sflag:s13] =	ssyncadd.s32 $0xFFFFFF80  }
0x1e: {  	[tilespmem:s15], [sflag:$0x3] =	stream.linear.gather [hbm4b:s9+s3], $0x80, $0x38;
	[tilespmem:$0x1C200] =	vst v63  }
0x1f: {  	_ =	swait.ge [sflag:s13], $0x80  }
0x20: {  	[sflag:s13] =	ssyncset.done $0x0  }
0x21: {  	s24 =	simm.s32 $0x2;
	s23 =	simm.s32 $0x0;
	[sflag:s13] =	ssyncadd.s32 $0xFFFFFF80  }
0x22: {  	[tilespmem:s17], [sflag:$0x1] =	stream.indirect.gather [hbm4b:s4+s16], $0x80, s14, s16, $0xb8;
	[tilespmem:$0x1C200] =	vst v63  }
.LBB2_2:
0x23: {  	s25 =	sadd.s32 $0xFFFFFFFF, s24  }
0x24: {  	p0 =	sge.u32 s25, s5  }
0x25: {  	s25 =	sadd.s32 @!p0 s23, s8  }
0x26: {  	s26 =	simm.s32 @!p0 $0x0;
	s28 =	simm.s32 @!p0 $0x14100;
	s25 =	sadd.s32 @!p0 $0x10, s25  }
0x27: {  	[tilespmem:s28], [sflag:$0x3] =	stream.linear.gather @!p0 [hbm4b:s25+s26], $0x80, $0x38;
	[tilespmem:$0x1C200] =	vst v63  }
0x28: {  	s25 =	simm.s32 @!p0 $0x3  }
0x29: {  	_ =	swait.ge @!p0 [sflag:s25], $0x80  }
0x2a: {  	s29 =	sadd.s32 @!p0 s23, s9;
	[sflag:s25] =	ssyncset.done @!p0 $0x0  }
0x2b: {  	s30 =	simm.s32 @!p0 $0x14180;
	s29 =	sadd.s32 @!p0 $0x10, s29;
	[sflag:s25] =	ssyncadd.s32 @!p0 $0xFFFFFF80  }
0x2c: {  	[tilespmem:s30], [sflag:$0x3] =	stream.linear.gather @!p0 [hbm4b:s29+s26], $0x80, $0x38;
	[tilespmem:$0x1C200] =	vst v63  }
0x2d: {  	_ =	swait.ge @!p0 [sflag:s25], $0x80  }
0x2e: {  	[sflag:s25] =	ssyncset.done @!p0 $0x0  }
0x2f: {  	s26 =	simm.s32 @!p0 $0x18200;
	[sflag:s25] =	ssyncadd.s32 @!p0 $0xFFFFFF80;
	s25 =	simm.s32 @!p0 $0x80  }
0x30: {  	[tilespmem:s26], [sflag:$0x2] =	stream.indirect.gather @!p0 [hbm4b:s4+s25], $0x80, s28, s25, $0xb8;
	[tilespmem:$0x1C200] =	vst v63  }
0x31: {  	_ =	swait.ge [sflag:s18], $0x4000  }
0x32: {  	[sflag:s18] =	ssyncset.done $0x0  }
0x33: {  	[sflag:s18] =	ssyncadd.s32 $0xFFFFC000  }
0x34: {  	[spmem:s2] =	stream.indirect.scatter.add.f32 [tilespmem:s17], [sflag:$0x3], $0x80, s15, s16, $0xb8;
	[tilespmem:$0x1C200] =	vst v63  }
0x35: {  	p0 =	sge.u32 s24, s5;
	_ =	swait.ge [sflag:s13], $0x4000  }
0x36: {  	s25 =	sadd.s32 @!p0 s23, s8;
	s26 =	simm.s32 @!p0 $0x0;
	[sflag:s13] =	ssyncset.done $0x0  }
0x37: {  	s28 =	simm.s32 @!p0 $0x14000;
	s25 =	sadd.s32 @!p0 $0x20, s25;
	[sflag:s13] =	ssyncadd.s32 $0xFFFFC000  }
0x38: {  	[tilespmem:s28], [sflag:$0x3] =	stream.linear.gather @!p0 [hbm4b:s25+s26], $0x80, $0x38;
	[tilespmem:$0x1C200] =	vst v63  }
0x39: {  	s25 =	simm.s32 @!p0 $0x3  }
0x3a: {  	_ =	swait.ge @!p0 [sflag:s25], $0x80  }
0x3b: {  	s29 =	sadd.s32 @!p0 s23, s9;
	[sflag:s25] =	ssyncset.done @!p0 $0x0  }
0x3c: {  	s30 =	simm.s32 @!p0 $0x14080;
	s29 =	sadd.s32 @!p0 $0x20, s29;
	[sflag:s25] =	ssyncadd.s32 @!p0 $0xFFFFFF80  }
0x3d: {  	[tilespmem:s30], [sflag:$0x3] =	stream.linear.gather @!p0 [hbm4b:s29+s26], $0x80, $0x38;
	[tilespmem:$0x1C200] =	vst v63  }
0x3e: {  	_ =	swait.ge @!p0 [sflag:s25], $0x80  }
0x3f: {  	[sflag:s25] =	ssyncset.done @!p0 $0x0  }
0x40: {  	s26 =	simm.s32 @!p0 $0x14200;
	[sflag:s25] =	ssyncadd.s32 @!p0 $0xFFFFFF80;
	s25 =	simm.s32 @!p0 $0x80  }
0x41: {  	[tilespmem:s26], [sflag:$0x1] =	stream.indirect.gather @!p0 [hbm4b:s4+s25], $0x80, s28, s25, $0xb8;
	[tilespmem:$0x1C200] =	vst v63  }
0x42: {  	_ =	swait.ge [sflag:s19], $0x4000  }
0x43: {  	[sflag:s19] =	ssyncset.done $0x0  }
0x44: {  	[sflag:s19] =	ssyncadd.s32 $0xFFFFC000  }
0x45: {  	[spmem:s2] =	stream.indirect.scatter.add.f32 [tilespmem:s21], [sflag:$0x3], $0x80, s20, s16, $0xb8;
	[tilespmem:$0x1C200] =	vst v63  }
0x46: {  	_ =	swait.ge [sflag:s13], $0x4000  }
0x47: {  	s23 =	sadd.s32 $0x20, s23;
	s31 =	rddreg [dreg:$0x3]  }
0x48: {  	p0 =	sne.s32 s31, s23  }
.Ltmp0:
0x49: {  	_ = 	snop;
	(pc) =	sbr.rel @p0 .LBB2_2-.Ltmp0, $3  }
0x4a: {  	_ =	sdelay $0x1  }
0x4b: {  	[sflag:s13] =	ssyncset.done $0x0  }
0x4c: {  	s24 =	sadd.s32 $0x2, s24;
	[sflag:s13] =	ssyncadd.s32 $0xFFFFC000  }
0x4d: {  	s25 =	sadd.s32 $0xFFFFFFFF, s24  }
0x4e: {  	p0 =	sge.u32 s25, s5  }
0x4f: {  	s25 =	sadd.s32 @!p0 s23, s8  }
0x50: {  	s26 =	simm.s32 @!p0 $0x0;
	s28 =	simm.s32 @!p0 $0x14100;
	s25 =	sadd.s32 @!p0 $0x10, s25  }
0x51: {  	[tilespmem:s28], [sflag:$0x3] =	stream.linear.gather @!p0 [hbm4b:s25+s26], $0x80, $0x38;
	[tilespmem:$0x1C200] =	vst v63  }
0x52: {  	s25 =	simm.s32 @!p0 $0x3  }
0x53: {  	_ =	swait.ge @!p0 [sflag:s25], $0x80  }
0x54: {  	s29 =	sadd.s32 @!p0 s23, s9;
	[sflag:s25] =	ssyncset.done @!p0 $0x0  }
0x55: {  	s30 =	simm.s32 @!p0 $0x14180;
	s29 =	sadd.s32 @!p0 $0x10, s29;
	[sflag:s25] =	ssyncadd.s32 @!p0 $0xFFFFFF80  }
0x56: {  	[tilespmem:s30], [sflag:$0x3] =	stream.linear.gather @!p0 [hbm4b:s29+s26], $0x80, $0x38;
	[tilespmem:$0x1C200] =	vst v63  }
0x57: {  	_ =	swait.ge @!p0 [sflag:s25], $0x80  }
0x58: {  	[sflag:s25] =	ssyncset.done @!p0 $0x0  }
0x59: {  	s26 =	simm.s32 @!p0 $0x18200;
	[sflag:s25] =	ssyncadd.s32 @!p0 $0xFFFFFF80;
	s25 =	simm.s32 @!p0 $0x80  }
0x5a: {  	[tilespmem:s26], [sflag:$0x2] =	stream.indirect.gather @!p0 [hbm4b:s4+s25], $0x80, s28, s25, $0xb8;
	[tilespmem:$0x1C200] =	vst v63  }
0x5b: {  	_ =	swait.ge [sflag:s18], $0x4000  }
0x5c: {  	[sflag:s18] =	ssyncset.done $0x0  }
0x5d: {  	[sflag:s18] =	ssyncadd.s32 $0xFFFFC000  }
0x5e: {  	[spmem:s2] =	stream.indirect.scatter.add.f32 [tilespmem:s17], [sflag:$0x3], $0x80, s15, s16, $0xb8;
	[tilespmem:$0x1C200] =	vst v63  }
0x5f: {  	p0 =	sge.u32 s24, s5;
	_ =	swait.ge [sflag:s13], $0x4000  }
0x60: {  	s24 =	sadd.s32 @!p0 s23, s8;
	s25 =	simm.s32 @!p0 $0x0;
	[sflag:s13] =	ssyncset.done $0x0  }
0x61: {  	s26 =	simm.s32 @!p0 $0x14000;
	s24 =	sadd.s32 @!p0 $0x20, s24;
	[sflag:s13] =	ssyncadd.s32 $0xFFFFC000  }
0x62: {  	[tilespmem:s26], [sflag:$0x3] =	stream.linear.gather @!p0 [hbm4b:s24+s25], $0x80, $0x38;
	[tilespmem:$0x1C200] =	vst v63  }
0x63: {  	s24 =	simm.s32 @!p0 $0x3  }
0x64: {  	_ =	swait.ge @!p0 [sflag:s24], $0x80  }
0x65: {  	s23 =	sadd.s32 @!p0 s23, s9;
	[sflag:s24] =	ssyncset.done @!p0 $0x0  }
0x66: {  	s28 =	simm.s32 @!p0 $0x14080;
	s23 =	sadd.s32 @!p0 $0x20, s23;
	[sflag:s24] =	ssyncadd.s32 @!p0 $0xFFFFFF80  }
0x67: {  	[tilespmem:s28], [sflag:$0x3] =	stream.linear.gather @!p0 [hbm4b:s23+s25], $0x80, $0x38;
	[tilespmem:$0x1C200] =	vst v63  }
0x68: {  	_ =	swait.ge @!p0 [sflag:s24], $0x80  }
0x69: {  	[sflag:s24] =	ssyncset.done @!p0 $0x0  }
0x6a: {  	s23 =	simm.s32 @!p0 $0x80;
	[sflag:s24] =	ssyncadd.s32 @!p0 $0xFFFFFF80;
	s24 =	simm.s32 @!p0 $0x14200  }
0x6b: {  	[tilespmem:s24], [sflag:$0x1] =	stream.indirect.gather @!p0 [hbm4b:s4+s23], $0x80, s26, s23, $0xb8;
	[tilespmem:$0x1C200] =	vst v63  }
0x6c: {  	_ =	swait.ge [sflag:s19], $0x4000  }
0x6d: {  	[sflag:s19] =	ssyncset.done $0x0  }
0x6e: {  	[sflag:s19] =	ssyncadd.s32 $0xFFFFC000  }
0x6f: {  	[spmem:s2] =	stream.indirect.scatter.add.f32 [tilespmem:s21], [sflag:$0x3], $0x80, s20, s16, $0xb8;
	[tilespmem:$0x1C200] =	vst v63  }
0x70: {  	_ =	swait.ge [sflag:s13], $0x4000  }
0x71: {  	s22 =	sadd.s32 $0x1, s22;
	[sflag:s13] =	ssyncset.done $0x0  }
0x72: {  	p0 =	sne.s32 s22, s11;
	[sflag:s13] =	ssyncadd.s32 $0xFFFFC000  }
.Ltmp1:
0x73: {  	[bflag:$0x0] =	sbarrier.arrive $0xFFFF;
	(pc) =	sbr.rel @p0 .LBB2_1-.Ltmp1, $4  }
0x74: {  	[hbm:s10], [sflag:s7] =	dma.local [spmem:s12], $0x2800  }
0x75: {  	_ =	swait.ge [sflag:s13], $0x2800  }
0x76: {  	[sflag:s13] =	ssyncset.done $0x0  }
0x77: {  	[sflag:s13] =	ssyncadd.s32 $0xFFFFD800  }
0x78: {  	_ =	sfence.sel $0x180000  }
0x79: {  	[bflag:$0x0] =	sbarrier.arrive $0xFFFF  }
0x7a: {  	p0 =	sne.s32 s1, $0x0;
	_ =	strace $0x9000004D  }
0x7b: {  	s0 =	sadd.s32 @!p0 $0x100000, s0;
	[bflag:$0x2] =	sbarrier.arrive $0xFFFF  }
0x7c: {  	[sflag:s0] =	ssyncadd.tile.s32 @!p0 $0x1;
	_ =	shalt  }
.Lfunc_end2:
_tile_overlayer_lowered:
.L_overlay_start_2:
0x7d: {  	(tag) =	ssettag $0x2  }
0x7e: {  	s0 =	rddreg [dreg:$0x0];
	s2 =	stileid.u32  }
0x7f: {  	s1 =	rddreg [dreg:$0x1];
	p0 =	sne.s32 s2, $0x0  }
0x80: {  	s3 =	rddreg [dreg:$0x2];
	[bflag:$0x3] =	sbarrier.arrive $0xFFFF;
	s2 =	simm.s32 @!p0 $0x1C03  }
0x81: {  	[timem:s3], [sflag:s2] =	dma.local @!p0 [hbm:s0], s1  }
0x82: {  	s0 =	simm.s32 @!p0 $0x3  }
0x83: {  	_ =	swait.ge @!p0 [sflag:s0], s1  }
0x84: {  	s1 =	ssub.s32 @!p0 $0x0, s1;
	[sflag:s0] =	ssyncset.done @!p0 $0x0  }
0x85: {  	[sflag:s0] =	ssyncadd.s32 @!p0 s1  }
0x86: {  	[bflag:$0x3] =	sbarrier.arrive $0xFFFF  }
0x87: {  	_ =	shalt  }

// kernel: kernel.24.cloned.1.call-start
scs
__scs_entry_jumppad:
0x0: {  	(pc) =	sbr.rel $0x88, $3  }
0x1: {  	(tag) =	ssettag $0x0;
	lr =	simm.s32 $0x1  }
0x2: {  	[smem:$0x3F7F] =	sst lr;
	_ =	strace $0xD0000000  }
0x3: {  	_ = 	snop  }
0x4: {  	_ = 	snop  }
0x5: {  	_ = 	snop  }
0x6: {  	_ = 	snop  }
0x7: {  	_ = 	snop  }
__scs_overlays_trampoline_lowered:
0x8: {  	[smem:$0x3F8E] =	sst s0  }
0x9: {  	[smem:$0x3F8F] =	sst s1  }
0xa: {  	[smem:$0x3F90] =	sst s2  }
0xb: {  	[smem:$0x3F91] =	sst s3  }
0xc: {  	[smem:$0x3F92] =	sst s4  }
0xd: {  	[smem:$0x3F93] =	sst s5  }
0xe: {  	[smem:$0x3F94] =	sst s6  }
0xf: {  	[smem:$0x3F95] =	sst s7  }
0x10: {  	[smem:$0x3F96] =	sst s8  }
0x11: {  	[smem:$0x3F97] =	sst s9;
	s0 =	simm.s32 @!p0 $0x0  }
0x12: {  	s1 =	sld [smem:$0x3F7D];
	s0 =	simm.s32 @p0 $0x1  }
0x13: {  	[smem:$0x3F98] =	sst s0;
	s0 =	simm.s32 @!p1 $0x0  }
0x14: {  	s2 =	sld [smem:$0x3F7C];
	s0 =	simm.s32 @p1 $0x1  }
0x15: {  	[smem:$0x3F99] =	sst s0;
	s0 =	simm.s32 @!p2 $0x0  }
0x16: {  	s3 =	sld [smem:$0x3FDB];
	s0 =	simm.s32 @p2 $0x1  }
0x17: {  	s4 =	simm.s32 $0x1BF5;
	[smem:$0x3F9B] =	sst s0  }
0x18: {  	s0 =	sld [smem:$0x3F7E];
	_ =	swait.ge [sflag:s4], $0x0  }
0x19: {  	s7 =	sld [smem:$0x3F7F]  }
0x1a: {  	s8 =	sadd.s32 $0xFFFFE003, lr  }
0x1b: {  	s9 =	sadd.s32 $0xFFFFFEF7, lr;
	s5 =	simm.s32 $0xFFFFFFFF;
	p2 =	slt.u32 s8, $0xFFFFF086  }
0x1c: {  	p1 =	slt.u32 s9, $0xF7A;
	s5 =	simm.s32 @!p2 $0x0  }
0x1d: {  	s5 =	simm.s32 @p1 $0x1;
	p0 =	seq.s32 s7, s2  }
0x1e: {  	s7 =	smul.u32 @!p0 $0xF7A, s2;
	p2 =	seq.s32 @!p0 s5, $0x0  }
0x1f: {  	s9 =	smul.u32 $0xF7A, s1;
	s8 =	simm.s32 @!p0 $0x1BF5;
	p2 =	por !p2, p0  }
0x20: {  	[sflag:s8] =	ssyncset.s32 @!p0 $0xFFFFF086;
	s6 =	sadd.s32 @!p0 s3, s7;
	s7 =	simm.s32 @!p0 $0x108  }
0x21: {  	s3 =	sadd.s32 s3, s9;
	s6 =	sadd.s32 @!p0 $0x88, s6;
	s7 =	simm.s32 @p2 $0x1082  }
0x22: {  	[simem:s7], [sflag:s8] =	dma.local @!p0 [hbm:s6], $0xF7A  }
0x23: {  	s9 =	sor.u32 $0xD0000000, s2;
	s6 =	simm.s32 $0x108;
	_ =	swait.ge @!p0 [sflag:s8], $0x0  }
0x24: {  	s3 =	sadd.s32 $0x88, s3;
	s6 =	simm.s32 @!p1 $0x1082;
	[sflag:s4] =	ssyncset.s32 $0xFFFFF086  }
0x25: {  	[simem:s6], [sflag:s4] =	dma.local [hbm:s3], $0xF7A  }
0x26: {  	[smem:$0x3F7F] =	sst s1;
	(tag) =	ssettag s2;
	_ =	strace s9  }
0x27: {  	s1 =	sld [smem:$0x3F8F]  }
0x28: {  	s2 =	sld [smem:$0x3F90]  }
0x29: {  	s4 =	sld [smem:$0x3F92]  }
0x2a: {  	p0 =	seq.s32 s5, $0x0;
	s5 =	sld [smem:$0x3F93]  }
0x2b: {  	s6 =	sld [smem:$0x3F94]  }
0x2c: {  	s7 =	sld [smem:$0x3F95]  }
0x2d: {  	s3 =	simm.s32 $0x108;
	s8 =	sld [smem:$0x3F96]  }
0x2e: {  	s3 =	simm.s32 @!p0 $0x1082;
	s9 =	sld [smem:$0x3F97]  }
0x2f: {  	lr =	sadd.s32 s0, s3;
	s0 =	sld [smem:$0x3F8E]  }
0x30: {  	s3 =	sld [smem:$0x3F91]  }
0x31: {  	[smem:$0x3F9A] =	sst s10  }
0x32: {  	s10 =	sld [smem:$0x3F98];
	_ =	sdelay $0x3  }
0x33: {  	p0 =	seq.s32 s10, $0x1;
	s10 =	sld [smem:$0x3F9A];
	_ =	sdelay $0x3  }
0x34: {  	[smem:$0x3F9A] =	sst s10  }
0x35: {  	s10 =	sld [smem:$0x3F99];
	_ =	sdelay $0x3  }
0x36: {  	p1 =	seq.s32 s10, $0x1;
	s10 =	sld [smem:$0x3F9A];
	_ =	sdelay $0x3  }
0x37: {  	[smem:$0x3F9A] =	sst s10  }
0x38: {  	s10 =	sld [smem:$0x3F9B]  }
0x39: {  	_ = 	snop;
	(pc) =	sbr.ind lr, $3  }
0x3a: {  	_ = 	snop  }
0x3b: {  	_ = 	snop  }
0x3c: {  	p2 =	seq.s32 s10, $0x1;
	s10 =	sld [smem:$0x3F9A]  }
0x3d: {  	_ =	shalt  }
0x3e: {  	_ =	shalt  }
0x3f: {  	_ =	shalt  }
0x40: {  	_ =	shalt  }
0x41: {  	_ =	shalt  }
0x42: {  	_ =	shalt  }
0x43: {  	_ =	shalt  }
0x44: {  	_ =	shalt  }
0x45: {  	_ =	shalt  }
0x46: {  	_ =	shalt  }
0x47: {  	_ =	shalt  }
0x48: {  	_ =	shalt  }
0x49: {  	_ =	shalt  }
0x4a: {  	_ =	shalt  }
0x4b: {  	_ =	shalt  }
0x4c: {  	_ =	shalt  }
0x4d: {  	_ =	shalt  }
0x4e: {  	_ =	shalt  }
0x4f: {  	_ =	shalt  }
0x50: {  	_ =	shalt  }
0x51: {  	_ =	shalt  }
0x52: {  	_ =	shalt  }
0x53: {  	_ =	shalt  }
0x54: {  	_ =	shalt  }
0x55: {  	_ =	shalt  }
0x56: {  	_ =	shalt  }
0x57: {  	_ =	shalt  }
0x58: {  	_ =	shalt  }
0x59: {  	_ =	shalt  }
0x5a: {  	_ =	shalt  }
0x5b: {  	_ =	shalt  }
0x5c: {  	_ =	shalt  }
0x5d: {  	_ =	shalt  }
0x5e: {  	_ =	shalt  }
0x5f: {  	_ =	shalt  }
0x60: {  	_ =	shalt  }
0x61: {  	_ =	shalt  }
0x62: {  	_ =	shalt  }
0x63: {  	_ =	shalt  }
0x64: {  	_ =	shalt  }
0x65: {  	_ =	shalt  }
0x66: {  	_ =	shalt  }
0x67: {  	_ =	shalt  }
0x68: {  	_ =	shalt  }
0x69: {  	_ =	shalt  }
0x6a: {  	_ =	shalt  }
0x6b: {  	_ =	shalt  }
0x6c: {  	_ =	shalt  }
0x6d: {  	_ =	shalt  }
0x6e: {  	_ =	shalt  }
0x6f: {  	_ =	shalt  }
0x70: {  	_ =	shalt  }
0x71: {  	_ =	shalt  }
0x72: {  	_ =	shalt  }
0x73: {  	_ =	shalt  }
0x74: {  	_ =	shalt  }
0x75: {  	_ =	shalt  }
0x76: {  	_ =	shalt  }
0x77: {  	_ =	shalt  }
0x78: {  	_ =	shalt  }
0x79: {  	_ =	shalt  }
0x7a: {  	_ =	shalt  }
0x7b: {  	_ =	shalt  }
0x7c: {  	_ =	shalt  }
0x7d: {  	_ =	shalt  }
0x7e: {  	_ =	shalt  }
0x7f: {  	_ =	shalt  }
0x80: {  	_ =	shalt  }
0x81: {  	_ =	shalt  }
0x82: {  	_ =	shalt  }
0x83: {  	_ =	shalt  }
0x84: {  	_ =	shalt  }
0x85: {  	_ =	shalt  }
0x86: {  	_ =	shalt  }
0x87: {  	_ =	shalt  }
.Lfunc_end0:
.L_simem_size_0:
called_computation.3_lowered:
.L_overlay_start_0:
0x88: {  	s2 =	sld [smem:$0x3FD9]  }
0x89: {  	s3 =	sld [smem:$0x3FFE];
	_ =	sdelay $0x1  }
0x8a: {  	s1 =	srdreg.scid  }
0x8b: {  	s0 =	sand.u32 $0x1, s1  }
0x8c: {  	s16 =	sshll.u32 s0, $0xA;
	s2 =	sadd.s32 s3, s2  }
0x8d: {  	s2 =	sadd.s32 s2, s16  }
0x8e: {  	[smem:$0x3FA6] =	sst s2  }
0x8f: {  	_ = 	snop  }
0x90: {  	(tm) =	ssettm $0x1  }
0x91: {  	s17 =	sld [smem:$0x3FFB];
	_ =	sdelay $0x3  }
0x92: {  	_ =	strace s17  }
0x93: {  	s2 =	sld [smem:$0x3FFC];
	_ =	sdelay $0x3  }
0x94: {  	_ =	strace s2  }
0x95: {  	s2 =	sld [smem:$0x3FFD];
	_ =	sdelay $0x3  }
0x96: {  	_ =	strace s2  }
0x97: {  	_ =	strace $0x8FFFFFFF  }
0x98: {  	s18 =	sld [smem:$0x3FDB];
	_ =	sdelay $0x1  }
0x99: {  	s19 =	simm.s32 $_scs_section_size  }
0x9a: {  	s4 =	simm.s32 $_size__tile_overlayer_lowered;
	s5 =	simm.s32 $_tile_overlayer_lowered  }
0x9b: {  	s22 =	simm.s32 $0x1BFF;
	s21 =	sshll.u32 s5, $0x1;
	s2 =	sadd.s32 s19, s18  }
0x9c: {  	s6 =	simm.s32 $0x0;
	s20 =	sshll.u32 s4, $0x1;
	s4 =	sadd.s32 s21, s2  }
0x9d: {  	[timem:s6], [sflag:s22] =	dma.local [hbm:s4], s20  }
0x9e: {  	_ =	swait.ge [sflag:s22], s20  }
0x9f: {  	s3 =	ssub.s32 $0x0, s20;
	[sflag:s22] =	ssyncset.done $0x0  }
0xa0: {  	[sflag:s22] =	ssyncadd.s32 s3;
	_ =	sdelay $0x1  }
0xa1: {  	s23 =	simm.s32 $0x1B8B  }
0xa2: {  	_ =	swait.ge [sflag:s23], $0x1  }
0xa3: {  	[sflag:s23] =	ssyncset.done $0x0  }
0xa4: {  	s25 =	simm.s32 $0x1B8E;
	s24 =	sld [smem:$0x3FFE];
	[sflag:s23] =	ssyncadd.s32 $0xFFFFFFFF  }
0xa5: {  	s26 =	simm.s32 $execute0_lowered;
	[smem:$0x3FD2] =	sst s25  }
0xa6: {  	s4 =	sshll.u32 s26, $0x1;
	_ =	strace $0x8000004F;
	[dreg:$0x1] =	wrdreg $0xFFFFFFFF  }
0xa7: {  	s28 =	simm.s32 $_size_execute0_lowered;
	s2 =	sadd.s32 s2, s4;
	[dreg:$0x0] =	wrdreg $0x0  }
0xa8: {  	s4 =	sshll.u32 s28, $0x1;
	[dreg:$0x2] =	wrdreg s2  }
0xa9: {  	[dreg:$0x3] =	wrdreg s4  }
0xaa: {  	[dreg:$0x4] =	wrdreg $0xC0  }
0xab: {  	_ =	task [dreg:s6], $0x5FFFF  }
0xac: {  	[dreg:$0x1] =	wrdreg $0xFFFFFFFF  }
0xad: {  	[dreg:$0x0] =	wrdreg $0x60  }
0xae: {  	[dreg:$0x2] =	wrdreg s24  }
0xaf: {  	[dreg:$0x3] =	wrdreg $0x0  }
0xb0: {  	[dreg:$0x4] =	wrdreg $0x9  }
0xb1: {  	_ =	task.clear_ibuf [dreg:s6], $0x5FFFF;
	_ =	strace $0x9000004F  }
0xb2: {  	s29 =	simm.s32 $0x9;
	_ =	strace $0x80000051  }
0xb3: {  	_ =	swait.ge [sflag:s29], $0x1  }
0xb4: {  	[sflag:s29] =	ssyncadd.s32 $0xFFFFFFFF  }
0xb5: {  	_ =	strace $0x90000051  }
0xb6: {  	_ =	sfence  }
0xb7: {  	s30 =	sld [smem:$0x0];
	_ =	sdelay $0x2  }
0xb8: {  	s31 =	sshll.u32 s1, $0xD;
	s1 =	sshrl.u32 s1, $0x2  }
0xb9: {  	s3 =	sand.u32 $0x4000, s31;
	s1 =	sadd.s32 s1, s30  }
0xba: {  	s0 =	sor.u32 s3, s0;
	s1 =	sshll.u32 s1, $0x11  }
0xbb: {  	s0 =	sor.u32 s1, s0  }
0xbc: {  	s0 =	sadd.s32 $0x8F2B, s0  }
0xbd: {  	[sflag:s0] =	ssyncadd.remote.s32 $0x1  }
0xbe: {  	_ =	sfence.sel $0xFFFF  }
0xbf: {  	[dreg:$0x0] =	wrdreg $0xFFFFFFFF;
	(pc) =	sbr.abs _section_cstart, $3  }
0xc0: {  	[dreg:$0x1] =	wrdreg $0xFFFFFFFF  }
0xc1: {  	_ =	task.clear_ibuf [dreg:s6], $0x2FFFF;
	_ =	strace $0x9FFFFFFF  }
0xc2: {  	(tm) =	ssettm $0x7FFFFFFF  }
0xc3: {  	_ =	shalt  }
tec
execute0_lowered:
.L_overlay_start_1:
0x0: {  	(tag) =	ssettag $0x1  }
0x1: {  	s5 =	rddreg [dreg:$0x0]  }
0x2: {  	s2 =	rddreg [dreg:$0x1]  }
0x3: {  	s0 =	rddreg [dreg:$0x2]  }
0x4: {  	s1 =	stileid.u32;
	s4 =	srdreg.scid  }
0x5: {  	s3 =	simm.s32 $0x0;
	s15 =	simm.s32 $0x14080;
	s16 =	simm.s32 $0x80  }
0x6: {  	s17 =	simm.s32 $0x14200;
	s18 =	simm.s32 $0x1;
	s6 =	smul.u32 $0x108, s1  }
0x7: {  	s19 =	simm.s32 $0x2;
	s7 =	sand.u32 $0x1, s4;
	s4 =	smul.u32 $0x194, s1  }
0x8: {  	s20 =	simm.s32 $0x14180;
	s21 =	simm.s32 $0x18200;
	s8 =	smul.u32 $0x14000, s1  }
0x9: {  	s22 =	simm.s32 $0x0;
	[smem:$0x7FF] =	sst s3;
	s28 =	smul.u32 $0x50000, s1  }
0xa: {  	s30 =	sshll.u32 s1, $0x6;
	p0 =	seq.s32 s7, $0x0;
	_ =	strace $0x80000050  }
0xb: {  	s9 =	smul.u32 $0x140000, s7;
	s7 =	ssub.s32 $0x2, s7;
	s6 =	sadd.s32 $0x1940, s6  }
0xc: {  	s26 =	sshrl.u32 s8, $0x3;
	s11 =	sshrl.u32 s7, $0x1;
	s29 =	sshrl.u32 s28, $0x2  }
0xd: {  	s6 =	smov.u32 @p0 s4;
	s4 =	sadd.s32 $0x7600, s5;
	s8 =	sadd.s32 s8, s9  }
0xe: {  	s11 =	ssub.s32 s7, s11;
	s13 =	sadd.s32 s29, s2;
	s6 =	sshll.u32 s6, $0x4  }
0xf: {  	s7 =	sor.u32 $0x1C03, s30;
	s8 =	sshrl.u32 s8, $0x3;
	s10 =	sadd.s32 s6, s5  }
0x10: {  	s6 =	sadd.s32 s26, s5;
	s12 =	sadd.s32 s8, s5;
	s5 =	simm.s32 $0x194  }
0x11: {  	s11 =	smax.u32 s11, $0x1;
	s6 =	sadd.s32 $0x14DE00, s6;
	s5 =	simm.s32 @!p0 $0x108  }
0x12: {  	s8 =	sadd.s32 $0xFA600, s10;
	s9 =	sadd.s32 $0x124200, s10;
	s14 =	sshll.u32 s5, $0x4  }
0x13: {  	s10 =	sadd.s32 $0x175E00, s12;
	s12 =	sshrl.u32 s13, $0x3;
	s31 =	sadd.s32 $0xFFFFFFE0, s14  }
0x14: {  	s13 =	simm.s32 $0x3;
	s14 =	simm.s32 $0x14000;
	[dreg:$0x3] =	wrdreg s31  }
.LBB2_1:
0x15: {  	[spmem:s12], [sflag:s7] =	dma.local [hbm:s6], $0x2800  }
0x16: {  	_ =	swait.ge [sflag:s13], $0x2800  }
0x17: {  	[sflag:s13] =	ssyncset.done $0x0  }
0x18: {  	[sflag:s13] =	ssyncadd.s32 $0xFFFFD800  }
0x19: {  	[bflag:$0x0] =	sbarrier.arrive $0xFFFF  }
0x1a: {  	[tilespmem:s14], [sflag:$0x3] =	stream.linear.gather [hbm4b:s8+s3], $0x80, $0x38;
	[tilespmem:$0x1C200] =	vst v63  }
0x1b: {  	_ =	swait.ge [sflag:s13], $0x80  }
0x1c: {  	[sflag:s13] =	ssyncset.done $0x0  }
0x1d: {  	[sflag:s13] =	ssyncadd.s32 $0xFFFFFF80  }
0x1e: {  	[tilespmem:s15], [sflag:$0x3] =	stream.linear.gather [hbm4b:s9+s3], $0x80, $0x38;
	[tilespmem:$0x1C200] =	vst v63  }
0x1f: {  	_ =	swait.ge [sflag:s13], $0x80  }
0x20: {  	[sflag:s13] =	ssyncset.done $0x0  }
0x21: {  	s24 =	simm.s32 $0x2;
	s23 =	simm.s32 $0x0;
	[sflag:s13] =	ssyncadd.s32 $0xFFFFFF80  }
0x22: {  	[tilespmem:s17], [sflag:$0x1] =	stream.indirect.gather [hbm4b:s4+s16], $0x80, s14, s16, $0xb8;
	[tilespmem:$0x1C200] =	vst v63  }
.LBB2_2:
0x23: {  	s25 =	sadd.s32 $0xFFFFFFFF, s24  }
0x24: {  	p0 =	sge.u32 s25, s5  }
0x25: {  	s25 =	sadd.s32 @!p0 s23, s8  }
0x26: {  	s26 =	simm.s32 @!p0 $0x0;
	s28 =	simm.s32 @!p0 $0x14100;
	s25 =	sadd.s32 @!p0 $0x10, s25  }
0x27: {  	[tilespmem:s28], [sflag:$0x3] =	stream.linear.gather @!p0 [hbm4b:s25+s26], $0x80, $0x38;
	[tilespmem:$0x1C200] =	vst v63  }
0x28: {  	s25 =	simm.s32 @!p0 $0x3  }
0x29: {  	_ =	swait.ge @!p0 [sflag:s25], $0x80  }
0x2a: {  	s29 =	sadd.s32 @!p0 s23, s9;
	[sflag:s25] =	ssyncset.done @!p0 $0x0  }
0x2b: {  	s30 =	simm.s32 @!p0 $0x14180;
	s29 =	sadd.s32 @!p0 $0x10, s29;
	[sflag:s25] =	ssyncadd.s32 @!p0 $0xFFFFFF80  }
0x2c: {  	[tilespmem:s30], [sflag:$0x3] =	stream.linear.gather @!p0 [hbm4b:s29+s26], $0x80, $0x38;
	[tilespmem:$0x1C200] =	vst v63  }
0x2d: {  	_ =	swait.ge @!p0 [sflag:s25], $0x80  }
0x2e: {  	[sflag:s25] =	ssyncset.done @!p0 $0x0  }
0x2f: {  	s26 =	simm.s32 @!p0 $0x18200;
	[sflag:s25] =	ssyncadd.s32 @!p0 $0xFFFFFF80;
	s25 =	simm.s32 @!p0 $0x80  }
0x30: {  	[tilespmem:s26], [sflag:$0x2] =	stream.indirect.gather @!p0 [hbm4b:s4+s25], $0x80, s28, s25, $0xb8;
	[tilespmem:$0x1C200] =	vst v63  }
0x31: {  	_ =	swait.ge [sflag:s18], $0x4000  }
0x32: {  	[sflag:s18] =	ssyncset.done $0x0  }
0x33: {  	[sflag:s18] =	ssyncadd.s32 $0xFFFFC000  }
0x34: {  	[spmem:s2] =	stream.indirect.scatter.add.f32 [tilespmem:s17], [sflag:$0x3], $0x80, s15, s16, $0xb8;
	[tilespmem:$0x1C200] =	vst v63  }
0x35: {  	p0 =	sge.u32 s24, s5;
	_ =	swait.ge [sflag:s13], $0x4000  }
0x36: {  	s25 =	sadd.s32 @!p0 s23, s8;
	s26 =	simm.s32 @!p0 $0x0;
	[sflag:s13] =	ssyncset.done $0x0  }
0x37: {  	s28 =	simm.s32 @!p0 $0x14000;
	s25 =	sadd.s32 @!p0 $0x20, s25;
	[sflag:s13] =	ssyncadd.s32 $0xFFFFC000  }
0x38: {  	[tilespmem:s28], [sflag:$0x3] =	stream.linear.gather @!p0 [hbm4b:s25+s26], $0x80, $0x38;
	[tilespmem:$0x1C200] =	vst v63  }
0x39: {  	s25 =	simm.s32 @!p0 $0x3  }
0x3a: {  	_ =	swait.ge @!p0 [sflag:s25], $0x80  }
0x3b: {  	s29 =	sadd.s32 @!p0 s23, s9;
	[sflag:s25] =	ssyncset.done @!p0 $0x0  }
0x3c: {  	s30 =	simm.s32 @!p0 $0x14080;
	s29 =	sadd.s32 @!p0 $0x20, s29;
	[sflag:s25] =	ssyncadd.s32 @!p0 $0xFFFFFF80  }
0x3d: {  	[tilespmem:s30], [sflag:$0x3] =	stream.linear.gather @!p0 [hbm4b:s29+s26], $0x80, $0x38;
	[tilespmem:$0x1C200] =	vst v63  }
0x3e: {  	_ =	swait.ge @!p0 [sflag:s25], $0x80  }
0x3f: {  	[sflag:s25] =	ssyncset.done @!p0 $0x0  }
0x40: {  	s26 =	simm.s32 @!p0 $0x14200;
	[sflag:s25] =	ssyncadd.s32 @!p0 $0xFFFFFF80;
	s25 =	simm.s32 @!p0 $0x80  }
0x41: {  	[tilespmem:s26], [sflag:$0x1] =	stream.indirect.gather @!p0 [hbm4b:s4+s25], $0x80, s28, s25, $0xb8;
	[tilespmem:$0x1C200] =	vst v63  }
0x42: {  	_ =	swait.ge [sflag:s19], $0x4000  }
0x43: {  	[sflag:s19] =	ssyncset.done $0x0  }
0x44: {  	[sflag:s19] =	ssyncadd.s32 $0xFFFFC000  }
0x45: {  	[spmem:s2] =	stream.indirect.scatter.add.f32 [tilespmem:s21], [sflag:$0x3], $0x80, s20, s16, $0xb8;
	[tilespmem:$0x1C200] =	vst v63  }
0x46: {  	_ =	swait.ge [sflag:s13], $0x4000  }
0x47: {  	s23 =	sadd.s32 $0x20, s23;
	s31 =	rddreg [dreg:$0x3]  }
0x48: {  	p0 =	sne.s32 s31, s23  }
.Ltmp0:
0x49: {  	_ = 	snop;
	(pc) =	sbr.rel @p0 .LBB2_2-.Ltmp0, $3  }
0x4a: {  	_ =	sdelay $0x1  }
0x4b: {  	[sflag:s13] =	ssyncset.done $0x0  }
0x4c: {  	s24 =	sadd.s32 $0x2, s24;
	[sflag:s13] =	ssyncadd.s32 $0xFFFFC000  }
0x4d: {  	s25 =	sadd.s32 $0xFFFFFFFF, s24  }
0x4e: {  	p0 =	sge.u32 s25, s5  }
0x4f: {  	s25 =	sadd.s32 @!p0 s23, s8  }
0x50: {  	s26 =	simm.s32 @!p0 $0x0;
	s28 =	simm.s32 @!p0 $0x14100;
	s25 =	sadd.s32 @!p0 $0x10, s25  }
0x51: {  	[tilespmem:s28], [sflag:$0x3] =	stream.linear.gather @!p0 [hbm4b:s25+s26], $0x80, $0x38;
	[tilespmem:$0x1C200] =	vst v63  }
0x52: {  	s25 =	simm.s32 @!p0 $0x3  }
0x53: {  	_ =	swait.ge @!p0 [sflag:s25], $0x80  }
0x54: {  	s29 =	sadd.s32 @!p0 s23, s9;
	[sflag:s25] =	ssyncset.done @!p0 $0x0  }
0x55: {  	s30 =	simm.s32 @!p0 $0x14180;
	s29 =	sadd.s32 @!p0 $0x10, s29;
	[sflag:s25] =	ssyncadd.s32 @!p0 $0xFFFFFF80  }
0x56: {  	[tilespmem:s30], [sflag:$0x3] =	stream.linear.gather @!p0 [hbm4b:s29+s26], $0x80, $0x38;
	[tilespmem:$0x1C200] =	vst v63  }
0x57: {  	_ =	swait.ge @!p0 [sflag:s25], $0x80  }
0x58: {  	[sflag:s25] =	ssyncset.done @!p0 $0x0  }
0x59: {  	s26 =	simm.s32 @!p0 $0x18200;
	[sflag:s25] =	ssyncadd.s32 @!p0 $0xFFFFFF80;
	s25 =	simm.s32 @!p0 $0x80  }
0x5a: {  	[tilespmem:s26], [sflag:$0x2] =	stream.indirect.gather @!p0 [hbm4b:s4+s25], $0x80, s28, s25, $0xb8;
	[tilespmem:$0x1C200] =	vst v63  }
0x5b: {  	_ =	swait.ge [sflag:s18], $0x4000  }
0x5c: {  	[sflag:s18] =	ssyncset.done $0x0  }
0x5d: {  	[sflag:s18] =	ssyncadd.s32 $0xFFFFC000  }
0x5e: {  	[spmem:s2] =	stream.indirect.scatter.add.f32 [tilespmem:s17], [sflag:$0x3], $0x80, s15, s16, $0xb8;
	[tilespmem:$0x1C200] =	vst v63  }
0x5f: {  	p0 =	sge.u32 s24, s5;
	_ =	swait.ge [sflag:s13], $0x4000  }
0x60: {  	s24 =	sadd.s32 @!p0 s23, s8;
	s25 =	simm.s32 @!p0 $0x0;
	[sflag:s13] =	ssyncset.done $0x0  }
0x61: {  	s26 =	simm.s32 @!p0 $0x14000;
	s24 =	sadd.s32 @!p0 $0x20, s24;
	[sflag:s13] =	ssyncadd.s32 $0xFFFFC000  }
0x62: {  	[tilespmem:s26], [sflag:$0x3] =	stream.linear.gather @!p0 [hbm4b:s24+s25], $0x80, $0x38;
	[tilespmem:$0x1C200] =	vst v63  }
0x63: {  	s24 =	simm.s32 @!p0 $0x3  }
0x64: {  	_ =	swait.ge @!p0 [sflag:s24], $0x80  }
0x65: {  	s23 =	sadd.s32 @!p0 s23, s9;
	[sflag:s24] =	ssyncset.done @!p0 $0x0  }
0x66: {  	s28 =	simm.s32 @!p0 $0x14080;
	s23 =	sadd.s32 @!p0 $0x20, s23;
	[sflag:s24] =	ssyncadd.s32 @!p0 $0xFFFFFF80  }
0x67: {  	[tilespmem:s28], [sflag:$0x3] =	stream.linear.gather @!p0 [hbm4b:s23+s25], $0x80, $0x38;
	[tilespmem:$0x1C200] =	vst v63  }
0x68: {  	_ =	swait.ge @!p0 [sflag:s24], $0x80  }
0x69: {  	[sflag:s24] =	ssyncset.done @!p0 $0x0  }
0x6a: {  	s23 =	simm.s32 @!p0 $0x80;
	[sflag:s24] =	ssyncadd.s32 @!p0 $0xFFFFFF80;
	s24 =	simm.s32 @!p0 $0x14200  }
0x6b: {  	[tilespmem:s24], [sflag:$0x1] =	stream.indirect.gather @!p0 [hbm4b:s4+s23], $0x80, s26, s23, $0xb8;
	[tilespmem:$0x1C200] =	vst v63  }
0x6c: {  	_ =	swait.ge [sflag:s19], $0x4000  }
0x6d: {  	[sflag:s19] =	ssyncset.done $0x0  }
0x6e: {  	[sflag:s19] =	ssyncadd.s32 $0xFFFFC000  }
0x6f: {  	[spmem:s2] =	stream.indirect.scatter.add.f32 [tilespmem:s21], [sflag:$0x3], $0x80, s20, s16, $0xb8;
	[tilespmem:$0x1C200] =	vst v63  }
0x70: {  	_ =	swait.ge [sflag:s13], $0x4000  }
0x71: {  	s22 =	sadd.s32 $0x1, s22;
	[sflag:s13] =	ssyncset.done $0x0  }
0x72: {  	p0 =	sne.s32 s22, s11;
	[sflag:s13] =	ssyncadd.s32 $0xFFFFC000  }
.Ltmp1:
0x73: {  	[bflag:$0x0] =	sbarrier.arrive $0xFFFF;
	(pc) =	sbr.rel @p0 .LBB2_1-.Ltmp1, $4  }
0x74: {  	[hbm:s10], [sflag:s7] =	dma.local [spmem:s12], $0x2800  }
0x75: {  	_ =	swait.ge [sflag:s13], $0x2800  }
0x76: {  	[sflag:s13] =	ssyncset.done $0x0  }
0x77: {  	[sflag:s13] =	ssyncadd.s32 $0xFFFFD800  }
0x78: {  	_ =	sfence.sel $0x180000  }
0x79: {  	[bflag:$0x0] =	sbarrier.arrive $0xFFFF  }
0x7a: {  	p0 =	sne.s32 s1, $0x0;
	_ =	strace $0x90000050  }
0x7b: {  	s0 =	sadd.s32 @!p0 $0x100000, s0;
	[bflag:$0x2] =	sbarrier.arrive $0xFFFF  }
0x7c: {  	[sflag:s0] =	ssyncadd.tile.s32 @!p0 $0x1;
	_ =	shalt  }
.Lfunc_end2:
_tile_overlayer_lowered:
.L_overlay_start_2:
0x7d: {  	(tag) =	ssettag $0x2  }
0x7e: {  	s0 =	rddreg [dreg:$0x0];
	s2 =	stileid.u32  }
0x7f: {  	s1 =	rddreg [dreg:$0x1];
	p0 =	sne.s32 s2, $0x0  }
0x80: {  	s3 =	rddreg [dreg:$0x2];
	[bflag:$0x3] =	sbarrier.arrive $0xFFFF;
	s2 =	simm.s32 @!p0 $0x1C03  }
0x81: {  	[timem:s3], [sflag:s2] =	dma.local @!p0 [hbm:s0], s1  }
0x82: {  	s0 =	simm.s32 @!p0 $0x3  }
0x83: {  	_ =	swait.ge @!p0 [sflag:s0], s1  }
0x84: {  	s1 =	ssub.s32 @!p0 $0x0, s1;
	[sflag:s0] =	ssyncset.done @!p0 $0x0  }
0x85: {  	[sflag:s0] =	ssyncadd.s32 @!p0 s1  }
0x86: {  	[bflag:$0x3] =	sbarrier.arrive $0xFFFF  }
0x87: {  	_ =	shalt  }

</sc_bundles>
